<compile_context>
chip_gen: v7x
topology: tpu7x:2x2x1
jax: 0.10.2.dev20260603
libtpu: 0.0.44.dev20260713+nightly
codegen_flags: <defaults>
</compile_context>

<pallas_src>
import jax
import jax.numpy as jnp
from jax import lax
from jax.experimental import pallas as pl
from jax.experimental.pallas import tpu as pltpu
from jax.experimental.pallas import tpu_sc as plsc

N_ROWS = 16384
N_COLS = 1000
BLOCK_ROWS = 2048
NUM_BLOCKS = N_ROWS // BLOCK_ROWS
NUM_BINS = 5
LANES = 16
INV_TOTAL = 1.0 / float(N_ROWS * N_COLS)
BIG_IDX = 2 ** 30
PART_ROWS = NUM_BINS * 3


def _tc_rowstats_body(x_ref, lab_ref, conf_ref, acc_ref, bits_ref, cnt_ref):
    x = x_ref[...]
    rowmax = jnp.max(x, axis=1)
    conf_ref[...] = rowmax
    col = lax.broadcasted_iota(jnp.int32, x.shape, 1)
    ismax = x == rowmax[:, None]
    pred = jnp.min(jnp.where(ismax, col, BIG_IDX), axis=1)
    acc_ref[...] = (pred == lab_ref[...]).astype(jnp.float32)
    ones_col = jnp.ones((N_COLS,), jnp.bfloat16)
    s = []
    for k in range(NUM_BINS + 1):
        ind = (x > jnp.float32(k)).astype(jnp.bfloat16)
        s.append(lax.dot_general(
            ind, ones_col, (((1,), (0,)), ((), ())),
            preferred_element_type=jnp.float32))
    bits = jnp.zeros((BLOCK_ROWS,), jnp.int32)
    lane = lax.broadcasted_iota(jnp.int32, (1, 1, LANES), 2)
    cnt_row = jnp.zeros((1, 1, LANES), jnp.float32)
    for k in range(NUM_BINS):
        ck = s[k] - s[k + 1]
        bits = bits | ((ck > 0.0).astype(jnp.int32) << k)
        cnt_row = cnt_row + jnp.where(lane == k, jnp.sum(ck), 0.0)
    bits_ref[...] = bits
    cnt_ref[...] = cnt_row


_stage1 = pl.pallas_call(
    _tc_rowstats_body,
    grid=(NUM_BLOCKS,),
    in_specs=[
        pl.BlockSpec((BLOCK_ROWS, N_COLS), lambda i: (i, 0)),
        pl.BlockSpec((BLOCK_ROWS,), lambda i: (i,)),
    ],
    out_specs=[
        pl.BlockSpec((BLOCK_ROWS,), lambda i: (i,)),
        pl.BlockSpec((BLOCK_ROWS,), lambda i: (i,)),
        pl.BlockSpec((BLOCK_ROWS,), lambda i: (i,)),
        pl.BlockSpec((1, 1, LANES), lambda i: (i, 0, 0)),
    ],
    out_shape=[
        jax.ShapeDtypeStruct((N_ROWS,), jnp.float32),
        jax.ShapeDtypeStruct((N_ROWS,), jnp.float32),
        jax.ShapeDtypeStruct((N_ROWS,), jnp.int32),
        jax.ShapeDtypeStruct((NUM_BLOCKS, 1, LANES), jnp.float32),
    ],
)


def _make_sc_body(num_subcores, rows_per_tile):
    n_chunks = rows_per_tile // LANES

    def body(conf_hbm, acc_hbm, bits_hbm, cnts_hbm, out_hbm,
             conf_v, acc_v, bits_v, cnts_v, part_v, gath_v, out_v,
             shared):
        c = lax.axis_index("c")
        s = lax.axis_index("s")
        base = s * rows_per_tile
        pltpu.sync_copy(conf_hbm.at[pl.ds(base, rows_per_tile)], conf_v)
        pltpu.sync_copy(acc_hbm.at[pl.ds(base, rows_per_tile)], acc_v)
        pltpu.sync_copy(bits_hbm.at[pl.ds(base, rows_per_tile)], bits_v)

        zero = jnp.zeros((LANES,), jnp.float32)

        def row_step(j, carry):
            off = pl.multiple_of(j * LANES, LANES)
            cf = conf_v[pl.ds(off, LANES)]
            ac = acc_v[pl.ds(off, LANES)]
            bt = bits_v[pl.ds(off, LANES)]
            out = []
            for k in range(NUM_BINS):
                cntk, ak, sk = carry[k]
                mf = ((bt >> k) & 1).astype(jnp.float32)
                out.append((cntk + mf, ak + mf * ac, sk + mf * cf))
            return tuple(out)

        init = tuple((zero, zero, zero) for _ in range(NUM_BINS))
        stats = lax.fori_loop(0, n_chunks, row_step, init)
        for k in range(NUM_BINS):
            cntk, ak, sk = stats[k]
            part_v[pl.ds((3 * k + 0) * LANES, LANES)] = cntk
            part_v[pl.ds((3 * k + 1) * LANES, LANES)] = ak
            part_v[pl.ds((3 * k + 2) * LANES, LANES)] = sk
        part_v[pl.ds(PART_ROWS * LANES, LANES)] = zero
        pltpu.sync_copy(part_v, shared.at[s])
        plsc.subcore_barrier()

        pltpu.sync_copy(shared, gath_v)
        for r in range(PART_ROWS):
            v = zero
            for t in range(num_subcores):
                v = v + gath_v[t, pl.ds(r * LANES, LANES)]
            part_v[pl.ds(r * LANES, LANES)] = v

        pltpu.sync_copy(cnts_hbm, cnts_v)

        def cnt_step(j, acc):
            off = pl.multiple_of(j * LANES, LANES)
            return acc + cnts_v[pl.ds(off, LANES)]

        ecnt = lax.fori_loop(0, NUM_BLOCKS, cnt_step, zero)

        def lane_sum(r):
            v = part_v[pl.ds(r * LANES, LANES)]
            t = v[0]
            for l in range(1, LANES):
                t = t + v[l]
            return t

        lane = lax.iota(jnp.int32, LANES)
        cntv, asumv, csumv = zero, zero, zero
        for k in range(NUM_BINS):
            lk = lane == k
            cntv = jnp.where(lk, lane_sum(3 * k + 0), cntv)
            asumv = jnp.where(lk, lane_sum(3 * k + 1), asumv)
            csumv = jnp.where(lk, lane_sum(3 * k + 2), csumv)

        safe = jnp.maximum(cntv, 1.0)
        accb = asumv / safe
        confb = csumv / safe
        term = jnp.abs(confb - accb) * (ecnt * jnp.float32(INV_TOTAL))
        term = jnp.where((ecnt > 0.0) & (lane < NUM_BINS), term, 0.0)
        ece = term[0]
        for k in range(1, NUM_BINS):
            ece = ece + term[k]
        out_v[...] = jnp.where(lane == 0, ece, 0.0)

        @pl.when(jnp.logical_and(c == 0, s == 0))
        def _():
            pltpu.sync_copy(out_v, out_hbm)

    return body


_stage2_cache = []


def _get_stage2():
    if not _stage2_cache:
        info = plsc.get_sparse_core_info()
        num_subcores = info.num_subcores
        rows_per_tile = N_ROWS // num_subcores
        _stage2_cache.append(pl.kernel(
            _make_sc_body(num_subcores, rows_per_tile),
            mesh=plsc.VectorSubcoreMesh(core_axis_name="c",
                                        subcore_axis_name="s",
                                        num_cores=1),
            out_type=jax.ShapeDtypeStruct((LANES,), jnp.float32),
            scratch_types=[
                pltpu.VMEM((rows_per_tile,), jnp.float32),
                pltpu.VMEM((rows_per_tile,), jnp.float32),
                pltpu.VMEM((rows_per_tile,), jnp.int32),
                pltpu.VMEM((NUM_BLOCKS * LANES,), jnp.float32),
                pltpu.VMEM(((PART_ROWS + 1) * LANES,), jnp.float32),
                pltpu.VMEM((num_subcores, (PART_ROWS + 1) * LANES),
                           jnp.float32),
                pltpu.VMEM((LANES,), jnp.float32),
                pltpu.VMEM_SHARED((num_subcores, (PART_ROWS + 1) * LANES),
                                  jnp.float32),
            ],
        ))
    return _stage2_cache[0]


def kernel(logits, labels):
    labels = labels.astype(jnp.int32)
    conf, acc, bits, cnts = _stage1(logits, labels)
    out = _get_stage2()(conf, acc, bits, cnts.reshape(NUM_BLOCKS * LANES))
    return out[:1]

# --- scband reference (transcript-rebuilt; emitter-appended) ---
"""Pipeline reference for scband-eceloss-logit-bins-37769942401409 (READ-ONLY COPY).

The authoritative reference and input builder live on the scoring server;
editing this copy changes nothing except your own understanding.
"""

import jax, jax.numpy as jnp
import numpy as np

N_BINS = 5
BIN_RANGES = [(i, i + 1) for i in range(N_BINS)]


def setup_inputs(seed: int = 0) -> dict:
    key = jax.random.key(seed)
    k1, k2 = jax.random.split(key)
    logits = jax.random.normal(k1, (16384, 1000), dtype=jnp.float32)
    labels = jax.random.randint(k2, (16384,), 0, 1000, dtype=jnp.int64)
    return {"logits": logits, "labels": labels}


def reference(logits, labels):
    # confidences, predictions = torch.max(logits, 1)
    confidences = jnp.max(logits, axis=1)
    predictions = jnp.argmax(logits, axis=1)
    accuracies = (predictions == labels)
    acc_f = accuracies.astype(jnp.float32)

    ece = jnp.zeros(1, dtype=logits.dtype)
    for bin_lower, bin_upper in BIN_RANGES:
        in_bin = (logits > bin_lower) & (logits <= bin_upper)
        in_bin_any = jnp.any(in_bin, axis=1)
        prop_in_bin = jnp.mean(in_bin.astype(jnp.float32))
        # Masked means over rows selected by in_bin_any (data-dependent
        # boolean indexing in torch -> masked sum / count in jax).
        cnt = jnp.sum(in_bin_any.astype(jnp.float32))
        safe_cnt = jnp.maximum(cnt, 1.0)
        accuracy_in_bin = jnp.sum(jnp.where(in_bin_any, acc_f, 0.0)) / safe_cnt
        avg_confidence_in_bin = jnp.sum(jnp.where(in_bin_any, confidences, 0.0)) / safe_cnt
        term = jnp.abs(avg_confidence_in_bin - accuracy_in_bin) * prop_in_bin
        # torch guard: if prop_in_bin.item() > 0
        ece = ece + jnp.where(prop_in_bin > 0, term, 0.0)
    return ece

if __name__ == "__main__":
    import jax
    _d = setup_inputs()
    print(jax.jit(kernel)(*tuple(_d.values())))

</pallas_src>

<mosaic_0001>
#map = affine_map<(d0, d1) -> (0)>
module attributes {stable_mosaic.version = 14 : i64} {
  func.func @body(%arg0: i32, %arg1: i32, %arg2: memref<16384xf32, #tpu.memory_space<hbm>>, %arg3: memref<16384xf32, #tpu.memory_space<hbm>>, %arg4: memref<16384xi32, #tpu.memory_space<hbm>>, %arg5: memref<128xf32, #tpu.memory_space<hbm>>, %arg6: memref<16xf32, #tpu.memory_space<hbm>>, %arg7: memref<1024xf32, #tpu.memory_space<vmem>>, %arg8: memref<1024xf32, #tpu.memory_space<vmem>>, %arg9: memref<1024xi32, #tpu.memory_space<vmem>>, %arg10: memref<128xf32, #tpu.memory_space<vmem>>, %arg11: memref<256xf32, #tpu.memory_space<vmem>>, %arg12: memref<16x256xf32, #tpu.memory_space<vmem>>, %arg13: memref<16xf32, #tpu.memory_space<vmem>>, %arg14: memref<16x256xf32, #tpu.memory_space<vmem_shared>>) attributes {dimension_semantics = [#tpu.dimension_semantics<core_parallel>, #tpu.dimension_semantics<subcore_parallel>], iteration_bounds = array<i64: 1, 16>, scalar_prefetch = 0 : i64, scratch_operands = 8 : i64, tpu.core_type = #tpu.core_type<sc_vector_subcore>, window_params = [{transform_indices = #map}, {transform_indices = #map}, {transform_indices = #map}, {transform_indices = #map}, {transform_indices = #map}]} {
    %mul3A = arith.constant 1024 : i32
    %mul3A_0 = arith.muli %arg1, %mul3A : i32
    "tpu.region"() ({
      %run_scoped3A = tpu.sem_alloc : memref<!tpu.dma_semaphore, #tpu.memory_space<semaphore_mem>>
      %dma_start3A = tpu.memref_slice %arg2[%mul3A_0] : memref<16384xf32, #tpu.memory_space<hbm>> -> memref<1024xf32, #tpu.memory_space<hbm>>
      %dma_start3A_2409 = tpu.memref_slice %arg2[%mul3A_0] : memref<16384xf32, #tpu.memory_space<hbm>> -> memref<1024xf32, #tpu.memory_space<hbm>>
      tpu.enqueue_dma source(%dma_start3A_2409 : memref<1024xf32, #tpu.memory_space<hbm>>) target(%arg7 : memref<1024xf32, #tpu.memory_space<vmem>>) target_semaphore(%run_scoped3A : memref<!tpu.dma_semaphore, #tpu.memory_space<semaphore_mem>>)
      %dma_wait3A = tpu.memref_slice %arg2[%mul3A_0] : memref<16384xf32, #tpu.memory_space<hbm>> -> memref<1024xf32, #tpu.memory_space<hbm>>
      %dma_wait3A_2410 = tpu.memref_slice %arg2[%mul3A_0] : memref<16384xf32, #tpu.memory_space<hbm>> -> memref<1024xf32, #tpu.memory_space<hbm>>
      tpu.wait_dma2 semaphore(%run_scoped3A : memref<!tpu.dma_semaphore, #tpu.memory_space<semaphore_mem>>) src(%dma_wait3A_2410 : memref<1024xf32, #tpu.memory_space<hbm>>) dst(%arg7 : memref<1024xf32, #tpu.memory_space<vmem>>)
      tpu.yield
    }) : () -> ()
    "tpu.region"() ({
      %run_scoped3A = tpu.sem_alloc : memref<!tpu.dma_semaphore, #tpu.memory_space<semaphore_mem>>
      %dma_start3A = tpu.memref_slice %arg3[%mul3A_0] : memref<16384xf32, #tpu.memory_space<hbm>> -> memref<1024xf32, #tpu.memory_space<hbm>>
      %dma_start3A_2409 = tpu.memref_slice %arg3[%mul3A_0] : memref<16384xf32, #tpu.memory_space<hbm>> -> memref<1024xf32, #tpu.memory_space<hbm>>
      tpu.enqueue_dma source(%dma_start3A_2409 : memref<1024xf32, #tpu.memory_space<hbm>>) target(%arg8 : memref<1024xf32, #tpu.memory_space<vmem>>) target_semaphore(%run_scoped3A : memref<!tpu.dma_semaphore, #tpu.memory_space<semaphore_mem>>)
      %dma_wait3A = tpu.memref_slice %arg3[%mul3A_0] : memref<16384xf32, #tpu.memory_space<hbm>> -> memref<1024xf32, #tpu.memory_space<hbm>>
      %dma_wait3A_2410 = tpu.memref_slice %arg3[%mul3A_0] : memref<16384xf32, #tpu.memory_space<hbm>> -> memref<1024xf32, #tpu.memory_space<hbm>>
      tpu.wait_dma2 semaphore(%run_scoped3A : memref<!tpu.dma_semaphore, #tpu.memory_space<semaphore_mem>>) src(%dma_wait3A_2410 : memref<1024xf32, #tpu.memory_space<hbm>>) dst(%arg8 : memref<1024xf32, #tpu.memory_space<vmem>>)
      tpu.yield
    }) : () -> ()
    "tpu.region"() ({
      %run_scoped3A = tpu.sem_alloc : memref<!tpu.dma_semaphore, #tpu.memory_space<semaphore_mem>>
      %dma_start3A = tpu.memref_slice %arg4[%mul3A_0] : memref<16384xi32, #tpu.memory_space<hbm>> -> memref<1024xi32, #tpu.memory_space<hbm>>
      %dma_start3A_2409 = tpu.memref_slice %arg4[%mul3A_0] : memref<16384xi32, #tpu.memory_space<hbm>> -> memref<1024xi32, #tpu.memory_space<hbm>>
      tpu.enqueue_dma source(%dma_start3A_2409 : memref<1024xi32, #tpu.memory_space<hbm>>) target(%arg9 : memref<1024xi32, #tpu.memory_space<vmem>>) target_semaphore(%run_scoped3A : memref<!tpu.dma_semaphore, #tpu.memory_space<semaphore_mem>>)
      %dma_wait3A = tpu.memref_slice %arg4[%mul3A_0] : memref<16384xi32, #tpu.memory_space<hbm>> -> memref<1024xi32, #tpu.memory_space<hbm>>
      %dma_wait3A_2410 = tpu.memref_slice %arg4[%mul3A_0] : memref<16384xi32, #tpu.memory_space<hbm>> -> memref<1024xi32, #tpu.memory_space<hbm>>
      tpu.wait_dma2 semaphore(%run_scoped3A : memref<!tpu.dma_semaphore, #tpu.memory_space<semaphore_mem>>) src(%dma_wait3A_2410 : memref<1024xi32, #tpu.memory_space<hbm>>) dst(%arg9 : memref<1024xi32, #tpu.memory_space<vmem>>)
      tpu.yield
    }) : () -> ()
    %broadcast_in_dim3A = arith.constant 0.000000e+00 : f32
    %broadcast_in_dim3A_1 = vector.broadcast %broadcast_in_dim3A : f32 to vector<16xf32>
    %scan3A = arith.constant 0 : i32
    %scan3A_2 = arith.constant 64 : i32
    %scan3A_3 = arith.addi %scan3A, %scan3A_2 : i32
    %scan3A_4 = arith.constant 1 : i32
    %scan3A_5:15 = scf.for %scan3A_2409 = %scan3A to %scan3A_3 step %scan3A_4 iter_args(%scan3A_2410 = %broadcast_in_dim3A_1, %scan3A_2411 = %broadcast_in_dim3A_1, %scan3A_2412 = %broadcast_in_dim3A_1, %scan3A_2413 = %broadcast_in_dim3A_1, %scan3A_2414 = %broadcast_in_dim3A_1, %scan3A_2415 = %broadcast_in_dim3A_1, %scan3A_2416 = %broadcast_in_dim3A_1, %scan3A_2417 = %broadcast_in_dim3A_1, %scan3A_2418 = %broadcast_in_dim3A_1, %scan3A_2419 = %broadcast_in_dim3A_1, %scan3A_2420 = %broadcast_in_dim3A_1, %scan3A_2421 = %broadcast_in_dim3A_1, %scan3A_2422 = %broadcast_in_dim3A_1, %scan3A_2423 = %broadcast_in_dim3A_1, %scan3A_2424 = %broadcast_in_dim3A_1) -> (vector<16xf32>, vector<16xf32>, vector<16xf32>, vector<16xf32>, vector<16xf32>, vector<16xf32>, vector<16xf32>, vector<16xf32>, vector<16xf32>, vector<16xf32>, vector<16xf32>, vector<16xf32>, vector<16xf32>, vector<16xf32>, vector<16xf32>)  : i32 {
      %mul3A_2425 = arith.constant 16 : i32
      %mul3A_2426 = arith.muli %scan3A_2409, %mul3A_2425 : i32
      %multiple_of3A = tpu.assume_multiple %mul3A_2426, 16 : i32
      %get3A_2427 = arith.index_cast %multiple_of3A : i32 to index
      %get3A_2428 = tpu.vector_load %arg7[%get3A_2427] {strides = array<i32>} : memref<1024xf32, #tpu.memory_space<vmem>>, vector<16xf32>,
      %get3A_2429 = vector.shape_cast %get3A_2428 : vector<16xf32> to vector<16xf32>
      %get3A_2430 = arith.index_cast %multiple_of3A : i32 to index
      %get3A_2431 = tpu.vector_load %arg8[%get3A_2430] {strides = array<i32>} : memref<1024xf32, #tpu.memory_space<vmem>>, vector<16xf32>,
      %get3A_2432 = vector.shape_cast %get3A_2431 : vector<16xf32> to vector<16xf32>
      %get3A_2433 = arith.index_cast %multiple_of3A : i32 to index
      %get3A_2434 = tpu.vector_load %arg9[%get3A_2433] {strides = array<i32>} : memref<1024xi32, #tpu.memory_space<vmem>>, vector<16xi32>,
      %get3A_2435 = vector.shape_cast %get3A_2434 : vector<16xi32> to vector<16xi32>
      %shift_right_arithmetic3A = arith.constant 0 : i32
      %shift_right_arithmetic3A_2436 = vector.broadcast %shift_right_arithmetic3A : i32 to vector<16xi32>
      %shift_right_arithmetic3A_2437 = arith.shrsi %get3A_2435, %shift_right_arithmetic3A_2436 : vector<16xi32>
      %and3A_2438 = arith.constant 1 : i32
      %and3A_2439 = vector.broadcast %and3A_2438 : i32 to vector<16xi32>
      %and3A_2440 = arith.andi %shift_right_arithmetic3A_2437, %and3A_2439 : vector<16xi32>
      %convert_element_type3A_2441 = arith.sitofp %and3A_2440 : vector<16xi32> to vector<16xf32>
      %add3A_2442 = arith.addf %scan3A_2410, %convert_element_type3A_2441 : vector<16xf32>
      %mul3A_2443 = arith.mulf %convert_element_type3A_2441, %get3A_2432 : vector<16xf32>
      %add3A_2444 = arith.addf %scan3A_2411, %mul3A_2443 : vector<16xf32>
      %mul3A_2445 = arith.mulf %convert_element_type3A_2441, %get3A_2429 : vector<16xf32>
      %add3A_2446 = arith.addf %scan3A_2412, %mul3A_2445 : vector<16xf32>
      %shift_right_arithmetic3A_2447 = arith.constant 1 : i32
      %shift_right_arithmetic3A_2448 = vector.broadcast %shift_right_arithmetic3A_2447 : i32 to vector<16xi32>
      %shift_right_arithmetic3A_2449 = arith.shrsi %get3A_2435, %shift_right_arithmetic3A_2448 : vector<16xi32>
      %and3A_2450 = arith.constant 1 : i32
      %and3A_2451 = vector.broadcast %and3A_2450 : i32 to vector<16xi32>
      %and3A_2452 = arith.andi %shift_right_arithmetic3A_2449, %and3A_2451 : vector<16xi32>
      %convert_element_type3A_2453 = arith.sitofp %and3A_2452 : vector<16xi32> to vector<16xf32>
      %add3A_2454 = arith.addf %scan3A_2413, %convert_element_type3A_2453 : vector<16xf32>
      %mul3A_2455 = arith.mulf %convert_element_type3A_2453, %get3A_2432 : vector<16xf32>
      %add3A_2456 = arith.addf %scan3A_2414, %mul3A_2455 : vector<16xf32>
      %mul3A_2457 = arith.mulf %convert_element_type3A_2453, %get3A_2429 : vector<16xf32>
      %add3A_2458 = arith.addf %scan3A_2415, %mul3A_2457 : vector<16xf32>
      %shift_right_arithmetic3A_2459 = arith.constant 2 : i32
      %shift_right_arithmetic3A_2460 = vector.broadcast %shift_right_arithmetic3A_2459 : i32 to vector<16xi32>
      %shift_right_arithmetic3A_2461 = arith.shrsi %get3A_2435, %shift_right_arithmetic3A_2460 : vector<16xi32>
      %and3A_2462 = arith.constant 1 : i32
      %and3A_2463 = vector.broadcast %and3A_2462 : i32 to vector<16xi32>
      %and3A_2464 = arith.andi %shift_right_arithmetic3A_2461, %and3A_2463 : vector<16xi32>
      %convert_element_type3A_2465 = arith.sitofp %and3A_2464 : vector<16xi32> to vector<16xf32>
      %add3A_2466 = arith.addf %scan3A_2416, %convert_element_type3A_2465 : vector<16xf32>
      %mul3A_2467 = arith.mulf %convert_element_type3A_2465, %get3A_2432 : vector<16xf32>
      %add3A_2468 = arith.addf %scan3A_2417, %mul3A_2467 : vector<16xf32>
      %mul3A_2469 = arith.mulf %convert_element_type3A_2465, %get3A_2429 : vector<16xf32>
      %add3A_2470 = arith.addf %scan3A_2418, %mul3A_2469 : vector<16xf32>
      %shift_right_arithmetic3A_2471 = arith.constant 3 : i32
      %shift_right_arithmetic3A_2472 = vector.broadcast %shift_right_arithmetic3A_2471 : i32 to vector<16xi32>
      %shift_right_arithmetic3A_2473 = arith.shrsi %get3A_2435, %shift_right_arithmetic3A_2472 : vector<16xi32>
      %and3A_2474 = arith.constant 1 : i32
      %and3A_2475 = vector.broadcast %and3A_2474 : i32 to vector<16xi32>
      %and3A_2476 = arith.andi %shift_right_arithmetic3A_2473, %and3A_2475 : vector<16xi32>
      %convert_element_type3A_2477 = arith.sitofp %and3A_2476 : vector<16xi32> to vector<16xf32>
      %add3A_2478 = arith.addf %scan3A_2419, %convert_element_type3A_2477 : vector<16xf32>
      %mul3A_2479 = arith.mulf %convert_element_type3A_2477, %get3A_2432 : vector<16xf32>
      %add3A_2480 = arith.addf %scan3A_2420, %mul3A_2479 : vector<16xf32>
      %mul3A_2481 = arith.mulf %convert_element_type3A_2477, %get3A_2429 : vector<16xf32>
      %add3A_2482 = arith.addf %scan3A_2421, %mul3A_2481 : vector<16xf32>
      %shift_right_arithmetic3A_2483 = arith.constant 4 : i32
      %shift_right_arithmetic3A_2484 = vector.broadcast %shift_right_arithmetic3A_2483 : i32 to vector<16xi32>
      %shift_right_arithmetic3A_2485 = arith.shrsi %get3A_2435, %shift_right_arithmetic3A_2484 : vector<16xi32>
      %and3A_2486 = arith.constant 1 : i32
      %and3A_2487 = vector.broadcast %and3A_2486 : i32 to vector<16xi32>
      %and3A_2488 = arith.andi %shift_right_arithmetic3A_2485, %and3A_2487 : vector<16xi32>
      %convert_element_type3A_2489 = arith.sitofp %and3A_2488 : vector<16xi32> to vector<16xf32>
      %add3A_2490 = arith.addf %scan3A_2422, %convert_element_type3A_2489 : vector<16xf32>
      %mul3A_2491 = arith.mulf %convert_element_type3A_2489, %get3A_2432 : vector<16xf32>
      %add3A_2492 = arith.addf %scan3A_2423, %mul3A_2491 : vector<16xf32>
      %mul3A_2493 = arith.mulf %convert_element_type3A_2489, %get3A_2429 : vector<16xf32>
      %add3A_2494 = arith.addf %scan3A_2424, %mul3A_2493 : vector<16xf32>
      scf.yield %add3A_2442, %add3A_2444, %add3A_2446, %add3A_2454, %add3A_2456, %add3A_2458, %add3A_2466, %add3A_2468, %add3A_2470, %add3A_2478, %add3A_2480, %add3A_2482, %add3A_2490, %add3A_2492, %add3A_2494 : vector<16xf32>, vector<16xf32>, vector<16xf32>, vector<16xf32>, vector<16xf32>, vector<16xf32>, vector<16xf32>, vector<16xf32>, vector<16xf32>, vector<16xf32>, vector<16xf32>, vector<16xf32>, vector<16xf32>, vector<16xf32>, vector<16xf32>
    }
    %scan3A_6 = arith.constant 64 : i32
    %swap3A = arith.constant 0 : index
    %swap3A_7 = tpu.vector_load %arg11[%swap3A] {strides = array<i32>} : memref<256xf32, #tpu.memory_space<vmem>>, vector<16xf32>,
    %swap3A_8 = vector.shape_cast %swap3A_7 : vector<16xf32> to vector<16xf32>
    %swap3A_9 = vector.shape_cast %scan3A_5#0 : vector<16xf32> to vector<16xf32>
    tpu.vector_store %arg11[%swap3A], %swap3A_9 {strides = array<i32>} : memref<256xf32, #tpu.memory_space<vmem>>, vector<16xf32>,
    %swap3A_10 = arith.constant 16 : index
    %swap3A_11 = tpu.vector_load %arg11[%swap3A_10] {strides = array<i32>} : memref<256xf32, #tpu.memory_space<vmem>>, vector<16xf32>,
    %swap3A_12 = vector.shape_cast %swap3A_11 : vector<16xf32> to vector<16xf32>
    %swap3A_13 = vector.shape_cast %scan3A_5#1 : vector<16xf32> to vector<16xf32>
    tpu.vector_store %arg11[%swap3A_10], %swap3A_13 {strides = array<i32>} : memref<256xf32, #tpu.memory_space<vmem>>, vector<16xf32>,
    %swap3A_14 = arith.constant 32 : index
    %swap3A_15 = tpu.vector_load %arg11[%swap3A_14] {strides = array<i32>} : memref<256xf32, #tpu.memory_space<vmem>>, vector<16xf32>,
    %swap3A_16 = vector.shape_cast %swap3A_15 : vector<16xf32> to vector<16xf32>
    %swap3A_17 = vector.shape_cast %scan3A_5#2 : vector<16xf32> to vector<16xf32>
    tpu.vector_store %arg11[%swap3A_14], %swap3A_17 {strides = array<i32>} : memref<256xf32, #tpu.memory_space<vmem>>, vector<16xf32>,
    %swap3A_18 = arith.constant 48 : index
    %swap3A_19 = tpu.vector_load %arg11[%swap3A_18] {strides = array<i32>} : memref<256xf32, #tpu.memory_space<vmem>>, vector<16xf32>,
    %swap3A_20 = vector.shape_cast %swap3A_19 : vector<16xf32> to vector<16xf32>
    %swap3A_21 = vector.shape_cast %scan3A_5#3 : vector<16xf32> to vector<16xf32>
    tpu.vector_store %arg11[%swap3A_18], %swap3A_21 {strides = array<i32>} : memref<256xf32, #tpu.memory_space<vmem>>, vector<16xf32>,
    %swap3A_22 = arith.constant 64 : index
    %swap3A_23 = tpu.vector_load %arg11[%swap3A_22] {strides = array<i32>} : memref<256xf32, #tpu.memory_space<vmem>>, vector<16xf32>,
    %swap3A_24 = vector.shape_cast %swap3A_23 : vector<16xf32> to vector<16xf32>
    %swap3A_25 = vector.shape_cast %scan3A_5#4 : vector<16xf32> to vector<16xf32>
    tpu.vector_store %arg11[%swap3A_22], %swap3A_25 {strides = array<i32>} : memref<256xf32, #tpu.memory_space<vmem>>, vector<16xf32>,
    %swap3A_26 = arith.constant 80 : index
    %swap3A_27 = tpu.vector_load %arg11[%swap3A_26] {strides = array<i32>} : memref<256xf32, #tpu.memory_space<vmem>>, vector<16xf32>,
    %swap3A_28 = vector.shape_cast %swap3A_27 : vector<16xf32> to vector<16xf32>
    %swap3A_29 = vector.shape_cast %scan3A_5#5 : vector<16xf32> to vector<16xf32>
    tpu.vector_store %arg11[%swap3A_26], %swap3A_29 {strides = array<i32>} : memref<256xf32, #tpu.memory_space<vmem>>, vector<16xf32>,
    %swap3A_30 = arith.constant 96 : index
    %swap3A_31 = tpu.vector_load %arg11[%swap3A_30] {strides = array<i32>} : memref<256xf32, #tpu.memory_space<vmem>>, vector<16xf32>,
    %swap3A_32 = vector.shape_cast %swap3A_31 : vector<16xf32> to vector<16xf32>
    %swap3A_33 = vector.shape_cast %scan3A_5#6 : vector<16xf32> to vector<16xf32>
    tpu.vector_store %arg11[%swap3A_30], %swap3A_33 {strides = array<i32>} : memref<256xf32, #tpu.memory_space<vmem>>, vector<16xf32>,
    %swap3A_34 = arith.constant 112 : index
    %swap3A_35 = tpu.vector_load %arg11[%swap3A_34] {strides = array<i32>} : memref<256xf32, #tpu.memory_space<vmem>>, vector<16xf32>,
    %swap3A_36 = vector.shape_cast %swap3A_35 : vector<16xf32> to vector<16xf32>
    %swap3A_37 = vector.shape_cast %scan3A_5#7 : vector<16xf32> to vector<16xf32>
    tpu.vector_store %arg11[%swap3A_34], %swap3A_37 {strides = array<i32>} : memref<256xf32, #tpu.memory_space<vmem>>, vector<16xf32>,
    %swap3A_38 = arith.constant 128 : index
    %swap3A_39 = tpu.vector_load %arg11[%swap3A_38] {strides = array<i32>} : memref<256xf32, #tpu.memory_space<vmem>>, vector<16xf32>,
    %swap3A_40 = vector.shape_cast %swap3A_39 : vector<16xf32> to vector<16xf32>
    %swap3A_41 = vector.shape_cast %scan3A_5#8 : vector<16xf32> to vector<16xf32>
    tpu.vector_store %arg11[%swap3A_38], %swap3A_41 {strides = array<i32>} : memref<256xf32, #tpu.memory_space<vmem>>, vector<16xf32>,
    %swap3A_42 = arith.constant 144 : index
    %swap3A_43 = tpu.vector_load %arg11[%swap3A_42] {strides = array<i32>} : memref<256xf32, #tpu.memory_space<vmem>>, vector<16xf32>,
    %swap3A_44 = vector.shape_cast %swap3A_43 : vector<16xf32> to vector<16xf32>
    %swap3A_45 = vector.shape_cast %scan3A_5#9 : vector<16xf32> to vector<16xf32>
    tpu.vector_store %arg11[%swap3A_42], %swap3A_45 {strides = array<i32>} : memref<256xf32, #tpu.memory_space<vmem>>, vector<16xf32>,
    %swap3A_46 = arith.constant 160 : index
    %swap3A_47 = tpu.vector_load %arg11[%swap3A_46] {strides = array<i32>} : memref<256xf32, #tpu.memory_space<vmem>>, vector<16xf32>,
    %swap3A_48 = vector.shape_cast %swap3A_47 : vector<16xf32> to vector<16xf32>
    %swap3A_49 = vector.shape_cast %scan3A_5#10 : vector<16xf32> to vector<16xf32>
    tpu.vector_store %arg11[%swap3A_46], %swap3A_49 {strides = array<i32>} : memref<256xf32, #tpu.memory_space<vmem>>, vector<16xf32>,
    %swap3A_50 = arith.constant 176 : index
    %swap3A_51 = tpu.vector_load %arg11[%swap3A_50] {strides = array<i32>} : memref<256xf32, #tpu.memory_space<vmem>>, vector<16xf32>,
    %swap3A_52 = vector.shape_cast %swap3A_51 : vector<16xf32> to vector<16xf32>
    %swap3A_53 = vector.shape_cast %scan3A_5#11 : vector<16xf32> to vector<16xf32>
    tpu.vector_store %arg11[%swap3A_50], %swap3A_53 {strides = array<i32>} : memref<256xf32, #tpu.memory_space<vmem>>, vector<16xf32>,
    %swap3A_54 = arith.constant 192 : index
    %swap3A_55 = tpu.vector_load %arg11[%swap3A_54] {strides = array<i32>} : memref<256xf32, #tpu.memory_space<vmem>>, vector<16xf32>,
    %swap3A_56 = vector.shape_cast %swap3A_55 : vector<16xf32> to vector<16xf32>
    %swap3A_57 = vector.shape_cast %scan3A_5#12 : vector<16xf32> to vector<16xf32>
    tpu.vector_store %arg11[%swap3A_54], %swap3A_57 {strides = array<i32>} : memref<256xf32, #tpu.memory_space<vmem>>, vector<16xf32>,
    %swap3A_58 = arith.constant 208 : index
    %swap3A_59 = tpu.vector_load %arg11[%swap3A_58] {strides = array<i32>} : memref<256xf32, #tpu.memory_space<vmem>>, vector<16xf32>,
    %swap3A_60 = vector.shape_cast %swap3A_59 : vector<16xf32> to vector<16xf32>
    %swap3A_61 = vector.shape_cast %scan3A_5#13 : vector<16xf32> to vector<16xf32>
    tpu.vector_store %arg11[%swap3A_58], %swap3A_61 {strides = array<i32>} : memref<256xf32, #tpu.memory_space<vmem>>, vector<16xf32>,
    %swap3A_62 = arith.constant 224 : index
    %swap3A_63 = tpu.vector_load %arg11[%swap3A_62] {strides = array<i32>} : memref<256xf32, #tpu.memory_space<vmem>>, vector<16xf32>,
    %swap3A_64 = vector.shape_cast %swap3A_63 : vector<16xf32> to vector<16xf32>
    %swap3A_65 = vector.shape_cast %scan3A_5#14 : vector<16xf32> to vector<16xf32>
    tpu.vector_store %arg11[%swap3A_62], %swap3A_65 {strides = array<i32>} : memref<256xf32, #tpu.memory_space<vmem>>, vector<16xf32>,
    %swap3A_66 = arith.constant 240 : index
    %swap3A_67 = tpu.vector_load %arg11[%swap3A_66] {strides = array<i32>} : memref<256xf32, #tpu.memory_space<vmem>>, vector<16xf32>,
    %swap3A_68 = vector.shape_cast %swap3A_67 : vector<16xf32> to vector<16xf32>
    %swap3A_69 = vector.shape_cast %broadcast_in_dim3A_1 : vector<16xf32> to vector<16xf32>
    tpu.vector_store %arg11[%swap3A_66], %swap3A_69 {strides = array<i32>} : memref<256xf32, #tpu.memory_space<vmem>>, vector<16xf32>,
    "tpu.region"() ({
      %run_scoped3A = tpu.sem_alloc : memref<!tpu.dma_semaphore, #tpu.memory_space<semaphore_mem>>
      %dma_start3A = arith.constant 0 : i32
      %dma_start3A_2409 = tpu.memref_slice %arg14[%arg1, %dma_start3A] : memref<16x256xf32, #tpu.memory_space<vmem_shared>> -> memref<1x256xf32, #tpu.memory_space<vmem_shared>>
      %dma_start3A_2410 = tpu.memref_squeeze %dma_start3A_2409 : memref<1x256xf32, #tpu.memory_space<vmem_shared>> -> memref<256xf32, #tpu.memory_space<vmem_shared>>
      %dma_start3A_2411 = arith.constant 0 : i32
      %dma_start3A_2412 = tpu.memref_slice %arg14[%arg1, %dma_start3A_2411] : memref<16x256xf32, #tpu.memory_space<vmem_shared>> -> memref<1x256xf32, #tpu.memory_space<vmem_shared>>
      %dma_start3A_2413 = tpu.memref_squeeze %dma_start3A_2412 : memref<1x256xf32, #tpu.memory_space<vmem_shared>> -> memref<256xf32, #tpu.memory_space<vmem_shared>>
      tpu.enqueue_dma source(%arg11 : memref<256xf32, #tpu.memory_space<vmem>>) target(%dma_start3A_2413 : memref<256xf32, #tpu.memory_space<vmem_shared>>) target_semaphore(%run_scoped3A : memref<!tpu.dma_semaphore, #tpu.memory_space<semaphore_mem>>)
      %dma_wait3A = arith.constant 0 : i32
      %dma_wait3A_2414 = tpu.memref_slice %arg14[%arg1, %dma_wait3A] : memref<16x256xf32, #tpu.memory_space<vmem_shared>> -> memref<1x256xf32, #tpu.memory_space<vmem_shared>>
      %dma_wait3A_2415 = tpu.memref_squeeze %dma_wait3A_2414 : memref<1x256xf32, #tpu.memory_space<vmem_shared>> -> memref<256xf32, #tpu.memory_space<vmem_shared>>
      %dma_wait3A_2416 = arith.constant 0 : i32
      %dma_wait3A_2417 = tpu.memref_slice %arg14[%arg1, %dma_wait3A_2416] : memref<16x256xf32, #tpu.memory_space<vmem_shared>> -> memref<1x256xf32, #tpu.memory_space<vmem_shared>>
      %dma_wait3A_2418 = tpu.memref_squeeze %dma_wait3A_2417 : memref<1x256xf32, #tpu.memory_space<vmem_shared>> -> memref<256xf32, #tpu.memory_space<vmem_shared>>
      tpu.wait_dma2 semaphore(%run_scoped3A : memref<!tpu.dma_semaphore, #tpu.memory_space<semaphore_mem>>) src(%arg11 : memref<256xf32, #tpu.memory_space<vmem>>) dst(%dma_wait3A_2418 : memref<256xf32, #tpu.memory_space<vmem_shared>>)
      tpu.yield
    }) : () -> ()
    %barrier3A = arith.constant 0 : index
    tpu.barrier barrier_id(%barrier3A)
    "tpu.region"() ({
      %run_scoped3A = tpu.sem_alloc : memref<!tpu.dma_semaphore, #tpu.memory_space<semaphore_mem>>
      tpu.enqueue_dma source(%arg14 : memref<16x256xf32, #tpu.memory_space<vmem_shared>>) target(%arg12 : memref<16x256xf32, #tpu.memory_space<vmem>>) target_semaphore(%run_scoped3A : memref<!tpu.dma_semaphore, #tpu.memory_space<semaphore_mem>>)
      tpu.wait_dma2 semaphore(%run_scoped3A : memref<!tpu.dma_semaphore, #tpu.memory_space<semaphore_mem>>) src(%arg14 : memref<16x256xf32, #tpu.memory_space<vmem_shared>>) dst(%arg12 : memref<16x256xf32, #tpu.memory_space<vmem>>)
      tpu.yield
    }) : () -> ()
    %get3A = arith.constant 0 : i32
    %get3A_70 = arith.index_cast %get3A : i32 to index
    %get3A_71 = arith.constant 0 : index
    %get3A_72 = tpu.vector_load %arg12[%get3A_70, %get3A_71] {strides = array<i32>} : memref<16x256xf32, #tpu.memory_space<vmem>>, vector<1x16xf32>,
    %get3A_73 = vector.shape_cast %get3A_72 : vector<1x16xf32> to vector<16xf32>
    %add3A = arith.addf %broadcast_in_dim3A_1, %get3A_73 : vector<16xf32>
    %get3A_74 = arith.constant 1 : i32
    %get3A_75 = arith.index_cast %get3A_74 : i32 to index
    %get3A_76 = arith.constant 0 : index
    %get3A_77 = tpu.vector_load %arg12[%get3A_75, %get3A_76] {strides = array<i32>} : memref<16x256xf32, #tpu.memory_space<vmem>>, vector<1x16xf32>,
    %get3A_78 = vector.shape_cast %get3A_77 : vector<1x16xf32> to vector<16xf32>
    %add3A_79 = arith.addf %add3A, %get3A_78 : vector<16xf32>
    %get3A_80 = arith.constant 2 : i32
    %get3A_81 = arith.index_cast %get3A_80 : i32 to index
    %get3A_82 = arith.constant 0 : index
    %get3A_83 = tpu.vector_load %arg12[%get3A_81, %get3A_82] {strides = array<i32>} : memref<16x256xf32, #tpu.memory_space<vmem>>, vector<1x16xf32>,
    %get3A_84 = vector.shape_cast %get3A_83 : vector<1x16xf32> to vector<16xf32>
    %add3A_85 = arith.addf %add3A_79, %get3A_84 : vector<16xf32>
    %get3A_86 = arith.constant 3 : i32
    %get3A_87 = arith.index_cast %get3A_86 : i32 to index
    %get3A_88 = arith.constant 0 : index
    %get3A_89 = tpu.vector_load %arg12[%get3A_87, %get3A_88] {strides = array<i32>} : memref<16x256xf32, #tpu.memory_space<vmem>>, vector<1x16xf32>,
    %get3A_90 = vector.shape_cast %get3A_89 : vector<1x16xf32> to vector<16xf32>
    %add3A_91 = arith.addf %add3A_85, %get3A_90 : vector<16xf32>
    %get3A_92 = arith.constant 4 : i32
    %get3A_93 = arith.index_cast %get3A_92 : i32 to index
    %get3A_94 = arith.constant 0 : index
    %get3A_95 = tpu.vector_load %arg12[%get3A_93, %get3A_94] {strides = array<i32>} : memref<16x256xf32, #tpu.memory_space<vmem>>, vector<1x16xf32>,
    %get3A_96 = vector.shape_cast %get3A_95 : vector<1x16xf32> to vector<16xf32>
    %add3A_97 = arith.addf %add3A_91, %get3A_96 : vector<16xf32>
    %get3A_98 = arith.constant 5 : i32
    %get3A_99 = arith.index_cast %get3A_98 : i32 to index
    %get3A_100 = arith.constant 0 : index
    %get3A_101 = tpu.vector_load %arg12[%get3A_99, %get3A_100] {strides = array<i32>} : memref<16x256xf32, #tpu.memory_space<vmem>>, vector<1x16xf32>,
    %get3A_102 = vector.shape_cast %get3A_101 : vector<1x16xf32> to vector<16xf32>
    %add3A_103 = arith.addf %add3A_97, %get3A_102 : vector<16xf32>
    %get3A_104 = arith.constant 6 : i32
    %get3A_105 = arith.index_cast %get3A_104 : i32 to index
    %get3A_106 = arith.constant 0 : index
    %get3A_107 = tpu.vector_load %arg12[%get3A_105, %get3A_106] {strides = array<i32>} : memref<16x256xf32, #tpu.memory_space<vmem>>, vector<1x16xf32>,
    %get3A_108 = vector.shape_cast %get3A_107 : vector<1x16xf32> to vector<16xf32>
    %add3A_109 = arith.addf %add3A_103, %get3A_108 : vector<16xf32>
    %get3A_110 = arith.constant 7 : i32
    %get3A_111 = arith.index_cast %get3A_110 : i32 to index
    %get3A_112 = arith.constant 0 : index
    %get3A_113 = tpu.vector_load %arg12[%get3A_111, %get3A_112] {strides = array<i32>} : memref<16x256xf32, #tpu.memory_space<vmem>>, vector<1x16xf32>,
    %get3A_114 = vector.shape_cast %get3A_113 : vector<1x16xf32> to vector<16xf32>
    %add3A_115 = arith.addf %add3A_109, %get3A_114 : vector<16xf32>
    %get3A_116 = arith.constant 8 : i32
    %get3A_117 = arith.index_cast %get3A_116 : i32 to index
    %get3A_118 = arith.constant 0 : index
    %get3A_119 = tpu.vector_load %arg12[%get3A_117, %get3A_118] {strides = array<i32>} : memref<16x256xf32, #tpu.memory_space<vmem>>, vector<1x16xf32>,
    %get3A_120 = vector.shape_cast %get3A_119 : vector<1x16xf32> to vector<16xf32>
    %add3A_121 = arith.addf %add3A_115, %get3A_120 : vector<16xf32>
    %get3A_122 = arith.constant 9 : i32
    %get3A_123 = arith.index_cast %get3A_122 : i32 to index
    %get3A_124 = arith.constant 0 : index
    %get3A_125 = tpu.vector_load %arg12[%get3A_123, %get3A_124] {strides = array<i32>} : memref<16x256xf32, #tpu.memory_space<vmem>>, vector<1x16xf32>,
    %get3A_126 = vector.shape_cast %get3A_125 : vector<1x16xf32> to vector<16xf32>
    %add3A_127 = arith.addf %add3A_121, %get3A_126 : vector<16xf32>
    %get3A_128 = arith.constant 10 : i32
    %get3A_129 = arith.index_cast %get3A_128 : i32 to index
    %get3A_130 = arith.constant 0 : index
    %get3A_131 = tpu.vector_load %arg12[%get3A_129, %get3A_130] {strides = array<i32>} : memref<16x256xf32, #tpu.memory_space<vmem>>, vector<1x16xf32>,
    %get3A_132 = vector.shape_cast %get3A_131 : vector<1x16xf32> to vector<16xf32>
    %add3A_133 = arith.addf %add3A_127, %get3A_132 : vector<16xf32>
    %get3A_134 = arith.constant 11 : i32
    %get3A_135 = arith.index_cast %get3A_134 : i32 to index
    %get3A_136 = arith.constant 0 : index
    %get3A_137 = tpu.vector_load %arg12[%get3A_135, %get3A_136] {strides = array<i32>} : memref<16x256xf32, #tpu.memory_space<vmem>>, vector<1x16xf32>,
    %get3A_138 = vector.shape_cast %get3A_137 : vector<1x16xf32> to vector<16xf32>
    %add3A_139 = arith.addf %add3A_133, %get3A_138 : vector<16xf32>
    %get3A_140 = arith.constant 12 : i32
    %get3A_141 = arith.index_cast %get3A_140 : i32 to index
    %get3A_142 = arith.constant 0 : index
    %get3A_143 = tpu.vector_load %arg12[%get3A_141, %get3A_142] {strides = array<i32>} : memref<16x256xf32, #tpu.memory_space<vmem>>, vector<1x16xf32>,
    %get3A_144 = vector.shape_cast %get3A_143 : vector<1x16xf32> to vector<16xf32>
    %add3A_145 = arith.addf %add3A_139, %get3A_144 : vector<16xf32>
    %get3A_146 = arith.constant 13 : i32
    %get3A_147 = arith.index_cast %get3A_146 : i32 to index
    %get3A_148 = arith.constant 0 : index
    %get3A_149 = tpu.vector_load %arg12[%get3A_147, %get3A_148] {strides = array<i32>} : memref<16x256xf32, #tpu.memory_space<vmem>>, vector<1x16xf32>,
    %get3A_150 = vector.shape_cast %get3A_149 : vector<1x16xf32> to vector<16xf32>
    %add3A_151 = arith.addf %add3A_145, %get3A_150 : vector<16xf32>
    %get3A_152 = arith.constant 14 : i32
    %get3A_153 = arith.index_cast %get3A_152 : i32 to index
    %get3A_154 = arith.constant 0 : index
    %get3A_155 = tpu.vector_load %arg12[%get3A_153, %get3A_154] {strides = array<i32>} : memref<16x256xf32, #tpu.memory_space<vmem>>, vector<1x16xf32>,
    %get3A_156 = vector.shape_cast %get3A_155 : vector<1x16xf32> to vector<16xf32>
    %add3A_157 = arith.addf %add3A_151, %get3A_156 : vector<16xf32>
    %get3A_158 = arith.constant 15 : i32
    %get3A_159 = arith.index_cast %get3A_158 : i32 to index
    %get3A_160 = arith.constant 0 : index
    %get3A_161 = tpu.vector_load %arg12[%get3A_159, %get3A_160] {strides = array<i32>} : memref<16x256xf32, #tpu.memory_space<vmem>>, vector<1x16xf32>,
    %get3A_162 = vector.shape_cast %get3A_161 : vector<1x16xf32> to vector<16xf32>
    %add3A_163 = arith.addf %add3A_157, %get3A_162 : vector<16xf32>
    %swap3A_164 = arith.constant 0 : index
    %swap3A_165 = tpu.vector_load %arg11[%swap3A_164] {strides = array<i32>} : memref<256xf32, #tpu.memory_space<vmem>>, vector<16xf32>,
    %swap3A_166 = vector.shape_cast %swap3A_165 : vector<16xf32> to vector<16xf32>
    %swap3A_167 = vector.shape_cast %add3A_163 : vector<16xf32> to vector<16xf32>
    tpu.vector_store %arg11[%swap3A_164], %swap3A_167 {strides = array<i32>} : memref<256xf32, #tpu.memory_space<vmem>>, vector<16xf32>,
    %get3A_168 = arith.constant 0 : i32
    %get3A_169 = arith.index_cast %get3A_168 : i32 to index
    %get3A_170 = arith.constant 16 : index
    %get3A_171 = tpu.vector_load %arg12[%get3A_169, %get3A_170] {strides = array<i32>} : memref<16x256xf32, #tpu.memory_space<vmem>>, vector<1x16xf32>,
    %get3A_172 = vector.shape_cast %get3A_171 : vector<1x16xf32> to vector<16xf32>
    %add3A_173 = arith.addf %broadcast_in_dim3A_1, %get3A_172 : vector<16xf32>
    %get3A_174 = arith.constant 1 : i32
    %get3A_175 = arith.index_cast %get3A_174 : i32 to index
    %get3A_176 = arith.constant 16 : index
    %get3A_177 = tpu.vector_load %arg12[%get3A_175, %get3A_176] {strides = array<i32>} : memref<16x256xf32, #tpu.memory_space<vmem>>, vector<1x16xf32>,
    %get3A_178 = vector.shape_cast %get3A_177 : vector<1x16xf32> to vector<16xf32>
    %add3A_179 = arith.addf %add3A_173, %get3A_178 : vector<16xf32>
    %get3A_180 = arith.constant 2 : i32
    %get3A_181 = arith.index_cast %get3A_180 : i32 to index
    %get3A_182 = arith.constant 16 : index
    %get3A_183 = tpu.vector_load %arg12[%get3A_181, %get3A_182] {strides = array<i32>} : memref<16x256xf32, #tpu.memory_space<vmem>>, vector<1x16xf32>,
    %get3A_184 = vector.shape_cast %get3A_183 : vector<1x16xf32> to vector<16xf32>
    %add3A_185 = arith.addf %add3A_179, %get3A_184 : vector<16xf32>
    %get3A_186 = arith.constant 3 : i32
    %get3A_187 = arith.index_cast %get3A_186 : i32 to index
    %get3A_188 = arith.constant 16 : index
    %get3A_189 = tpu.vector_load %arg12[%get3A_187, %get3A_188] {strides = array<i32>} : memref<16x256xf32, #tpu.memory_space<vmem>>, vector<1x16xf32>,
    %get3A_190 = vector.shape_cast %get3A_189 : vector<1x16xf32> to vector<16xf32>
    %add3A_191 = arith.addf %add3A_185, %get3A_190 : vector<16xf32>
    %get3A_192 = arith.constant 4 : i32
    %get3A_193 = arith.index_cast %get3A_192 : i32 to index
    %get3A_194 = arith.constant 16 : index
    %get3A_195 = tpu.vector_load %arg12[%get3A_193, %get3A_194] {strides = array<i32>} : memref<16x256xf32, #tpu.memory_space<vmem>>, vector<1x16xf32>,
    %get3A_196 = vector.shape_cast %get3A_195 : vector<1x16xf32> to vector<16xf32>
    %add3A_197 = arith.addf %add3A_191, %get3A_196 : vector<16xf32>
    %get3A_198 = arith.constant 5 : i32
    %get3A_199 = arith.index_cast %get3A_198 : i32 to index
    %get3A_200 = arith.constant 16 : index
    %get3A_201 = tpu.vector_load %arg12[%get3A_199, %get3A_200] {strides = array<i32>} : memref<16x256xf32, #tpu.memory_space<vmem>>, vector<1x16xf32>,
    %get3A_202 = vector.shape_cast %get3A_201 : vector<1x16xf32> to vector<16xf32>
    %add3A_203 = arith.addf %add3A_197, %get3A_202 : vector<16xf32>
    %get3A_204 = arith.constant 6 : i32
    %get3A_205 = arith.index_cast %get3A_204 : i32 to index
    %get3A_206 = arith.constant 16 : index
    %get3A_207 = tpu.vector_load %arg12[%get3A_205, %get3A_206] {strides = array<i32>} : memref<16x256xf32, #tpu.memory_space<vmem>>, vector<1x16xf32>,
    %get3A_208 = vector.shape_cast %get3A_207 : vector<1x16xf32> to vector<16xf32>
    %add3A_209 = arith.addf %add3A_203, %get3A_208 : vector<16xf32>
    %get3A_210 = arith.constant 7 : i32
    %get3A_211 = arith.index_cast %get3A_210 : i32 to index
    %get3A_212 = arith.constant 16 : index
    %get3A_213 = tpu.vector_load %arg12[%get3A_211, %get3A_212] {strides = array<i32>} : memref<16x256xf32, #tpu.memory_space<vmem>>, vector<1x16xf32>,
    %get3A_214 = vector.shape_cast %get3A_213 : vector<1x16xf32> to vector<16xf32>
    %add3A_215 = arith.addf %add3A_209, %get3A_214 : vector<16xf32>
    %get3A_216 = arith.constant 8 : i32
    %get3A_217 = arith.index_cast %get3A_216 : i32 to index
    %get3A_218 = arith.constant 16 : index
    %get3A_219 = tpu.vector_load %arg12[%get3A_217, %get3A_218] {strides = array<i32>} : memref<16x256xf32, #tpu.memory_space<vmem>>, vector<1x16xf32>,
    %get3A_220 = vector.shape_cast %get3A_219 : vector<1x16xf32> to vector<16xf32>
    %add3A_221 = arith.addf %add3A_215, %get3A_220 : vector<16xf32>
    %get3A_222 = arith.constant 9 : i32
    %get3A_223 = arith.index_cast %get3A_222 : i32 to index
    %get3A_224 = arith.constant 16 : index
    %get3A_225 = tpu.vector_load %arg12[%get3A_223, %get3A_224] {strides = array<i32>} : memref<16x256xf32, #tpu.memory_space<vmem>>, vector<1x16xf32>,
    %get3A_226 = vector.shape_cast %get3A_225 : vector<1x16xf32> to vector<16xf32>
    %add3A_227 = arith.addf %add3A_221, %get3A_226 : vector<16xf32>
    %get3A_228 = arith.constant 10 : i32
    %get3A_229 = arith.index_cast %get3A_228 : i32 to index
    %get3A_230 = arith.constant 16 : index
    %get3A_231 = tpu.vector_load %arg12[%get3A_229, %get3A_230] {strides = array<i32>} : memref<16x256xf32, #tpu.memory_space<vmem>>, vector<1x16xf32>,
    %get3A_232 = vector.shape_cast %get3A_231 : vector<1x16xf32> to vector<16xf32>
    %add3A_233 = arith.addf %add3A_227, %get3A_232 : vector<16xf32>
    %get3A_234 = arith.constant 11 : i32
    %get3A_235 = arith.index_cast %get3A_234 : i32 to index
    %get3A_236 = arith.constant 16 : index
    %get3A_237 = tpu.vector_load %arg12[%get3A_235, %get3A_236] {strides = array<i32>} : memref<16x256xf32, #tpu.memory_space<vmem>>, vector<1x16xf32>,
    %get3A_238 = vector.shape_cast %get3A_237 : vector<1x16xf32> to vector<16xf32>
    %add3A_239 = arith.addf %add3A_233, %get3A_238 : vector<16xf32>
    %get3A_240 = arith.constant 12 : i32
    %get3A_241 = arith.index_cast %get3A_240 : i32 to index
    %get3A_242 = arith.constant 16 : index
    %get3A_243 = tpu.vector_load %arg12[%get3A_241, %get3A_242] {strides = array<i32>} : memref<16x256xf32, #tpu.memory_space<vmem>>, vector<1x16xf32>,
    %get3A_244 = vector.shape_cast %get3A_243 : vector<1x16xf32> to vector<16xf32>
    %add3A_245 = arith.addf %add3A_239, %get3A_244 : vector<16xf32>
    %get3A_246 = arith.constant 13 : i32
    %get3A_247 = arith.index_cast %get3A_246 : i32 to index
    %get3A_248 = arith.constant 16 : index
    %get3A_249 = tpu.vector_load %arg12[%get3A_247, %get3A_248] {strides = array<i32>} : memref<16x256xf32, #tpu.memory_space<vmem>>, vector<1x16xf32>,
    %get3A_250 = vector.shape_cast %get3A_249 : vector<1x16xf32> to vector<16xf32>
    %add3A_251 = arith.addf %add3A_245, %get3A_250 : vector<16xf32>
    %get3A_252 = arith.constant 14 : i32
    %get3A_253 = arith.index_cast %get3A_252 : i32 to index
    %get3A_254 = arith.constant 16 : index
    %get3A_255 = tpu.vector_load %arg12[%get3A_253, %get3A_254] {strides = array<i32>} : memref<16x256xf32, #tpu.memory_space<vmem>>, vector<1x16xf32>,
    %get3A_256 = vector.shape_cast %get3A_255 : vector<1x16xf32> to vector<16xf32>
    %add3A_257 = arith.addf %add3A_251, %get3A_256 : vector<16xf32>
    %get3A_258 = arith.constant 15 : i32
    %get3A_259 = arith.index_cast %get3A_258 : i32 to index
    %get3A_260 = arith.constant 16 : index
    %get3A_261 = tpu.vector_load %arg12[%get3A_259, %get3A_260] {strides = array<i32>} : memref<16x256xf32, #tpu.memory_space<vmem>>, vector<1x16xf32>,
    %get3A_262 = vector.shape_cast %get3A_261 : vector<1x16xf32> to vector<16xf32>
    %add3A_263 = arith.addf %add3A_257, %get3A_262 : vector<16xf32>
    %swap3A_264 = arith.constant 16 : index
    %swap3A_265 = tpu.vector_load %arg11[%swap3A_264] {strides = array<i32>} : memref<256xf32, #tpu.memory_space<vmem>>, vector<16xf32>,
    %swap3A_266 = vector.shape_cast %swap3A_265 : vector<16xf32> to vector<16xf32>
    %swap3A_267 = vector.shape_cast %add3A_263 : vector<16xf32> to vector<16xf32>
    tpu.vector_store %arg11[%swap3A_264], %swap3A_267 {strides = array<i32>} : memref<256xf32, #tpu.memory_space<vmem>>, vector<16xf32>,
    %get3A_268 = arith.constant 0 : i32
    %get3A_269 = arith.index_cast %get3A_268 : i32 to index
    %get3A_270 = arith.constant 32 : index
    %get3A_271 = tpu.vector_load %arg12[%get3A_269, %get3A_270] {strides = array<i32>} : memref<16x256xf32, #tpu.memory_space<vmem>>, vector<1x16xf32>,
    %get3A_272 = vector.shape_cast %get3A_271 : vector<1x16xf32> to vector<16xf32>
    %add3A_273 = arith.addf %broadcast_in_dim3A_1, %get3A_272 : vector<16xf32>
    %get3A_274 = arith.constant 1 : i32
    %get3A_275 = arith.index_cast %get3A_274 : i32 to index
    %get3A_276 = arith.constant 32 : index
    %get3A_277 = tpu.vector_load %arg12[%get3A_275, %get3A_276] {strides = array<i32>} : memref<16x256xf32, #tpu.memory_space<vmem>>, vector<1x16xf32>,
    %get3A_278 = vector.shape_cast %get3A_277 : vector<1x16xf32> to vector<16xf32>
    %add3A_279 = arith.addf %add3A_273, %get3A_278 : vector<16xf32>
    %get3A_280 = arith.constant 2 : i32
    %get3A_281 = arith.index_cast %get3A_280 : i32 to index
    %get3A_282 = arith.constant 32 : index
    %get3A_283 = tpu.vector_load %arg12[%get3A_281, %get3A_282] {strides = array<i32>} : memref<16x256xf32, #tpu.memory_space<vmem>>, vector<1x16xf32>,
    %get3A_284 = vector.shape_cast %get3A_283 : vector<1x16xf32> to vector<16xf32>
    %add3A_285 = arith.addf %add3A_279, %get3A_284 : vector<16xf32>
    %get3A_286 = arith.constant 3 : i32
    %get3A_287 = arith.index_cast %get3A_286 : i32 to index
    %get3A_288 = arith.constant 32 : index
    %get3A_289 = tpu.vector_load %arg12[%get3A_287, %get3A_288] {strides = array<i32>} : memref<16x256xf32, #tpu.memory_space<vmem>>, vector<1x16xf32>,
    %get3A_290 = vector.shape_cast %get3A_289 : vector<1x16xf32> to vector<16xf32>
    %add3A_291 = arith.addf %add3A_285, %get3A_290 : vector<16xf32>
    %get3A_292 = arith.constant 4 : i32
    %get3A_293 = arith.index_cast %get3A_292 : i32 to index
    %get3A_294 = arith.constant 32 : index
    %get3A_295 = tpu.vector_load %arg12[%get3A_293, %get3A_294] {strides = array<i32>} : memref<16x256xf32, #tpu.memory_space<vmem>>, vector<1x16xf32>,
    %get3A_296 = vector.shape_cast %get3A_295 : vector<1x16xf32> to vector<16xf32>
    %add3A_297 = arith.addf %add3A_291, %get3A_296 : vector<16xf32>
    %get3A_298 = arith.constant 5 : i32
    %get3A_299 = arith.index_cast %get3A_298 : i32 to index
    %get3A_300 = arith.constant 32 : index
    %get3A_301 = tpu.vector_load %arg12[%get3A_299, %get3A_300] {strides = array<i32>} : memref<16x256xf32, #tpu.memory_space<vmem>>, vector<1x16xf32>,
    %get3A_302 = vector.shape_cast %get3A_301 : vector<1x16xf32> to vector<16xf32>
    %add3A_303 = arith.addf %add3A_297, %get3A_302 : vector<16xf32>
    %get3A_304 = arith.constant 6 : i32
    %get3A_305 = arith.index_cast %get3A_304 : i32 to index
    %get3A_306 = arith.constant 32 : index
    %get3A_307 = tpu.vector_load %arg12[%get3A_305, %get3A_306] {strides = array<i32>} : memref<16x256xf32, #tpu.memory_space<vmem>>, vector<1x16xf32>,
    %get3A_308 = vector.shape_cast %get3A_307 : vector<1x16xf32> to vector<16xf32>
    %add3A_309 = arith.addf %add3A_303, %get3A_308 : vector<16xf32>
    %get3A_310 = arith.constant 7 : i32
    %get3A_311 = arith.index_cast %get3A_310 : i32 to index
    %get3A_312 = arith.constant 32 : index
    %get3A_313 = tpu.vector_load %arg12[%get3A_311, %get3A_312] {strides = array<i32>} : memref<16x256xf32, #tpu.memory_space<vmem>>, vector<1x16xf32>,
    %get3A_314 = vector.shape_cast %get3A_313 : vector<1x16xf32> to vector<16xf32>
    %add3A_315 = arith.addf %add3A_309, %get3A_314 : vector<16xf32>
    %get3A_316 = arith.constant 8 : i32
    %get3A_317 = arith.index_cast %get3A_316 : i32 to index
    %get3A_318 = arith.constant 32 : index
    %get3A_319 = tpu.vector_load %arg12[%get3A_317, %get3A_318] {strides = array<i32>} : memref<16x256xf32, #tpu.memory_space<vmem>>, vector<1x16xf32>,
    %get3A_320 = vector.shape_cast %get3A_319 : vector<1x16xf32> to vector<16xf32>
    %add3A_321 = arith.addf %add3A_315, %get3A_320 : vector<16xf32>
    %get3A_322 = arith.constant 9 : i32
    %get3A_323 = arith.index_cast %get3A_322 : i32 to index
    %get3A_324 = arith.constant 32 : index
    %get3A_325 = tpu.vector_load %arg12[%get3A_323, %get3A_324] {strides = array<i32>} : memref<16x256xf32, #tpu.memory_space<vmem>>, vector<1x16xf32>,
    %get3A_326 = vector.shape_cast %get3A_325 : vector<1x16xf32> to vector<16xf32>
    %add3A_327 = arith.addf %add3A_321, %get3A_326 : vector<16xf32>
    %get3A_328 = arith.constant 10 : i32
    %get3A_329 = arith.index_cast %get3A_328 : i32 to index
    %get3A_330 = arith.constant 32 : index
    %get3A_331 = tpu.vector_load %arg12[%get3A_329, %get3A_330] {strides = array<i32>} : memref<16x256xf32, #tpu.memory_space<vmem>>, vector<1x16xf32>,
    %get3A_332 = vector.shape_cast %get3A_331 : vector<1x16xf32> to vector<16xf32>
    %add3A_333 = arith.addf %add3A_327, %get3A_332 : vector<16xf32>
    %get3A_334 = arith.constant 11 : i32
    %get3A_335 = arith.index_cast %get3A_334 : i32 to index
    %get3A_336 = arith.constant 32 : index
    %get3A_337 = tpu.vector_load %arg12[%get3A_335, %get3A_336] {strides = array<i32>} : memref<16x256xf32, #tpu.memory_space<vmem>>, vector<1x16xf32>,
    %get3A_338 = vector.shape_cast %get3A_337 : vector<1x16xf32> to vector<16xf32>
    %add3A_339 = arith.addf %add3A_333, %get3A_338 : vector<16xf32>
    %get3A_340 = arith.constant 12 : i32
    %get3A_341 = arith.index_cast %get3A_340 : i32 to index
    %get3A_342 = arith.constant 32 : index
    %get3A_343 = tpu.vector_load %arg12[%get3A_341, %get3A_342] {strides = array<i32>} : memref<16x256xf32, #tpu.memory_space<vmem>>, vector<1x16xf32>,
    %get3A_344 = vector.shape_cast %get3A_343 : vector<1x16xf32> to vector<16xf32>
    %add3A_345 = arith.addf %add3A_339, %get3A_344 : vector<16xf32>
    %get3A_346 = arith.constant 13 : i32
    %get3A_347 = arith.index_cast %get3A_346 : i32 to index
    %get3A_348 = arith.constant 32 : index
    %get3A_349 = tpu.vector_load %arg12[%get3A_347, %get3A_348] {strides = array<i32>} : memref<16x256xf32, #tpu.memory_space<vmem>>, vector<1x16xf32>,
    %get3A_350 = vector.shape_cast %get3A_349 : vector<1x16xf32> to vector<16xf32>
    %add3A_351 = arith.addf %add3A_345, %get3A_350 : vector<16xf32>
    %get3A_352 = arith.constant 14 : i32
    %get3A_353 = arith.index_cast %get3A_352 : i32 to index
    %get3A_354 = arith.constant 32 : index
    %get3A_355 = tpu.vector_load %arg12[%get3A_353, %get3A_354] {strides = array<i32>} : memref<16x256xf32, #tpu.memory_space<vmem>>, vector<1x16xf32>,
    %get3A_356 = vector.shape_cast %get3A_355 : vector<1x16xf32> to vector<16xf32>
    %add3A_357 = arith.addf %add3A_351, %get3A_356 : vector<16xf32>
    %get3A_358 = arith.constant 15 : i32
    %get3A_359 = arith.index_cast %get3A_358 : i32 to index
    %get3A_360 = arith.constant 32 : index
    %get3A_361 = tpu.vector_load %arg12[%get3A_359, %get3A_360] {strides = array<i32>} : memref<16x256xf32, #tpu.memory_space<vmem>>, vector<1x16xf32>,
    %get3A_362 = vector.shape_cast %get3A_361 : vector<1x16xf32> to vector<16xf32>
    %add3A_363 = arith.addf %add3A_357, %get3A_362 : vector<16xf32>
    %swap3A_364 = arith.constant 32 : index
    %swap3A_365 = tpu.vector_load %arg11[%swap3A_364] {strides = array<i32>} : memref<256xf32, #tpu.memory_space<vmem>>, vector<16xf32>,
    %swap3A_366 = vector.shape_cast %swap3A_365 : vector<16xf32> to vector<16xf32>
    %swap3A_367 = vector.shape_cast %add3A_363 : vector<16xf32> to vector<16xf32>
    tpu.vector_store %arg11[%swap3A_364], %swap3A_367 {strides = array<i32>} : memref<256xf32, #tpu.memory_space<vmem>>, vector<16xf32>,
    %get3A_368 = arith.constant 0 : i32
    %get3A_369 = arith.index_cast %get3A_368 : i32 to index
    %get3A_370 = arith.constant 48 : index
    %get3A_371 = tpu.vector_load %arg12[%get3A_369, %get3A_370] {strides = array<i32>} : memref<16x256xf32, #tpu.memory_space<vmem>>, vector<1x16xf32>,
    %get3A_372 = vector.shape_cast %get3A_371 : vector<1x16xf32> to vector<16xf32>
    %add3A_373 = arith.addf %broadcast_in_dim3A_1, %get3A_372 : vector<16xf32>
    %get3A_374 = arith.constant 1 : i32
    %get3A_375 = arith.index_cast %get3A_374 : i32 to index
    %get3A_376 = arith.constant 48 : index
    %get3A_377 = tpu.vector_load %arg12[%get3A_375, %get3A_376] {strides = array<i32>} : memref<16x256xf32, #tpu.memory_space<vmem>>, vector<1x16xf32>,
    %get3A_378 = vector.shape_cast %get3A_377 : vector<1x16xf32> to vector<16xf32>
    %add3A_379 = arith.addf %add3A_373, %get3A_378 : vector<16xf32>
    %get3A_380 = arith.constant 2 : i32
    %get3A_381 = arith.index_cast %get3A_380 : i32 to index
    %get3A_382 = arith.constant 48 : index
    %get3A_383 = tpu.vector_load %arg12[%get3A_381, %get3A_382] {strides = array<i32>} : memref<16x256xf32, #tpu.memory_space<vmem>>, vector<1x16xf32>,
    %get3A_384 = vector.shape_cast %get3A_383 : vector<1x16xf32> to vector<16xf32>
    %add3A_385 = arith.addf %add3A_379, %get3A_384 : vector<16xf32>
    %get3A_386 = arith.constant 3 : i32
    %get3A_387 = arith.index_cast %get3A_386 : i32 to index
    %get3A_388 = arith.constant 48 : index
    %get3A_389 = tpu.vector_load %arg12[%get3A_387, %get3A_388] {strides = array<i32>} : memref<16x256xf32, #tpu.memory_space<vmem>>, vector<1x16xf32>,
    %get3A_390 = vector.shape_cast %get3A_389 : vector<1x16xf32> to vector<16xf32>
    %add3A_391 = arith.addf %add3A_385, %get3A_390 : vector<16xf32>
    %get3A_392 = arith.constant 4 : i32
    %get3A_393 = arith.index_cast %get3A_392 : i32 to index
    %get3A_394 = arith.constant 48 : index
    %get3A_395 = tpu.vector_load %arg12[%get3A_393, %get3A_394] {strides = array<i32>} : memref<16x256xf32, #tpu.memory_space<vmem>>, vector<1x16xf32>,
    %get3A_396 = vector.shape_cast %get3A_395 : vector<1x16xf32> to vector<16xf32>
    %add3A_397 = arith.addf %add3A_391, %get3A_396 : vector<16xf32>
    %get3A_398 = arith.constant 5 : i32
    %get3A_399 = arith.index_cast %get3A_398 : i32 to index
    %get3A_400 = arith.constant 48 : index
    %get3A_401 = tpu.vector_load %arg12[%get3A_399, %get3A_400] {strides = array<i32>} : memref<16x256xf32, #tpu.memory_space<vmem>>, vector<1x16xf32>,
    %get3A_402 = vector.shape_cast %get3A_401 : vector<1x16xf32> to vector<16xf32>
    %add3A_403 = arith.addf %add3A_397, %get3A_402 : vector<16xf32>
    %get3A_404 = arith.constant 6 : i32
    %get3A_405 = arith.index_cast %get3A_404 : i32 to index
    %get3A_406 = arith.constant 48 : index
    %get3A_407 = tpu.vector_load %arg12[%get3A_405, %get3A_406] {strides = array<i32>} : memref<16x256xf32, #tpu.memory_space<vmem>>, vector<1x16xf32>,
    %get3A_408 = vector.shape_cast %get3A_407 : vector<1x16xf32> to vector<16xf32>
    %add3A_409 = arith.addf %add3A_403, %get3A_408 : vector<16xf32>
    %get3A_410 = arith.constant 7 : i32
    %get3A_411 = arith.index_cast %get3A_410 : i32 to index
    %get3A_412 = arith.constant 48 : index
    %get3A_413 = tpu.vector_load %arg12[%get3A_411, %get3A_412] {strides = array<i32>} : memref<16x256xf32, #tpu.memory_space<vmem>>, vector<1x16xf32>,
    %get3A_414 = vector.shape_cast %get3A_413 : vector<1x16xf32> to vector<16xf32>
    %add3A_415 = arith.addf %add3A_409, %get3A_414 : vector<16xf32>
    %get3A_416 = arith.constant 8 : i32
    %get3A_417 = arith.index_cast %get3A_416 : i32 to index
    %get3A_418 = arith.constant 48 : index
    %get3A_419 = tpu.vector_load %arg12[%get3A_417, %get3A_418] {strides = array<i32>} : memref<16x256xf32, #tpu.memory_space<vmem>>, vector<1x16xf32>,
    %get3A_420 = vector.shape_cast %get3A_419 : vector<1x16xf32> to vector<16xf32>
    %add3A_421 = arith.addf %add3A_415, %get3A_420 : vector<16xf32>
    %get3A_422 = arith.constant 9 : i32
    %get3A_423 = arith.index_cast %get3A_422 : i32 to index
    %get3A_424 = arith.constant 48 : index
    %get3A_425 = tpu.vector_load %arg12[%get3A_423, %get3A_424] {strides = array<i32>} : memref<16x256xf32, #tpu.memory_space<vmem>>, vector<1x16xf32>,
    %get3A_426 = vector.shape_cast %get3A_425 : vector<1x16xf32> to vector<16xf32>
    %add3A_427 = arith.addf %add3A_421, %get3A_426 : vector<16xf32>
    %get3A_428 = arith.constant 10 : i32
    %get3A_429 = arith.index_cast %get3A_428 : i32 to index
    %get3A_430 = arith.constant 48 : index
    %get3A_431 = tpu.vector_load %arg12[%get3A_429, %get3A_430] {strides = array<i32>} : memref<16x256xf32, #tpu.memory_space<vmem>>, vector<1x16xf32>,
    %get3A_432 = vector.shape_cast %get3A_431 : vector<1x16xf32> to vector<16xf32>
    %add3A_433 = arith.addf %add3A_427, %get3A_432 : vector<16xf32>
    %get3A_434 = arith.constant 11 : i32
    %get3A_435 = arith.index_cast %get3A_434 : i32 to index
    %get3A_436 = arith.constant 48 : index
    %get3A_437 = tpu.vector_load %arg12[%get3A_435, %get3A_436] {strides = array<i32>} : memref<16x256xf32, #tpu.memory_space<vmem>>, vector<1x16xf32>,
    %get3A_438 = vector.shape_cast %get3A_437 : vector<1x16xf32> to vector<16xf32>
    %add3A_439 = arith.addf %add3A_433, %get3A_438 : vector<16xf32>
    %get3A_440 = arith.constant 12 : i32
    %get3A_441 = arith.index_cast %get3A_440 : i32 to index
    %get3A_442 = arith.constant 48 : index
    %get3A_443 = tpu.vector_load %arg12[%get3A_441, %get3A_442] {strides = array<i32>} : memref<16x256xf32, #tpu.memory_space<vmem>>, vector<1x16xf32>,
    %get3A_444 = vector.shape_cast %get3A_443 : vector<1x16xf32> to vector<16xf32>
    %add3A_445 = arith.addf %add3A_439, %get3A_444 : vector<16xf32>
    %get3A_446 = arith.constant 13 : i32
    %get3A_447 = arith.index_cast %get3A_446 : i32 to index
    %get3A_448 = arith.constant 48 : index
    %get3A_449 = tpu.vector_load %arg12[%get3A_447, %get3A_448] {strides = array<i32>} : memref<16x256xf32, #tpu.memory_space<vmem>>, vector<1x16xf32>,
    %get3A_450 = vector.shape_cast %get3A_449 : vector<1x16xf32> to vector<16xf32>
    %add3A_451 = arith.addf %add3A_445, %get3A_450 : vector<16xf32>
    %get3A_452 = arith.constant 14 : i32
    %get3A_453 = arith.index_cast %get3A_452 : i32 to index
    %get3A_454 = arith.constant 48 : index
    %get3A_455 = tpu.vector_load %arg12[%get3A_453, %get3A_454] {strides = array<i32>} : memref<16x256xf32, #tpu.memory_space<vmem>>, vector<1x16xf32>,
    %get3A_456 = vector.shape_cast %get3A_455 : vector<1x16xf32> to vector<16xf32>
    %add3A_457 = arith.addf %add3A_451, %get3A_456 : vector<16xf32>
    %get3A_458 = arith.constant 15 : i32
    %get3A_459 = arith.index_cast %get3A_458 : i32 to index
    %get3A_460 = arith.constant 48 : index
    %get3A_461 = tpu.vector_load %arg12[%get3A_459, %get3A_460] {strides = array<i32>} : memref<16x256xf32, #tpu.memory_space<vmem>>, vector<1x16xf32>,
    %get3A_462 = vector.shape_cast %get3A_461 : vector<1x16xf32> to vector<16xf32>
    %add3A_463 = arith.addf %add3A_457, %get3A_462 : vector<16xf32>
    %swap3A_464 = arith.constant 48 : index
    %swap3A_465 = tpu.vector_load %arg11[%swap3A_464] {strides = array<i32>} : memref<256xf32, #tpu.memory_space<vmem>>, vector<16xf32>,
    %swap3A_466 = vector.shape_cast %swap3A_465 : vector<16xf32> to vector<16xf32>
    %swap3A_467 = vector.shape_cast %add3A_463 : vector<16xf32> to vector<16xf32>
    tpu.vector_store %arg11[%swap3A_464], %swap3A_467 {strides = array<i32>} : memref<256xf32, #tpu.memory_space<vmem>>, vector<16xf32>,
    %get3A_468 = arith.constant 0 : i32
    %get3A_469 = arith.index_cast %get3A_468 : i32 to index
    %get3A_470 = arith.constant 64 : index
    %get3A_471 = tpu.vector_load %arg12[%get3A_469, %get3A_470] {strides = array<i32>} : memref<16x256xf32, #tpu.memory_space<vmem>>, vector<1x16xf32>,
    %get3A_472 = vector.shape_cast %get3A_471 : vector<1x16xf32> to vector<16xf32>
    %add3A_473 = arith.addf %broadcast_in_dim3A_1, %get3A_472 : vector<16xf32>
    %get3A_474 = arith.constant 1 : i32
    %get3A_475 = arith.index_cast %get3A_474 : i32 to index
    %get3A_476 = arith.constant 64 : index
    %get3A_477 = tpu.vector_load %arg12[%get3A_475, %get3A_476] {strides = array<i32>} : memref<16x256xf32, #tpu.memory_space<vmem>>, vector<1x16xf32>,
    %get3A_478 = vector.shape_cast %get3A_477 : vector<1x16xf32> to vector<16xf32>
    %add3A_479 = arith.addf %add3A_473, %get3A_478 : vector<16xf32>
    %get3A_480 = arith.constant 2 : i32
    %get3A_481 = arith.index_cast %get3A_480 : i32 to index
    %get3A_482 = arith.constant 64 : index
    %get3A_483 = tpu.vector_load %arg12[%get3A_481, %get3A_482] {strides = array<i32>} : memref<16x256xf32, #tpu.memory_space<vmem>>, vector<1x16xf32>,
    %get3A_484 = vector.shape_cast %get3A_483 : vector<1x16xf32> to vector<16xf32>
    %add3A_485 = arith.addf %add3A_479, %get3A_484 : vector<16xf32>
    %get3A_486 = arith.constant 3 : i32
    %get3A_487 = arith.index_cast %get3A_486 : i32 to index
    %get3A_488 = arith.constant 64 : index
    %get3A_489 = tpu.vector_load %arg12[%get3A_487, %get3A_488] {strides = array<i32>} : memref<16x256xf32, #tpu.memory_space<vmem>>, vector<1x16xf32>,
    %get3A_490 = vector.shape_cast %get3A_489 : vector<1x16xf32> to vector<16xf32>
    %add3A_491 = arith.addf %add3A_485, %get3A_490 : vector<16xf32>
    %get3A_492 = arith.constant 4 : i32
    %get3A_493 = arith.index_cast %get3A_492 : i32 to index
    %get3A_494 = arith.constant 64 : index
    %get3A_495 = tpu.vector_load %arg12[%get3A_493, %get3A_494] {strides = array<i32>} : memref<16x256xf32, #tpu.memory_space<vmem>>, vector<1x16xf32>,
    %get3A_496 = vector.shape_cast %get3A_495 : vector<1x16xf32> to vector<16xf32>
    %add3A_497 = arith.addf %add3A_491, %get3A_496 : vector<16xf32>
    %get3A_498 = arith.constant 5 : i32
    %get3A_499 = arith.index_cast %get3A_498 : i32 to index
    %get3A_500 = arith.constant 64 : index
    %get3A_501 = tpu.vector_load %arg12[%get3A_499, %get3A_500] {strides = array<i32>} : memref<16x256xf32, #tpu.memory_space<vmem>>, vector<1x16xf32>,
    %get3A_502 = vector.shape_cast %get3A_501 : vector<1x16xf32> to vector<16xf32>
    %add3A_503 = arith.addf %add3A_497, %get3A_502 : vector<16xf32>
    %get3A_504 = arith.constant 6 : i32
    %get3A_505 = arith.index_cast %get3A_504 : i32 to index
    %get3A_506 = arith.constant 64 : index
    %get3A_507 = tpu.vector_load %arg12[%get3A_505, %get3A_506] {strides = array<i32>} : memref<16x256xf32, #tpu.memory_space<vmem>>, vector<1x16xf32>,
    %get3A_508 = vector.shape_cast %get3A_507 : vector<1x16xf32> to vector<16xf32>
    %add3A_509 = arith.addf %add3A_503, %get3A_508 : vector<16xf32>
    %get3A_510 = arith.constant 7 : i32
    %get3A_511 = arith.index_cast %get3A_510 : i32 to index
    %get3A_512 = arith.constant 64 : index
    %get3A_513 = tpu.vector_load %arg12[%get3A_511, %get3A_512] {strides = array<i32>} : memref<16x256xf32, #tpu.memory_space<vmem>>, vector<1x16xf32>,
    %get3A_514 = vector.shape_cast %get3A_513 : vector<1x16xf32> to vector<16xf32>
    %add3A_515 = arith.addf %add3A_509, %get3A_514 : vector<16xf32>
    %get3A_516 = arith.constant 8 : i32
    %get3A_517 = arith.index_cast %get3A_516 : i32 to index
    %get3A_518 = arith.constant 64 : index
    %get3A_519 = tpu.vector_load %arg12[%get3A_517, %get3A_518] {strides = array<i32>} : memref<16x256xf32, #tpu.memory_space<vmem>>, vector<1x16xf32>,
    %get3A_520 = vector.shape_cast %get3A_519 : vector<1x16xf32> to vector<16xf32>
    %add3A_521 = arith.addf %add3A_515, %get3A_520 : vector<16xf32>
    %get3A_522 = arith.constant 9 : i32
    %get3A_523 = arith.index_cast %get3A_522 : i32 to index
    %get3A_524 = arith.constant 64 : index
    %get3A_525 = tpu.vector_load %arg12[%get3A_523, %get3A_524] {strides = array<i32>} : memref<16x256xf32, #tpu.memory_space<vmem>>, vector<1x16xf32>,
    %get3A_526 = vector.shape_cast %get3A_525 : vector<1x16xf32> to vector<16xf32>
    %add3A_527 = arith.addf %add3A_521, %get3A_526 : vector<16xf32>
    %get3A_528 = arith.constant 10 : i32
    %get3A_529 = arith.index_cast %get3A_528 : i32 to index
    %get3A_530 = arith.constant 64 : index
    %get3A_531 = tpu.vector_load %arg12[%get3A_529, %get3A_530] {strides = array<i32>} : memref<16x256xf32, #tpu.memory_space<vmem>>, vector<1x16xf32>,
    %get3A_532 = vector.shape_cast %get3A_531 : vector<1x16xf32> to vector<16xf32>
    %add3A_533 = arith.addf %add3A_527, %get3A_532 : vector<16xf32>
    %get3A_534 = arith.constant 11 : i32
    %get3A_535 = arith.index_cast %get3A_534 : i32 to index
    %get3A_536 = arith.constant 64 : index
    %get3A_537 = tpu.vector_load %arg12[%get3A_535, %get3A_536] {strides = array<i32>} : memref<16x256xf32, #tpu.memory_space<vmem>>, vector<1x16xf32>,
    %get3A_538 = vector.shape_cast %get3A_537 : vector<1x16xf32> to vector<16xf32>
    %add3A_539 = arith.addf %add3A_533, %get3A_538 : vector<16xf32>
    %get3A_540 = arith.constant 12 : i32
    %get3A_541 = arith.index_cast %get3A_540 : i32 to index
    %get3A_542 = arith.constant 64 : index
    %get3A_543 = tpu.vector_load %arg12[%get3A_541, %get3A_542] {strides = array<i32>} : memref<16x256xf32, #tpu.memory_space<vmem>>, vector<1x16xf32>,
    %get3A_544 = vector.shape_cast %get3A_543 : vector<1x16xf32> to vector<16xf32>
    %add3A_545 = arith.addf %add3A_539, %get3A_544 : vector<16xf32>
    %get3A_546 = arith.constant 13 : i32
    %get3A_547 = arith.index_cast %get3A_546 : i32 to index
    %get3A_548 = arith.constant 64 : index
    %get3A_549 = tpu.vector_load %arg12[%get3A_547, %get3A_548] {strides = array<i32>} : memref<16x256xf32, #tpu.memory_space<vmem>>, vector<1x16xf32>,
    %get3A_550 = vector.shape_cast %get3A_549 : vector<1x16xf32> to vector<16xf32>
    %add3A_551 = arith.addf %add3A_545, %get3A_550 : vector<16xf32>
    %get3A_552 = arith.constant 14 : i32
    %get3A_553 = arith.index_cast %get3A_552 : i32 to index
    %get3A_554 = arith.constant 64 : index
    %get3A_555 = tpu.vector_load %arg12[%get3A_553, %get3A_554] {strides = array<i32>} : memref<16x256xf32, #tpu.memory_space<vmem>>, vector<1x16xf32>,
    %get3A_556 = vector.shape_cast %get3A_555 : vector<1x16xf32> to vector<16xf32>
    %add3A_557 = arith.addf %add3A_551, %get3A_556 : vector<16xf32>
    %get3A_558 = arith.constant 15 : i32
    %get3A_559 = arith.index_cast %get3A_558 : i32 to index
    %get3A_560 = arith.constant 64 : index
    %get3A_561 = tpu.vector_load %arg12[%get3A_559, %get3A_560] {strides = array<i32>} : memref<16x256xf32, #tpu.memory_space<vmem>>, vector<1x16xf32>,
    %get3A_562 = vector.shape_cast %get3A_561 : vector<1x16xf32> to vector<16xf32>
    %add3A_563 = arith.addf %add3A_557, %get3A_562 : vector<16xf32>
    %swap3A_564 = arith.constant 64 : index
    %swap3A_565 = tpu.vector_load %arg11[%swap3A_564] {strides = array<i32>} : memref<256xf32, #tpu.memory_space<vmem>>, vector<16xf32>,
    %swap3A_566 = vector.shape_cast %swap3A_565 : vector<16xf32> to vector<16xf32>
    %swap3A_567 = vector.shape_cast %add3A_563 : vector<16xf32> to vector<16xf32>
    tpu.vector_store %arg11[%swap3A_564], %swap3A_567 {strides = array<i32>} : memref<256xf32, #tpu.memory_space<vmem>>, vector<16xf32>,
    %get3A_568 = arith.constant 0 : i32
    %get3A_569 = arith.index_cast %get3A_568 : i32 to index
    %get3A_570 = arith.constant 80 : index
    %get3A_571 = tpu.vector_load %arg12[%get3A_569, %get3A_570] {strides = array<i32>} : memref<16x256xf32, #tpu.memory_space<vmem>>, vector<1x16xf32>,
    %get3A_572 = vector.shape_cast %get3A_571 : vector<1x16xf32> to vector<16xf32>
    %add3A_573 = arith.addf %broadcast_in_dim3A_1, %get3A_572 : vector<16xf32>
    %get3A_574 = arith.constant 1 : i32
    %get3A_575 = arith.index_cast %get3A_574 : i32 to index
    %get3A_576 = arith.constant 80 : index
    %get3A_577 = tpu.vector_load %arg12[%get3A_575, %get3A_576] {strides = array<i32>} : memref<16x256xf32, #tpu.memory_space<vmem>>, vector<1x16xf32>,
    %get3A_578 = vector.shape_cast %get3A_577 : vector<1x16xf32> to vector<16xf32>
    %add3A_579 = arith.addf %add3A_573, %get3A_578 : vector<16xf32>
    %get3A_580 = arith.constant 2 : i32
    %get3A_581 = arith.index_cast %get3A_580 : i32 to index
    %get3A_582 = arith.constant 80 : index
    %get3A_583 = tpu.vector_load %arg12[%get3A_581, %get3A_582] {strides = array<i32>} : memref<16x256xf32, #tpu.memory_space<vmem>>, vector<1x16xf32>,
    %get3A_584 = vector.shape_cast %get3A_583 : vector<1x16xf32> to vector<16xf32>
    %add3A_585 = arith.addf %add3A_579, %get3A_584 : vector<16xf32>
    %get3A_586 = arith.constant 3 : i32
    %get3A_587 = arith.index_cast %get3A_586 : i32 to index
    %get3A_588 = arith.constant 80 : index
    %get3A_589 = tpu.vector_load %arg12[%get3A_587, %get3A_588] {strides = array<i32>} : memref<16x256xf32, #tpu.memory_space<vmem>>, vector<1x16xf32>,
    %get3A_590 = vector.shape_cast %get3A_589 : vector<1x16xf32> to vector<16xf32>
    %add3A_591 = arith.addf %add3A_585, %get3A_590 : vector<16xf32>
    %get3A_592 = arith.constant 4 : i32
    %get3A_593 = arith.index_cast %get3A_592 : i32 to index
    %get3A_594 = arith.constant 80 : index
    %get3A_595 = tpu.vector_load %arg12[%get3A_593, %get3A_594] {strides = array<i32>} : memref<16x256xf32, #tpu.memory_space<vmem>>, vector<1x16xf32>,
    %get3A_596 = vector.shape_cast %get3A_595 : vector<1x16xf32> to vector<16xf32>
    %add3A_597 = arith.addf %add3A_591, %get3A_596 : vector<16xf32>
    %get3A_598 = arith.constant 5 : i32
    %get3A_599 = arith.index_cast %get3A_598 : i32 to index
    %get3A_600 = arith.constant 80 : index
    %get3A_601 = tpu.vector_load %arg12[%get3A_599, %get3A_600] {strides = array<i32>} : memref<16x256xf32, #tpu.memory_space<vmem>>, vector<1x16xf32>,
    %get3A_602 = vector.shape_cast %get3A_601 : vector<1x16xf32> to vector<16xf32>
    %add3A_603 = arith.addf %add3A_597, %get3A_602 : vector<16xf32>
    %get3A_604 = arith.constant 6 : i32
    %get3A_605 = arith.index_cast %get3A_604 : i32 to index
    %get3A_606 = arith.constant 80 : index
    %get3A_607 = tpu.vector_load %arg12[%get3A_605, %get3A_606] {strides = array<i32>} : memref<16x256xf32, #tpu.memory_space<vmem>>, vector<1x16xf32>,
    %get3A_608 = vector.shape_cast %get3A_607 : vector<1x16xf32> to vector<16xf32>
    %add3A_609 = arith.addf %add3A_603, %get3A_608 : vector<16xf32>
    %get3A_610 = arith.constant 7 : i32
    %get3A_611 = arith.index_cast %get3A_610 : i32 to index
    %get3A_612 = arith.constant 80 : index
    %get3A_613 = tpu.vector_load %arg12[%get3A_611, %get3A_612] {strides = array<i32>} : memref<16x256xf32, #tpu.memory_space<vmem>>, vector<1x16xf32>,
    %get3A_614 = vector.shape_cast %get3A_613 : vector<1x16xf32> to vector<16xf32>
    %add3A_615 = arith.addf %add3A_609, %get3A_614 : vector<16xf32>
    %get3A_616 = arith.constant 8 : i32
    %get3A_617 = arith.index_cast %get3A_616 : i32 to index
    %get3A_618 = arith.constant 80 : index
    %get3A_619 = tpu.vector_load %arg12[%get3A_617, %get3A_618] {strides = array<i32>} : memref<16x256xf32, #tpu.memory_space<vmem>>, vector<1x16xf32>,
    %get3A_620 = vector.shape_cast %get3A_619 : vector<1x16xf32> to vector<16xf32>
    %add3A_621 = arith.addf %add3A_615, %get3A_620 : vector<16xf32>
    %get3A_622 = arith.constant 9 : i32
    %get3A_623 = arith.index_cast %get3A_622 : i32 to index
    %get3A_624 = arith.constant 80 : index
    %get3A_625 = tpu.vector_load %arg12[%get3A_623, %get3A_624] {strides = array<i32>} : memref<16x256xf32, #tpu.memory_space<vmem>>, vector<1x16xf32>,
    %get3A_626 = vector.shape_cast %get3A_625 : vector<1x16xf32> to vector<16xf32>
    %add3A_627 = arith.addf %add3A_621, %get3A_626 : vector<16xf32>
    %get3A_628 = arith.constant 10 : i32
    %get3A_629 = arith.index_cast %get3A_628 : i32 to index
    %get3A_630 = arith.constant 80 : index
    %get3A_631 = tpu.vector_load %arg12[%get3A_629, %get3A_630] {strides = array<i32>} : memref<16x256xf32, #tpu.memory_space<vmem>>, vector<1x16xf32>,
    %get3A_632 = vector.shape_cast %get3A_631 : vector<1x16xf32> to vector<16xf32>
    %add3A_633 = arith.addf %add3A_627, %get3A_632 : vector<16xf32>
    %get3A_634 = arith.constant 11 : i32
    %get3A_635 = arith.index_cast %get3A_634 : i32 to index
    %get3A_636 = arith.constant 80 : index
    %get3A_637 = tpu.vector_load %arg12[%get3A_635, %get3A_636] {strides = array<i32>} : memref<16x256xf32, #tpu.memory_space<vmem>>, vector<1x16xf32>,
    %get3A_638 = vector.shape_cast %get3A_637 : vector<1x16xf32> to vector<16xf32>
    %add3A_639 = arith.addf %add3A_633, %get3A_638 : vector<16xf32>
    %get3A_640 = arith.constant 12 : i32
    %get3A_641 = arith.index_cast %get3A_640 : i32 to index
    %get3A_642 = arith.constant 80 : index
    %get3A_643 = tpu.vector_load %arg12[%get3A_641, %get3A_642] {strides = array<i32>} : memref<16x256xf32, #tpu.memory_space<vmem>>, vector<1x16xf32>,
    %get3A_644 = vector.shape_cast %get3A_643 : vector<1x16xf32> to vector<16xf32>
    %add3A_645 = arith.addf %add3A_639, %get3A_644 : vector<16xf32>
    %get3A_646 = arith.constant 13 : i32
    %get3A_647 = arith.index_cast %get3A_646 : i32 to index
    %get3A_648 = arith.constant 80 : index
    %get3A_649 = tpu.vector_load %arg12[%get3A_647, %get3A_648] {strides = array<i32>} : memref<16x256xf32, #tpu.memory_space<vmem>>, vector<1x16xf32>,
    %get3A_650 = vector.shape_cast %get3A_649 : vector<1x16xf32> to vector<16xf32>
    %add3A_651 = arith.addf %add3A_645, %get3A_650 : vector<16xf32>
    %get3A_652 = arith.constant 14 : i32
    %get3A_653 = arith.index_cast %get3A_652 : i32 to index
    %get3A_654 = arith.constant 80 : index
    %get3A_655 = tpu.vector_load %arg12[%get3A_653, %get3A_654] {strides = array<i32>} : memref<16x256xf32, #tpu.memory_space<vmem>>, vector<1x16xf32>,
    %get3A_656 = vector.shape_cast %get3A_655 : vector<1x16xf32> to vector<16xf32>
    %add3A_657 = arith.addf %add3A_651, %get3A_656 : vector<16xf32>
    %get3A_658 = arith.constant 15 : i32
    %get3A_659 = arith.index_cast %get3A_658 : i32 to index
    %get3A_660 = arith.constant 80 : index
    %get3A_661 = tpu.vector_load %arg12[%get3A_659, %get3A_660] {strides = array<i32>} : memref<16x256xf32, #tpu.memory_space<vmem>>, vector<1x16xf32>,
    %get3A_662 = vector.shape_cast %get3A_661 : vector<1x16xf32> to vector<16xf32>
    %add3A_663 = arith.addf %add3A_657, %get3A_662 : vector<16xf32>
    %swap3A_664 = arith.constant 80 : index
    %swap3A_665 = tpu.vector_load %arg11[%swap3A_664] {strides = array<i32>} : memref<256xf32, #tpu.memory_space<vmem>>, vector<16xf32>,
    %swap3A_666 = vector.shape_cast %swap3A_665 : vector<16xf32> to vector<16xf32>
    %swap3A_667 = vector.shape_cast %add3A_663 : vector<16xf32> to vector<16xf32>
    tpu.vector_store %arg11[%swap3A_664], %swap3A_667 {strides = array<i32>} : memref<256xf32, #tpu.memory_space<vmem>>, vector<16xf32>,
    %get3A_668 = arith.constant 0 : i32
    %get3A_669 = arith.index_cast %get3A_668 : i32 to index
    %get3A_670 = arith.constant 96 : index
    %get3A_671 = tpu.vector_load %arg12[%get3A_669, %get3A_670] {strides = array<i32>} : memref<16x256xf32, #tpu.memory_space<vmem>>, vector<1x16xf32>,
    %get3A_672 = vector.shape_cast %get3A_671 : vector<1x16xf32> to vector<16xf32>
    %add3A_673 = arith.addf %broadcast_in_dim3A_1, %get3A_672 : vector<16xf32>
    %get3A_674 = arith.constant 1 : i32
    %get3A_675 = arith.index_cast %get3A_674 : i32 to index
    %get3A_676 = arith.constant 96 : index
    %get3A_677 = tpu.vector_load %arg12[%get3A_675, %get3A_676] {strides = array<i32>} : memref<16x256xf32, #tpu.memory_space<vmem>>, vector<1x16xf32>,
    %get3A_678 = vector.shape_cast %get3A_677 : vector<1x16xf32> to vector<16xf32>
    %add3A_679 = arith.addf %add3A_673, %get3A_678 : vector<16xf32>
    %get3A_680 = arith.constant 2 : i32
    %get3A_681 = arith.index_cast %get3A_680 : i32 to index
    %get3A_682 = arith.constant 96 : index
    %get3A_683 = tpu.vector_load %arg12[%get3A_681, %get3A_682] {strides = array<i32>} : memref<16x256xf32, #tpu.memory_space<vmem>>, vector<1x16xf32>,
    %get3A_684 = vector.shape_cast %get3A_683 : vector<1x16xf32> to vector<16xf32>
    %add3A_685 = arith.addf %add3A_679, %get3A_684 : vector<16xf32>
    %get3A_686 = arith.constant 3 : i32
    %get3A_687 = arith.index_cast %get3A_686 : i32 to index
    %get3A_688 = arith.constant 96 : index
    %get3A_689 = tpu.vector_load %arg12[%get3A_687, %get3A_688] {strides = array<i32>} : memref<16x256xf32, #tpu.memory_space<vmem>>, vector<1x16xf32>,
    %get3A_690 = vector.shape_cast %get3A_689 : vector<1x16xf32> to vector<16xf32>
    %add3A_691 = arith.addf %add3A_685, %get3A_690 : vector<16xf32>
    %get3A_692 = arith.constant 4 : i32
    %get3A_693 = arith.index_cast %get3A_692 : i32 to index
    %get3A_694 = arith.constant 96 : index
    %get3A_695 = tpu.vector_load %arg12[%get3A_693, %get3A_694] {strides = array<i32>} : memref<16x256xf32, #tpu.memory_space<vmem>>, vector<1x16xf32>,
    %get3A_696 = vector.shape_cast %get3A_695 : vector<1x16xf32> to vector<16xf32>
    %add3A_697 = arith.addf %add3A_691, %get3A_696 : vector<16xf32>
    %get3A_698 = arith.constant 5 : i32
    %get3A_699 = arith.index_cast %get3A_698 : i32 to index
    %get3A_700 = arith.constant 96 : index
    %get3A_701 = tpu.vector_load %arg12[%get3A_699, %get3A_700] {strides = array<i32>} : memref<16x256xf32, #tpu.memory_space<vmem>>, vector<1x16xf32>,
    %get3A_702 = vector.shape_cast %get3A_701 : vector<1x16xf32> to vector<16xf32>
    %add3A_703 = arith.addf %add3A_697, %get3A_702 : vector<16xf32>
    %get3A_704 = arith.constant 6 : i32
    %get3A_705 = arith.index_cast %get3A_704 : i32 to index
    %get3A_706 = arith.constant 96 : index
    %get3A_707 = tpu.vector_load %arg12[%get3A_705, %get3A_706] {strides = array<i32>} : memref<16x256xf32, #tpu.memory_space<vmem>>, vector<1x16xf32>,
    %get3A_708 = vector.shape_cast %get3A_707 : vector<1x16xf32> to vector<16xf32>
    %add3A_709 = arith.addf %add3A_703, %get3A_708 : vector<16xf32>
    %get3A_710 = arith.constant 7 : i32
    %get3A_711 = arith.index_cast %get3A_710 : i32 to index
    %get3A_712 = arith.constant 96 : index
    %get3A_713 = tpu.vector_load %arg12[%get3A_711, %get3A_712] {strides = array<i32>} : memref<16x256xf32, #tpu.memory_space<vmem>>, vector<1x16xf32>,
    %get3A_714 = vector.shape_cast %get3A_713 : vector<1x16xf32> to vector<16xf32>
    %add3A_715 = arith.addf %add3A_709, %get3A_714 : vector<16xf32>
    %get3A_716 = arith.constant 8 : i32
    %get3A_717 = arith.index_cast %get3A_716 : i32 to index
    %get3A_718 = arith.constant 96 : index
    %get3A_719 = tpu.vector_load %arg12[%get3A_717, %get3A_718] {strides = array<i32>} : memref<16x256xf32, #tpu.memory_space<vmem>>, vector<1x16xf32>,
    %get3A_720 = vector.shape_cast %get3A_719 : vector<1x16xf32> to vector<16xf32>
    %add3A_721 = arith.addf %add3A_715, %get3A_720 : vector<16xf32>
    %get3A_722 = arith.constant 9 : i32
    %get3A_723 = arith.index_cast %get3A_722 : i32 to index
    %get3A_724 = arith.constant 96 : index
    %get3A_725 = tpu.vector_load %arg12[%get3A_723, %get3A_724] {strides = array<i32>} : memref<16x256xf32, #tpu.memory_space<vmem>>, vector<1x16xf32>,
    %get3A_726 = vector.shape_cast %get3A_725 : vector<1x16xf32> to vector<16xf32>
    %add3A_727 = arith.addf %add3A_721, %get3A_726 : vector<16xf32>
    %get3A_728 = arith.constant 10 : i32
    %get3A_729 = arith.index_cast %get3A_728 : i32 to index
    %get3A_730 = arith.constant 96 : index
    %get3A_731 = tpu.vector_load %arg12[%get3A_729, %get3A_730] {strides = array<i32>} : memref<16x256xf32, #tpu.memory_space<vmem>>, vector<1x16xf32>,
    %get3A_732 = vector.shape_cast %get3A_731 : vector<1x16xf32> to vector<16xf32>
    %add3A_733 = arith.addf %add3A_727, %get3A_732 : vector<16xf32>
    %get3A_734 = arith.constant 11 : i32
    %get3A_735 = arith.index_cast %get3A_734 : i32 to index
    %get3A_736 = arith.constant 96 : index
    %get3A_737 = tpu.vector_load %arg12[%get3A_735, %get3A_736] {strides = array<i32>} : memref<16x256xf32, #tpu.memory_space<vmem>>, vector<1x16xf32>,
    %get3A_738 = vector.shape_cast %get3A_737 : vector<1x16xf32> to vector<16xf32>
    %add3A_739 = arith.addf %add3A_733, %get3A_738 : vector<16xf32>
    %get3A_740 = arith.constant 12 : i32
    %get3A_741 = arith.index_cast %get3A_740 : i32 to index
    %get3A_742 = arith.constant 96 : index
    %get3A_743 = tpu.vector_load %arg12[%get3A_741, %get3A_742] {strides = array<i32>} : memref<16x256xf32, #tpu.memory_space<vmem>>, vector<1x16xf32>,
    %get3A_744 = vector.shape_cast %get3A_743 : vector<1x16xf32> to vector<16xf32>
    %add3A_745 = arith.addf %add3A_739, %get3A_744 : vector<16xf32>
    %get3A_746 = arith.constant 13 : i32
    %get3A_747 = arith.index_cast %get3A_746 : i32 to index
    %get3A_748 = arith.constant 96 : index
    %get3A_749 = tpu.vector_load %arg12[%get3A_747, %get3A_748] {strides = array<i32>} : memref<16x256xf32, #tpu.memory_space<vmem>>, vector<1x16xf32>,
    %get3A_750 = vector.shape_cast %get3A_749 : vector<1x16xf32> to vector<16xf32>
    %add3A_751 = arith.addf %add3A_745, %get3A_750 : vector<16xf32>
    %get3A_752 = arith.constant 14 : i32
    %get3A_753 = arith.index_cast %get3A_752 : i32 to index
    %get3A_754 = arith.constant 96 : index
    %get3A_755 = tpu.vector_load %arg12[%get3A_753, %get3A_754] {strides = array<i32>} : memref<16x256xf32, #tpu.memory_space<vmem>>, vector<1x16xf32>,
    %get3A_756 = vector.shape_cast %get3A_755 : vector<1x16xf32> to vector<16xf32>
    %add3A_757 = arith.addf %add3A_751, %get3A_756 : vector<16xf32>
    %get3A_758 = arith.constant 15 : i32
    %get3A_759 = arith.index_cast %get3A_758 : i32 to index
    %get3A_760 = arith.constant 96 : index
    %get3A_761 = tpu.vector_load %arg12[%get3A_759, %get3A_760] {strides = array<i32>} : memref<16x256xf32, #tpu.memory_space<vmem>>, vector<1x16xf32>,
    %get3A_762 = vector.shape_cast %get3A_761 : vector<1x16xf32> to vector<16xf32>
    %add3A_763 = arith.addf %add3A_757, %get3A_762 : vector<16xf32>
    %swap3A_764 = arith.constant 96 : index
    %swap3A_765 = tpu.vector_load %arg11[%swap3A_764] {strides = array<i32>} : memref<256xf32, #tpu.memory_space<vmem>>, vector<16xf32>,
    %swap3A_766 = vector.shape_cast %swap3A_765 : vector<16xf32> to vector<16xf32>
    %swap3A_767 = vector.shape_cast %add3A_763 : vector<16xf32> to vector<16xf32>
    tpu.vector_store %arg11[%swap3A_764], %swap3A_767 {strides = array<i32>} : memref<256xf32, #tpu.memory_space<vmem>>, vector<16xf32>,
    %get3A_768 = arith.constant 0 : i32
    %get3A_769 = arith.index_cast %get3A_768 : i32 to index
    %get3A_770 = arith.constant 112 : index
    %get3A_771 = tpu.vector_load %arg12[%get3A_769, %get3A_770] {strides = array<i32>} : memref<16x256xf32, #tpu.memory_space<vmem>>, vector<1x16xf32>,
    %get3A_772 = vector.shape_cast %get3A_771 : vector<1x16xf32> to vector<16xf32>
    %add3A_773 = arith.addf %broadcast_in_dim3A_1, %get3A_772 : vector<16xf32>
    %get3A_774 = arith.constant 1 : i32
    %get3A_775 = arith.index_cast %get3A_774 : i32 to index
    %get3A_776 = arith.constant 112 : index
    %get3A_777 = tpu.vector_load %arg12[%get3A_775, %get3A_776] {strides = array<i32>} : memref<16x256xf32, #tpu.memory_space<vmem>>, vector<1x16xf32>,
    %get3A_778 = vector.shape_cast %get3A_777 : vector<1x16xf32> to vector<16xf32>
    %add3A_779 = arith.addf %add3A_773, %get3A_778 : vector<16xf32>
    %get3A_780 = arith.constant 2 : i32
    %get3A_781 = arith.index_cast %get3A_780 : i32 to index
    %get3A_782 = arith.constant 112 : index
    %get3A_783 = tpu.vector_load %arg12[%get3A_781, %get3A_782] {strides = array<i32>} : memref<16x256xf32, #tpu.memory_space<vmem>>, vector<1x16xf32>,
    %get3A_784 = vector.shape_cast %get3A_783 : vector<1x16xf32> to vector<16xf32>
    %add3A_785 = arith.addf %add3A_779, %get3A_784 : vector<16xf32>
    %get3A_786 = arith.constant 3 : i32
    %get3A_787 = arith.index_cast %get3A_786 : i32 to index
    %get3A_788 = arith.constant 112 : index
    %get3A_789 = tpu.vector_load %arg12[%get3A_787, %get3A_788] {strides = array<i32>} : memref<16x256xf32, #tpu.memory_space<vmem>>, vector<1x16xf32>,
    %get3A_790 = vector.shape_cast %get3A_789 : vector<1x16xf32> to vector<16xf32>
    %add3A_791 = arith.addf %add3A_785, %get3A_790 : vector<16xf32>
    %get3A_792 = arith.constant 4 : i32
    %get3A_793 = arith.index_cast %get3A_792 : i32 to index
    %get3A_794 = arith.constant 112 : index
    %get3A_795 = tpu.vector_load %arg12[%get3A_793, %get3A_794] {strides = array<i32>} : memref<16x256xf32, #tpu.memory_space<vmem>>, vector<1x16xf32>,
    %get3A_796 = vector.shape_cast %get3A_795 : vector<1x16xf32> to vector<16xf32>
    %add3A_797 = arith.addf %add3A_791, %get3A_796 : vector<16xf32>
    %get3A_798 = arith.constant 5 : i32
    %get3A_799 = arith.index_cast %get3A_798 : i32 to index
    %get3A_800 = arith.constant 112 : index
    %get3A_801 = tpu.vector_load %arg12[%get3A_799, %get3A_800] {strides = array<i32>} : memref<16x256xf32, #tpu.memory_space<vmem>>, vector<1x16xf32>,
    %get3A_802 = vector.shape_cast %get3A_801 : vector<1x16xf32> to vector<16xf32>
    %add3A_803 = arith.addf %add3A_797, %get3A_802 : vector<16xf32>
    %get3A_804 = arith.constant 6 : i32
    %get3A_805 = arith.index_cast %get3A_804 : i32 to index
    %get3A_806 = arith.constant 112 : index
    %get3A_807 = tpu.vector_load %arg12[%get3A_805, %get3A_806] {strides = array<i32>} : memref<16x256xf32, #tpu.memory_space<vmem>>, vector<1x16xf32>,
    %get3A_808 = vector.shape_cast %get3A_807 : vector<1x16xf32> to vector<16xf32>
    %add3A_809 = arith.addf %add3A_803, %get3A_808 : vector<16xf32>
    %get3A_810 = arith.constant 7 : i32
    %get3A_811 = arith.index_cast %get3A_810 : i32 to index
    %get3A_812 = arith.constant 112 : index
    %get3A_813 = tpu.vector_load %arg12[%get3A_811, %get3A_812] {strides = array<i32>} : memref<16x256xf32, #tpu.memory_space<vmem>>, vector<1x16xf32>,
    %get3A_814 = vector.shape_cast %get3A_813 : vector<1x16xf32> to vector<16xf32>
    %add3A_815 = arith.addf %add3A_809, %get3A_814 : vector<16xf32>
    %get3A_816 = arith.constant 8 : i32
    %get3A_817 = arith.index_cast %get3A_816 : i32 to index
    %get3A_818 = arith.constant 112 : index
    %get3A_819 = tpu.vector_load %arg12[%get3A_817, %get3A_818] {strides = array<i32>} : memref<16x256xf32, #tpu.memory_space<vmem>>, vector<1x16xf32>,
    %get3A_820 = vector.shape_cast %get3A_819 : vector<1x16xf32> to vector<16xf32>
    %add3A_821 = arith.addf %add3A_815, %get3A_820 : vector<16xf32>
    %get3A_822 = arith.constant 9 : i32
    %get3A_823 = arith.index_cast %get3A_822 : i32 to index
    %get3A_824 = arith.constant 112 : index
    %get3A_825 = tpu.vector_load %arg12[%get3A_823, %get3A_824] {strides = array<i32>} : memref<16x256xf32, #tpu.memory_space<vmem>>, vector<1x16xf32>,
    %get3A_826 = vector.shape_cast %get3A_825 : vector<1x16xf32> to vector<16xf32>
    %add3A_827 = arith.addf %add3A_821, %get3A_826 : vector<16xf32>
    %get3A_828 = arith.constant 10 : i32
    %get3A_829 = arith.index_cast %get3A_828 : i32 to index
    %get3A_830 = arith.constant 112 : index
    %get3A_831 = tpu.vector_load %arg12[%get3A_829, %get3A_830] {strides = array<i32>} : memref<16x256xf32, #tpu.memory_space<vmem>>, vector<1x16xf32>,
    %get3A_832 = vector.shape_cast %get3A_831 : vector<1x16xf32> to vector<16xf32>
    %add3A_833 = arith.addf %add3A_827, %get3A_832 : vector<16xf32>
    %get3A_834 = arith.constant 11 : i32
    %get3A_835 = arith.index_cast %get3A_834 : i32 to index
    %get3A_836 = arith.constant 112 : index
    %get3A_837 = tpu.vector_load %arg12[%get3A_835, %get3A_836] {strides = array<i32>} : memref<16x256xf32, #tpu.memory_space<vmem>>, vector<1x16xf32>,
    %get3A_838 = vector.shape_cast %get3A_837 : vector<1x16xf32> to vector<16xf32>
    %add3A_839 = arith.addf %add3A_833, %get3A_838 : vector<16xf32>
    %get3A_840 = arith.constant 12 : i32
    %get3A_841 = arith.index_cast %get3A_840 : i32 to index
    %get3A_842 = arith.constant 112 : index
    %get3A_843 = tpu.vector_load %arg12[%get3A_841, %get3A_842] {strides = array<i32>} : memref<16x256xf32, #tpu.memory_space<vmem>>, vector<1x16xf32>,
    %get3A_844 = vector.shape_cast %get3A_843 : vector<1x16xf32> to vector<16xf32>
    %add3A_845 = arith.addf %add3A_839, %get3A_844 : vector<16xf32>
    %get3A_846 = arith.constant 13 : i32
    %get3A_847 = arith.index_cast %get3A_846 : i32 to index
    %get3A_848 = arith.constant 112 : index
    %get3A_849 = tpu.vector_load %arg12[%get3A_847, %get3A_848] {strides = array<i32>} : memref<16x256xf32, #tpu.memory_space<vmem>>, vector<1x16xf32>,
    %get3A_850 = vector.shape_cast %get3A_849 : vector<1x16xf32> to vector<16xf32>
    %add3A_851 = arith.addf %add3A_845, %get3A_850 : vector<16xf32>
    %get3A_852 = arith.constant 14 : i32
    %get3A_853 = arith.index_cast %get3A_852 : i32 to index
    %get3A_854 = arith.constant 112 : index
    %get3A_855 = tpu.vector_load %arg12[%get3A_853, %get3A_854] {strides = array<i32>} : memref<16x256xf32, #tpu.memory_space<vmem>>, vector<1x16xf32>,
    %get3A_856 = vector.shape_cast %get3A_855 : vector<1x16xf32> to vector<16xf32>
    %add3A_857 = arith.addf %add3A_851, %get3A_856 : vector<16xf32>
    %get3A_858 = arith.constant 15 : i32
    %get3A_859 = arith.index_cast %get3A_858 : i32 to index
    %get3A_860 = arith.constant 112 : index
    %get3A_861 = tpu.vector_load %arg12[%get3A_859, %get3A_860] {strides = array<i32>} : memref<16x256xf32, #tpu.memory_space<vmem>>, vector<1x16xf32>,
    %get3A_862 = vector.shape_cast %get3A_861 : vector<1x16xf32> to vector<16xf32>
    %add3A_863 = arith.addf %add3A_857, %get3A_862 : vector<16xf32>
    %swap3A_864 = arith.constant 112 : index
    %swap3A_865 = tpu.vector_load %arg11[%swap3A_864] {strides = array<i32>} : memref<256xf32, #tpu.memory_space<vmem>>, vector<16xf32>,
    %swap3A_866 = vector.shape_cast %swap3A_865 : vector<16xf32> to vector<16xf32>
    %swap3A_867 = vector.shape_cast %add3A_863 : vector<16xf32> to vector<16xf32>
    tpu.vector_store %arg11[%swap3A_864], %swap3A_867 {strides = array<i32>} : memref<256xf32, #tpu.memory_space<vmem>>, vector<16xf32>,
    %get3A_868 = arith.constant 0 : i32
    %get3A_869 = arith.index_cast %get3A_868 : i32 to index
    %get3A_870 = arith.constant 128 : index
    %get3A_871 = tpu.vector_load %arg12[%get3A_869, %get3A_870] {strides = array<i32>} : memref<16x256xf32, #tpu.memory_space<vmem>>, vector<1x16xf32>,
    %get3A_872 = vector.shape_cast %get3A_871 : vector<1x16xf32> to vector<16xf32>
    %add3A_873 = arith.addf %broadcast_in_dim3A_1, %get3A_872 : vector<16xf32>
    %get3A_874 = arith.constant 1 : i32
    %get3A_875 = arith.index_cast %get3A_874 : i32 to index
    %get3A_876 = arith.constant 128 : index
    %get3A_877 = tpu.vector_load %arg12[%get3A_875, %get3A_876] {strides = array<i32>} : memref<16x256xf32, #tpu.memory_space<vmem>>, vector<1x16xf32>,
    %get3A_878 = vector.shape_cast %get3A_877 : vector<1x16xf32> to vector<16xf32>
    %add3A_879 = arith.addf %add3A_873, %get3A_878 : vector<16xf32>
    %get3A_880 = arith.constant 2 : i32
    %get3A_881 = arith.index_cast %get3A_880 : i32 to index
    %get3A_882 = arith.constant 128 : index
    %get3A_883 = tpu.vector_load %arg12[%get3A_881, %get3A_882] {strides = array<i32>} : memref<16x256xf32, #tpu.memory_space<vmem>>, vector<1x16xf32>,
    %get3A_884 = vector.shape_cast %get3A_883 : vector<1x16xf32> to vector<16xf32>
    %add3A_885 = arith.addf %add3A_879, %get3A_884 : vector<16xf32>
    %get3A_886 = arith.constant 3 : i32
    %get3A_887 = arith.index_cast %get3A_886 : i32 to index
    %get3A_888 = arith.constant 128 : index
    %get3A_889 = tpu.vector_load %arg12[%get3A_887, %get3A_888] {strides = array<i32>} : memref<16x256xf32, #tpu.memory_space<vmem>>, vector<1x16xf32>,
    %get3A_890 = vector.shape_cast %get3A_889 : vector<1x16xf32> to vector<16xf32>
    %add3A_891 = arith.addf %add3A_885, %get3A_890 : vector<16xf32>
    %get3A_892 = arith.constant 4 : i32
    %get3A_893 = arith.index_cast %get3A_892 : i32 to index
    %get3A_894 = arith.constant 128 : index
    %get3A_895 = tpu.vector_load %arg12[%get3A_893, %get3A_894] {strides = array<i32>} : memref<16x256xf32, #tpu.memory_space<vmem>>, vector<1x16xf32>,
    %get3A_896 = vector.shape_cast %get3A_895 : vector<1x16xf32> to vector<16xf32>
    %add3A_897 = arith.addf %add3A_891, %get3A_896 : vector<16xf32>
    %get3A_898 = arith.constant 5 : i32
    %get3A_899 = arith.index_cast %get3A_898 : i32 to index
    %get3A_900 = arith.constant 128 : index
    %get3A_901 = tpu.vector_load %arg12[%get3A_899, %get3A_900] {strides = array<i32>} : memref<16x256xf32, #tpu.memory_space<vmem>>, vector<1x16xf32>,
    %get3A_902 = vector.shape_cast %get3A_901 : vector<1x16xf32> to vector<16xf32>
    %add3A_903 = arith.addf %add3A_897, %get3A_902 : vector<16xf32>
    %get3A_904 = arith.constant 6 : i32
    %get3A_905 = arith.index_cast %get3A_904 : i32 to index
    %get3A_906 = arith.constant 128 : index
    %get3A_907 = tpu.vector_load %arg12[%get3A_905, %get3A_906] {strides = array<i32>} : memref<16x256xf32, #tpu.memory_space<vmem>>, vector<1x16xf32>,
    %get3A_908 = vector.shape_cast %get3A_907 : vector<1x16xf32> to vector<16xf32>
    %add3A_909 = arith.addf %add3A_903, %get3A_908 : vector<16xf32>
    %get3A_910 = arith.constant 7 : i32
    %get3A_911 = arith.index_cast %get3A_910 : i32 to index
    %get3A_912 = arith.constant 128 : index
    %get3A_913 = tpu.vector_load %arg12[%get3A_911, %get3A_912] {strides = array<i32>} : memref<16x256xf32, #tpu.memory_space<vmem>>, vector<1x16xf32>,
    %get3A_914 = vector.shape_cast %get3A_913 : vector<1x16xf32> to vector<16xf32>
    %add3A_915 = arith.addf %add3A_909, %get3A_914 : vector<16xf32>
    %get3A_916 = arith.constant 8 : i32
    %get3A_917 = arith.index_cast %get3A_916 : i32 to index
    %get3A_918 = arith.constant 128 : index
    %get3A_919 = tpu.vector_load %arg12[%get3A_917, %get3A_918] {strides = array<i32>} : memref<16x256xf32, #tpu.memory_space<vmem>>, vector<1x16xf32>,
    %get3A_920 = vector.shape_cast %get3A_919 : vector<1x16xf32> to vector<16xf32>
    %add3A_921 = arith.addf %add3A_915, %get3A_920 : vector<16xf32>
    %get3A_922 = arith.constant 9 : i32
    %get3A_923 = arith.index_cast %get3A_922 : i32 to index
    %get3A_924 = arith.constant 128 : index
    %get3A_925 = tpu.vector_load %arg12[%get3A_923, %get3A_924] {strides = array<i32>} : memref<16x256xf32, #tpu.memory_space<vmem>>, vector<1x16xf32>,
    %get3A_926 = vector.shape_cast %get3A_925 : vector<1x16xf32> to vector<16xf32>
    %add3A_927 = arith.addf %add3A_921, %get3A_926 : vector<16xf32>
    %get3A_928 = arith.constant 10 : i32
    %get3A_929 = arith.index_cast %get3A_928 : i32 to index
    %get3A_930 = arith.constant 128 : index
    %get3A_931 = tpu.vector_load %arg12[%get3A_929, %get3A_930] {strides = array<i32>} : memref<16x256xf32, #tpu.memory_space<vmem>>, vector<1x16xf32>,
    %get3A_932 = vector.shape_cast %get3A_931 : vector<1x16xf32> to vector<16xf32>
    %add3A_933 = arith.addf %add3A_927, %get3A_932 : vector<16xf32>
    %get3A_934 = arith.constant 11 : i32
    %get3A_935 = arith.index_cast %get3A_934 : i32 to index
    %get3A_936 = arith.constant 128 : index
    %get3A_937 = tpu.vector_load %arg12[%get3A_935, %get3A_936] {strides = array<i32>} : memref<16x256xf32, #tpu.memory_space<vmem>>, vector<1x16xf32>,
    %get3A_938 = vector.shape_cast %get3A_937 : vector<1x16xf32> to vector<16xf32>
    %add3A_939 = arith.addf %add3A_933, %get3A_938 : vector<16xf32>
    %get3A_940 = arith.constant 12 : i32
    %get3A_941 = arith.index_cast %get3A_940 : i32 to index
    %get3A_942 = arith.constant 128 : index
    %get3A_943 = tpu.vector_load %arg12[%get3A_941, %get3A_942] {strides = array<i32>} : memref<16x256xf32, #tpu.memory_space<vmem>>, vector<1x16xf32>,
    %get3A_944 = vector.shape_cast %get3A_943 : vector<1x16xf32> to vector<16xf32>
    %add3A_945 = arith.addf %add3A_939, %get3A_944 : vector<16xf32>
    %get3A_946 = arith.constant 13 : i32
    %get3A_947 = arith.index_cast %get3A_946 : i32 to index
    %get3A_948 = arith.constant 128 : index
    %get3A_949 = tpu.vector_load %arg12[%get3A_947, %get3A_948] {strides = array<i32>} : memref<16x256xf32, #tpu.memory_space<vmem>>, vector<1x16xf32>,
    %get3A_950 = vector.shape_cast %get3A_949 : vector<1x16xf32> to vector<16xf32>
    %add3A_951 = arith.addf %add3A_945, %get3A_950 : vector<16xf32>
    %get3A_952 = arith.constant 14 : i32
    %get3A_953 = arith.index_cast %get3A_952 : i32 to index
    %get3A_954 = arith.constant 128 : index
    %get3A_955 = tpu.vector_load %arg12[%get3A_953, %get3A_954] {strides = array<i32>} : memref<16x256xf32, #tpu.memory_space<vmem>>, vector<1x16xf32>,
    %get3A_956 = vector.shape_cast %get3A_955 : vector<1x16xf32> to vector<16xf32>
    %add3A_957 = arith.addf %add3A_951, %get3A_956 : vector<16xf32>
    %get3A_958 = arith.constant 15 : i32
    %get3A_959 = arith.index_cast %get3A_958 : i32 to index
    %get3A_960 = arith.constant 128 : index
    %get3A_961 = tpu.vector_load %arg12[%get3A_959, %get3A_960] {strides = array<i32>} : memref<16x256xf32, #tpu.memory_space<vmem>>, vector<1x16xf32>,
    %get3A_962 = vector.shape_cast %get3A_961 : vector<1x16xf32> to vector<16xf32>
    %add3A_963 = arith.addf %add3A_957, %get3A_962 : vector<16xf32>
    %swap3A_964 = arith.constant 128 : index
    %swap3A_965 = tpu.vector_load %arg11[%swap3A_964] {strides = array<i32>} : memref<256xf32, #tpu.memory_space<vmem>>, vector<16xf32>,
    %swap3A_966 = vector.shape_cast %swap3A_965 : vector<16xf32> to vector<16xf32>
    %swap3A_967 = vector.shape_cast %add3A_963 : vector<16xf32> to vector<16xf32>
    tpu.vector_store %arg11[%swap3A_964], %swap3A_967 {strides = array<i32>} : memref<256xf32, #tpu.memory_space<vmem>>, vector<16xf32>,
    %get3A_968 = arith.constant 0 : i32
    %get3A_969 = arith.index_cast %get3A_968 : i32 to index
    %get3A_970 = arith.constant 144 : index
    %get3A_971 = tpu.vector_load %arg12[%get3A_969, %get3A_970] {strides = array<i32>} : memref<16x256xf32, #tpu.memory_space<vmem>>, vector<1x16xf32>,
    %get3A_972 = vector.shape_cast %get3A_971 : vector<1x16xf32> to vector<16xf32>
    %add3A_973 = arith.addf %broadcast_in_dim3A_1, %get3A_972 : vector<16xf32>
    %get3A_974 = arith.constant 1 : i32
    %get3A_975 = arith.index_cast %get3A_974 : i32 to index
    %get3A_976 = arith.constant 144 : index
    %get3A_977 = tpu.vector_load %arg12[%get3A_975, %get3A_976] {strides = array<i32>} : memref<16x256xf32, #tpu.memory_space<vmem>>, vector<1x16xf32>,
    %get3A_978 = vector.shape_cast %get3A_977 : vector<1x16xf32> to vector<16xf32>
    %add3A_979 = arith.addf %add3A_973, %get3A_978 : vector<16xf32>
    %get3A_980 = arith.constant 2 : i32
    %get3A_981 = arith.index_cast %get3A_980 : i32 to index
    %get3A_982 = arith.constant 144 : index
    %get3A_983 = tpu.vector_load %arg12[%get3A_981, %get3A_982] {strides = array<i32>} : memref<16x256xf32, #tpu.memory_space<vmem>>, vector<1x16xf32>,
    %get3A_984 = vector.shape_cast %get3A_983 : vector<1x16xf32> to vector<16xf32>
    %add3A_985 = arith.addf %add3A_979, %get3A_984 : vector<16xf32>
    %get3A_986 = arith.constant 3 : i32
    %get3A_987 = arith.index_cast %get3A_986 : i32 to index
    %get3A_988 = arith.constant 144 : index
    %get3A_989 = tpu.vector_load %arg12[%get3A_987, %get3A_988] {strides = array<i32>} : memref<16x256xf32, #tpu.memory_space<vmem>>, vector<1x16xf32>,
    %get3A_990 = vector.shape_cast %get3A_989 : vector<1x16xf32> to vector<16xf32>
    %add3A_991 = arith.addf %add3A_985, %get3A_990 : vector<16xf32>
    %get3A_992 = arith.constant 4 : i32
    %get3A_993 = arith.index_cast %get3A_992 : i32 to index
    %get3A_994 = arith.constant 144 : index
    %get3A_995 = tpu.vector_load %arg12[%get3A_993, %get3A_994] {strides = array<i32>} : memref<16x256xf32, #tpu.memory_space<vmem>>, vector<1x16xf32>,
    %get3A_996 = vector.shape_cast %get3A_995 : vector<1x16xf32> to vector<16xf32>
    %add3A_997 = arith.addf %add3A_991, %get3A_996 : vector<16xf32>
    %get3A_998 = arith.constant 5 : i32
    %get3A_999 = arith.index_cast %get3A_998 : i32 to index
    %get3A_1000 = arith.constant 144 : index
    %get3A_1001 = tpu.vector_load %arg12[%get3A_999, %get3A_1000] {strides = array<i32>} : memref<16x256xf32, #tpu.memory_space<vmem>>, vector<1x16xf32>,
    %get3A_1002 = vector.shape_cast %get3A_1001 : vector<1x16xf32> to vector<16xf32>
    %add3A_1003 = arith.addf %add3A_997, %get3A_1002 : vector<16xf32>
    %get3A_1004 = arith.constant 6 : i32
    %get3A_1005 = arith.index_cast %get3A_1004 : i32 to index
    %get3A_1006 = arith.constant 144 : index
    %get3A_1007 = tpu.vector_load %arg12[%get3A_1005, %get3A_1006] {strides = array<i32>} : memref<16x256xf32, #tpu.memory_space<vmem>>, vector<1x16xf32>,
    %get3A_1008 = vector.shape_cast %get3A_1007 : vector<1x16xf32> to vector<16xf32>
    %add3A_1009 = arith.addf %add3A_1003, %get3A_1008 : vector<16xf32>
    %get3A_1010 = arith.constant 7 : i32
    %get3A_1011 = arith.index_cast %get3A_1010 : i32 to index
    %get3A_1012 = arith.constant 144 : index
    %get3A_1013 = tpu.vector_load %arg12[%get3A_1011, %get3A_1012] {strides = array<i32>} : memref<16x256xf32, #tpu.memory_space<vmem>>, vector<1x16xf32>,
    %get3A_1014 = vector.shape_cast %get3A_1013 : vector<1x16xf32> to vector<16xf32>
    %add3A_1015 = arith.addf %add3A_1009, %get3A_1014 : vector<16xf32>
    %get3A_1016 = arith.constant 8 : i32
    %get3A_1017 = arith.index_cast %get3A_1016 : i32 to index
    %get3A_1018 = arith.constant 144 : index
    %get3A_1019 = tpu.vector_load %arg12[%get3A_1017, %get3A_1018] {strides = array<i32>} : memref<16x256xf32, #tpu.memory_space<vmem>>, vector<1x16xf32>,
    %get3A_1020 = vector.shape_cast %get3A_1019 : vector<1x16xf32> to vector<16xf32>
    %add3A_1021 = arith.addf %add3A_1015, %get3A_1020 : vector<16xf32>
    %get3A_1022 = arith.constant 9 : i32
    %get3A_1023 = arith.index_cast %get3A_1022 : i32 to index
    %get3A_1024 = arith.constant 144 : index
    %get3A_1025 = tpu.vector_load %arg12[%get3A_1023, %get3A_1024] {strides = array<i32>} : memref<16x256xf32, #tpu.memory_space<vmem>>, vector<1x16xf32>,
    %get3A_1026 = vector.shape_cast %get3A_1025 : vector<1x16xf32> to vector<16xf32>
    %add3A_1027 = arith.addf %add3A_1021, %get3A_1026 : vector<16xf32>
    %get3A_1028 = arith.constant 10 : i32
    %get3A_1029 = arith.index_cast %get3A_1028 : i32 to index
    %get3A_1030 = arith.constant 144 : index
    %get3A_1031 = tpu.vector_load %arg12[%get3A_1029, %get3A_1030] {strides = array<i32>} : memref<16x256xf32, #tpu.memory_space<vmem>>, vector<1x16xf32>,
    %get3A_1032 = vector.shape_cast %get3A_1031 : vector<1x16xf32> to vector<16xf32>
    %add3A_1033 = arith.addf %add3A_1027, %get3A_1032 : vector<16xf32>
    %get3A_1034 = arith.constant 11 : i32
    %get3A_1035 = arith.index_cast %get3A_1034 : i32 to index
    %get3A_1036 = arith.constant 144 : index
    %get3A_1037 = tpu.vector_load %arg12[%get3A_1035, %get3A_1036] {strides = array<i32>} : memref<16x256xf32, #tpu.memory_space<vmem>>, vector<1x16xf32>,
    %get3A_1038 = vector.shape_cast %get3A_1037 : vector<1x16xf32> to vector<16xf32>
    %add3A_1039 = arith.addf %add3A_1033, %get3A_1038 : vector<16xf32>
    %get3A_1040 = arith.constant 12 : i32
    %get3A_1041 = arith.index_cast %get3A_1040 : i32 to index
    %get3A_1042 = arith.constant 144 : index
    %get3A_1043 = tpu.vector_load %arg12[%get3A_1041, %get3A_1042] {strides = array<i32>} : memref<16x256xf32, #tpu.memory_space<vmem>>, vector<1x16xf32>,
    %get3A_1044 = vector.shape_cast %get3A_1043 : vector<1x16xf32> to vector<16xf32>
    %add3A_1045 = arith.addf %add3A_1039, %get3A_1044 : vector<16xf32>
    %get3A_1046 = arith.constant 13 : i32
    %get3A_1047 = arith.index_cast %get3A_1046 : i32 to index
    %get3A_1048 = arith.constant 144 : index
    %get3A_1049 = tpu.vector_load %arg12[%get3A_1047, %get3A_1048] {strides = array<i32>} : memref<16x256xf32, #tpu.memory_space<vmem>>, vector<1x16xf32>,
    %get3A_1050 = vector.shape_cast %get3A_1049 : vector<1x16xf32> to vector<16xf32>
    %add3A_1051 = arith.addf %add3A_1045, %get3A_1050 : vector<16xf32>
    %get3A_1052 = arith.constant 14 : i32
    %get3A_1053 = arith.index_cast %get3A_1052 : i32 to index
    %get3A_1054 = arith.constant 144 : index
    %get3A_1055 = tpu.vector_load %arg12[%get3A_1053, %get3A_1054] {strides = array<i32>} : memref<16x256xf32, #tpu.memory_space<vmem>>, vector<1x16xf32>,
    %get3A_1056 = vector.shape_cast %get3A_1055 : vector<1x16xf32> to vector<16xf32>
    %add3A_1057 = arith.addf %add3A_1051, %get3A_1056 : vector<16xf32>
    %get3A_1058 = arith.constant 15 : i32
    %get3A_1059 = arith.index_cast %get3A_1058 : i32 to index
    %get3A_1060 = arith.constant 144 : index
    %get3A_1061 = tpu.vector_load %arg12[%get3A_1059, %get3A_1060] {strides = array<i32>} : memref<16x256xf32, #tpu.memory_space<vmem>>, vector<1x16xf32>,
    %get3A_1062 = vector.shape_cast %get3A_1061 : vector<1x16xf32> to vector<16xf32>
    %add3A_1063 = arith.addf %add3A_1057, %get3A_1062 : vector<16xf32>
    %swap3A_1064 = arith.constant 144 : index
    %swap3A_1065 = tpu.vector_load %arg11[%swap3A_1064] {strides = array<i32>} : memref<256xf32, #tpu.memory_space<vmem>>, vector<16xf32>,
    %swap3A_1066 = vector.shape_cast %swap3A_1065 : vector<16xf32> to vector<16xf32>
    %swap3A_1067 = vector.shape_cast %add3A_1063 : vector<16xf32> to vector<16xf32>
    tpu.vector_store %arg11[%swap3A_1064], %swap3A_1067 {strides = array<i32>} : memref<256xf32, #tpu.memory_space<vmem>>, vector<16xf32>,
    %get3A_1068 = arith.constant 0 : i32
    %get3A_1069 = arith.index_cast %get3A_1068 : i32 to index
    %get3A_1070 = arith.constant 160 : index
    %get3A_1071 = tpu.vector_load %arg12[%get3A_1069, %get3A_1070] {strides = array<i32>} : memref<16x256xf32, #tpu.memory_space<vmem>>, vector<1x16xf32>,
    %get3A_1072 = vector.shape_cast %get3A_1071 : vector<1x16xf32> to vector<16xf32>
    %add3A_1073 = arith.addf %broadcast_in_dim3A_1, %get3A_1072 : vector<16xf32>
    %get3A_1074 = arith.constant 1 : i32
    %get3A_1075 = arith.index_cast %get3A_1074 : i32 to index
    %get3A_1076 = arith.constant 160 : index
    %get3A_1077 = tpu.vector_load %arg12[%get3A_1075, %get3A_1076] {strides = array<i32>} : memref<16x256xf32, #tpu.memory_space<vmem>>, vector<1x16xf32>,
    %get3A_1078 = vector.shape_cast %get3A_1077 : vector<1x16xf32> to vector<16xf32>
    %add3A_1079 = arith.addf %add3A_1073, %get3A_1078 : vector<16xf32>
    %get3A_1080 = arith.constant 2 : i32
    %get3A_1081 = arith.index_cast %get3A_1080 : i32 to index
    %get3A_1082 = arith.constant 160 : index
    %get3A_1083 = tpu.vector_load %arg12[%get3A_1081, %get3A_1082] {strides = array<i32>} : memref<16x256xf32, #tpu.memory_space<vmem>>, vector<1x16xf32>,
    %get3A_1084 = vector.shape_cast %get3A_1083 : vector<1x16xf32> to vector<16xf32>
    %add3A_1085 = arith.addf %add3A_1079, %get3A_1084 : vector<16xf32>
    %get3A_1086 = arith.constant 3 : i32
    %get3A_1087 = arith.index_cast %get3A_1086 : i32 to index
    %get3A_1088 = arith.constant 160 : index
    %get3A_1089 = tpu.vector_load %arg12[%get3A_1087, %get3A_1088] {strides = array<i32>} : memref<16x256xf32, #tpu.memory_space<vmem>>, vector<1x16xf32>,
    %get3A_1090 = vector.shape_cast %get3A_1089 : vector<1x16xf32> to vector<16xf32>
    %add3A_1091 = arith.addf %add3A_1085, %get3A_1090 : vector<16xf32>
    %get3A_1092 = arith.constant 4 : i32
    %get3A_1093 = arith.index_cast %get3A_1092 : i32 to index
    %get3A_1094 = arith.constant 160 : index
    %get3A_1095 = tpu.vector_load %arg12[%get3A_1093, %get3A_1094] {strides = array<i32>} : memref<16x256xf32, #tpu.memory_space<vmem>>, vector<1x16xf32>,
    %get3A_1096 = vector.shape_cast %get3A_1095 : vector<1x16xf32> to vector<16xf32>
    %add3A_1097 = arith.addf %add3A_1091, %get3A_1096 : vector<16xf32>
    %get3A_1098 = arith.constant 5 : i32
    %get3A_1099 = arith.index_cast %get3A_1098 : i32 to index
    %get3A_1100 = arith.constant 160 : index
    %get3A_1101 = tpu.vector_load %arg12[%get3A_1099, %get3A_1100] {strides = array<i32>} : memref<16x256xf32, #tpu.memory_space<vmem>>, vector<1x16xf32>,
    %get3A_1102 = vector.shape_cast %get3A_1101 : vector<1x16xf32> to vector<16xf32>
    %add3A_1103 = arith.addf %add3A_1097, %get3A_1102 : vector<16xf32>
    %get3A_1104 = arith.constant 6 : i32
    %get3A_1105 = arith.index_cast %get3A_1104 : i32 to index
    %get3A_1106 = arith.constant 160 : index
    %get3A_1107 = tpu.vector_load %arg12[%get3A_1105, %get3A_1106] {strides = array<i32>} : memref<16x256xf32, #tpu.memory_space<vmem>>, vector<1x16xf32>,
    %get3A_1108 = vector.shape_cast %get3A_1107 : vector<1x16xf32> to vector<16xf32>
    %add3A_1109 = arith.addf %add3A_1103, %get3A_1108 : vector<16xf32>
    %get3A_1110 = arith.constant 7 : i32
    %get3A_1111 = arith.index_cast %get3A_1110 : i32 to index
    %get3A_1112 = arith.constant 160 : index
    %get3A_1113 = tpu.vector_load %arg12[%get3A_1111, %get3A_1112] {strides = array<i32>} : memref<16x256xf32, #tpu.memory_space<vmem>>, vector<1x16xf32>,
    %get3A_1114 = vector.shape_cast %get3A_1113 : vector<1x16xf32> to vector<16xf32>
    %add3A_1115 = arith.addf %add3A_1109, %get3A_1114 : vector<16xf32>
    %get3A_1116 = arith.constant 8 : i32
    %get3A_1117 = arith.index_cast %get3A_1116 : i32 to index
    %get3A_1118 = arith.constant 160 : index
    %get3A_1119 = tpu.vector_load %arg12[%get3A_1117, %get3A_1118] {strides = array<i32>} : memref<16x256xf32, #tpu.memory_space<vmem>>, vector<1x16xf32>,
    %get3A_1120 = vector.shape_cast %get3A_1119 : vector<1x16xf32> to vector<16xf32>
    %add3A_1121 = arith.addf %add3A_1115, %get3A_1120 : vector<16xf32>
    %get3A_1122 = arith.constant 9 : i32
    %get3A_1123 = arith.index_cast %get3A_1122 : i32 to index
    %get3A_1124 = arith.constant 160 : index
    %get3A_1125 = tpu.vector_load %arg12[%get3A_1123, %get3A_1124] {strides = array<i32>} : memref<16x256xf32, #tpu.memory_space<vmem>>, vector<1x16xf32>,
    %get3A_1126 = vector.shape_cast %get3A_1125 : vector<1x16xf32> to vector<16xf32>
    %add3A_1127 = arith.addf %add3A_1121, %get3A_1126 : vector<16xf32>
    %get3A_1128 = arith.constant 10 : i32
    %get3A_1129 = arith.index_cast %get3A_1128 : i32 to index
    %get3A_1130 = arith.constant 160 : index
    %get3A_1131 = tpu.vector_load %arg12[%get3A_1129, %get3A_1130] {strides = array<i32>} : memref<16x256xf32, #tpu.memory_space<vmem>>, vector<1x16xf32>,
    %get3A_1132 = vector.shape_cast %get3A_1131 : vector<1x16xf32> to vector<16xf32>
    %add3A_1133 = arith.addf %add3A_1127, %get3A_1132 : vector<16xf32>
    %get3A_1134 = arith.constant 11 : i32
    %get3A_1135 = arith.index_cast %get3A_1134 : i32 to index
    %get3A_1136 = arith.constant 160 : index
    %get3A_1137 = tpu.vector_load %arg12[%get3A_1135, %get3A_1136] {strides = array<i32>} : memref<16x256xf32, #tpu.memory_space<vmem>>, vector<1x16xf32>,
    %get3A_1138 = vector.shape_cast %get3A_1137 : vector<1x16xf32> to vector<16xf32>
    %add3A_1139 = arith.addf %add3A_1133, %get3A_1138 : vector<16xf32>
    %get3A_1140 = arith.constant 12 : i32
    %get3A_1141 = arith.index_cast %get3A_1140 : i32 to index
    %get3A_1142 = arith.constant 160 : index
    %get3A_1143 = tpu.vector_load %arg12[%get3A_1141, %get3A_1142] {strides = array<i32>} : memref<16x256xf32, #tpu.memory_space<vmem>>, vector<1x16xf32>,
    %get3A_1144 = vector.shape_cast %get3A_1143 : vector<1x16xf32> to vector<16xf32>
    %add3A_1145 = arith.addf %add3A_1139, %get3A_1144 : vector<16xf32>
    %get3A_1146 = arith.constant 13 : i32
    %get3A_1147 = arith.index_cast %get3A_1146 : i32 to index
    %get3A_1148 = arith.constant 160 : index
    %get3A_1149 = tpu.vector_load %arg12[%get3A_1147, %get3A_1148] {strides = array<i32>} : memref<16x256xf32, #tpu.memory_space<vmem>>, vector<1x16xf32>,
    %get3A_1150 = vector.shape_cast %get3A_1149 : vector<1x16xf32> to vector<16xf32>
    %add3A_1151 = arith.addf %add3A_1145, %get3A_1150 : vector<16xf32>
    %get3A_1152 = arith.constant 14 : i32
    %get3A_1153 = arith.index_cast %get3A_1152 : i32 to index
    %get3A_1154 = arith.constant 160 : index
    %get3A_1155 = tpu.vector_load %arg12[%get3A_1153, %get3A_1154] {strides = array<i32>} : memref<16x256xf32, #tpu.memory_space<vmem>>, vector<1x16xf32>,
    %get3A_1156 = vector.shape_cast %get3A_1155 : vector<1x16xf32> to vector<16xf32>
    %add3A_1157 = arith.addf %add3A_1151, %get3A_1156 : vector<16xf32>
    %get3A_1158 = arith.constant 15 : i32
    %get3A_1159 = arith.index_cast %get3A_1158 : i32 to index
    %get3A_1160 = arith.constant 160 : index
    %get3A_1161 = tpu.vector_load %arg12[%get3A_1159, %get3A_1160] {strides = array<i32>} : memref<16x256xf32, #tpu.memory_space<vmem>>, vector<1x16xf32>,
    %get3A_1162 = vector.shape_cast %get3A_1161 : vector<1x16xf32> to vector<16xf32>
    %add3A_1163 = arith.addf %add3A_1157, %get3A_1162 : vector<16xf32>
    %swap3A_1164 = arith.constant 160 : index
    %swap3A_1165 = tpu.vector_load %arg11[%swap3A_1164] {strides = array<i32>} : memref<256xf32, #tpu.memory_space<vmem>>, vector<16xf32>,
    %swap3A_1166 = vector.shape_cast %swap3A_1165 : vector<16xf32> to vector<16xf32>
    %swap3A_1167 = vector.shape_cast %add3A_1163 : vector<16xf32> to vector<16xf32>
    tpu.vector_store %arg11[%swap3A_1164], %swap3A_1167 {strides = array<i32>} : memref<256xf32, #tpu.memory_space<vmem>>, vector<16xf32>,
    %get3A_1168 = arith.constant 0 : i32
    %get3A_1169 = arith.index_cast %get3A_1168 : i32 to index
    %get3A_1170 = arith.constant 176 : index
    %get3A_1171 = tpu.vector_load %arg12[%get3A_1169, %get3A_1170] {strides = array<i32>} : memref<16x256xf32, #tpu.memory_space<vmem>>, vector<1x16xf32>,
    %get3A_1172 = vector.shape_cast %get3A_1171 : vector<1x16xf32> to vector<16xf32>
    %add3A_1173 = arith.addf %broadcast_in_dim3A_1, %get3A_1172 : vector<16xf32>
    %get3A_1174 = arith.constant 1 : i32
    %get3A_1175 = arith.index_cast %get3A_1174 : i32 to index
    %get3A_1176 = arith.constant 176 : index
    %get3A_1177 = tpu.vector_load %arg12[%get3A_1175, %get3A_1176] {strides = array<i32>} : memref<16x256xf32, #tpu.memory_space<vmem>>, vector<1x16xf32>,
    %get3A_1178 = vector.shape_cast %get3A_1177 : vector<1x16xf32> to vector<16xf32>
    %add3A_1179 = arith.addf %add3A_1173, %get3A_1178 : vector<16xf32>
    %get3A_1180 = arith.constant 2 : i32
    %get3A_1181 = arith.index_cast %get3A_1180 : i32 to index
    %get3A_1182 = arith.constant 176 : index
    %get3A_1183 = tpu.vector_load %arg12[%get3A_1181, %get3A_1182] {strides = array<i32>} : memref<16x256xf32, #tpu.memory_space<vmem>>, vector<1x16xf32>,
    %get3A_1184 = vector.shape_cast %get3A_1183 : vector<1x16xf32> to vector<16xf32>
    %add3A_1185 = arith.addf %add3A_1179, %get3A_1184 : vector<16xf32>
    %get3A_1186 = arith.constant 3 : i32
    %get3A_1187 = arith.index_cast %get3A_1186 : i32 to index
    %get3A_1188 = arith.constant 176 : index
    %get3A_1189 = tpu.vector_load %arg12[%get3A_1187, %get3A_1188] {strides = array<i32>} : memref<16x256xf32, #tpu.memory_space<vmem>>, vector<1x16xf32>,
    %get3A_1190 = vector.shape_cast %get3A_1189 : vector<1x16xf32> to vector<16xf32>
    %add3A_1191 = arith.addf %add3A_1185, %get3A_1190 : vector<16xf32>
    %get3A_1192 = arith.constant 4 : i32
    %get3A_1193 = arith.index_cast %get3A_1192 : i32 to index
    %get3A_1194 = arith.constant 176 : index
    %get3A_1195 = tpu.vector_load %arg12[%get3A_1193, %get3A_1194] {strides = array<i32>} : memref<16x256xf32, #tpu.memory_space<vmem>>, vector<1x16xf32>,
    %get3A_1196 = vector.shape_cast %get3A_1195 : vector<1x16xf32> to vector<16xf32>
    %add3A_1197 = arith.addf %add3A_1191, %get3A_1196 : vector<16xf32>
    %get3A_1198 = arith.constant 5 : i32
    %get3A_1199 = arith.index_cast %get3A_1198 : i32 to index
    %get3A_1200 = arith.constant 176 : index
    %get3A_1201 = tpu.vector_load %arg12[%get3A_1199, %get3A_1200] {strides = array<i32>} : memref<16x256xf32, #tpu.memory_space<vmem>>, vector<1x16xf32>,
    %get3A_1202 = vector.shape_cast %get3A_1201 : vector<1x16xf32> to vector<16xf32>
    %add3A_1203 = arith.addf %add3A_1197, %get3A_1202 : vector<16xf32>
    %get3A_1204 = arith.constant 6 : i32
    %get3A_1205 = arith.index_cast %get3A_1204 : i32 to index
    %get3A_1206 = arith.constant 176 : index
    %get3A_1207 = tpu.vector_load %arg12[%get3A_1205, %get3A_1206] {strides = array<i32>} : memref<16x256xf32, #tpu.memory_space<vmem>>, vector<1x16xf32>,
    %get3A_1208 = vector.shape_cast %get3A_1207 : vector<1x16xf32> to vector<16xf32>
    %add3A_1209 = arith.addf %add3A_1203, %get3A_1208 : vector<16xf32>
    %get3A_1210 = arith.constant 7 : i32
    %get3A_1211 = arith.index_cast %get3A_1210 : i32 to index
    %get3A_1212 = arith.constant 176 : index
    %get3A_1213 = tpu.vector_load %arg12[%get3A_1211, %get3A_1212] {strides = array<i32>} : memref<16x256xf32, #tpu.memory_space<vmem>>, vector<1x16xf32>,
    %get3A_1214 = vector.shape_cast %get3A_1213 : vector<1x16xf32> to vector<16xf32>
    %add3A_1215 = arith.addf %add3A_1209, %get3A_1214 : vector<16xf32>
    %get3A_1216 = arith.constant 8 : i32
    %get3A_1217 = arith.index_cast %get3A_1216 : i32 to index
    %get3A_1218 = arith.constant 176 : index
    %get3A_1219 = tpu.vector_load %arg12[%get3A_1217, %get3A_1218] {strides = array<i32>} : memref<16x256xf32, #tpu.memory_space<vmem>>, vector<1x16xf32>,
    %get3A_1220 = vector.shape_cast %get3A_1219 : vector<1x16xf32> to vector<16xf32>
    %add3A_1221 = arith.addf %add3A_1215, %get3A_1220 : vector<16xf32>
    %get3A_1222 = arith.constant 9 : i32
    %get3A_1223 = arith.index_cast %get3A_1222 : i32 to index
    %get3A_1224 = arith.constant 176 : index
    %get3A_1225 = tpu.vector_load %arg12[%get3A_1223, %get3A_1224] {strides = array<i32>} : memref<16x256xf32, #tpu.memory_space<vmem>>, vector<1x16xf32>,
    %get3A_1226 = vector.shape_cast %get3A_1225 : vector<1x16xf32> to vector<16xf32>
    %add3A_1227 = arith.addf %add3A_1221, %get3A_1226 : vector<16xf32>
    %get3A_1228 = arith.constant 10 : i32
    %get3A_1229 = arith.index_cast %get3A_1228 : i32 to index
    %get3A_1230 = arith.constant 176 : index
    %get3A_1231 = tpu.vector_load %arg12[%get3A_1229, %get3A_1230] {strides = array<i32>} : memref<16x256xf32, #tpu.memory_space<vmem>>, vector<1x16xf32>,
    %get3A_1232 = vector.shape_cast %get3A_1231 : vector<1x16xf32> to vector<16xf32>
    %add3A_1233 = arith.addf %add3A_1227, %get3A_1232 : vector<16xf32>
    %get3A_1234 = arith.constant 11 : i32
    %get3A_1235 = arith.index_cast %get3A_1234 : i32 to index
    %get3A_1236 = arith.constant 176 : index
    %get3A_1237 = tpu.vector_load %arg12[%get3A_1235, %get3A_1236] {strides = array<i32>} : memref<16x256xf32, #tpu.memory_space<vmem>>, vector<1x16xf32>,
    %get3A_1238 = vector.shape_cast %get3A_1237 : vector<1x16xf32> to vector<16xf32>
    %add3A_1239 = arith.addf %add3A_1233, %get3A_1238 : vector<16xf32>
    %get3A_1240 = arith.constant 12 : i32
    %get3A_1241 = arith.index_cast %get3A_1240 : i32 to index
    %get3A_1242 = arith.constant 176 : index
    %get3A_1243 = tpu.vector_load %arg12[%get3A_1241, %get3A_1242] {strides = array<i32>} : memref<16x256xf32, #tpu.memory_space<vmem>>, vector<1x16xf32>,
    %get3A_1244 = vector.shape_cast %get3A_1243 : vector<1x16xf32> to vector<16xf32>
    %add3A_1245 = arith.addf %add3A_1239, %get3A_1244 : vector<16xf32>
    %get3A_1246 = arith.constant 13 : i32
    %get3A_1247 = arith.index_cast %get3A_1246 : i32 to index
    %get3A_1248 = arith.constant 176 : index
    %get3A_1249 = tpu.vector_load %arg12[%get3A_1247, %get3A_1248] {strides = array<i32>} : memref<16x256xf32, #tpu.memory_space<vmem>>, vector<1x16xf32>,
    %get3A_1250 = vector.shape_cast %get3A_1249 : vector<1x16xf32> to vector<16xf32>
    %add3A_1251 = arith.addf %add3A_1245, %get3A_1250 : vector<16xf32>
    %get3A_1252 = arith.constant 14 : i32
    %get3A_1253 = arith.index_cast %get3A_1252 : i32 to index
    %get3A_1254 = arith.constant 176 : index
    %get3A_1255 = tpu.vector_load %arg12[%get3A_1253, %get3A_1254] {strides = array<i32>} : memref<16x256xf32, #tpu.memory_space<vmem>>, vector<1x16xf32>,
    %get3A_1256 = vector.shape_cast %get3A_1255 : vector<1x16xf32> to vector<16xf32>
    %add3A_1257 = arith.addf %add3A_1251, %get3A_1256 : vector<16xf32>
    %get3A_1258 = arith.constant 15 : i32
    %get3A_1259 = arith.index_cast %get3A_1258 : i32 to index
    %get3A_1260 = arith.constant 176 : index
    %get3A_1261 = tpu.vector_load %arg12[%get3A_1259, %get3A_1260] {strides = array<i32>} : memref<16x256xf32, #tpu.memory_space<vmem>>, vector<1x16xf32>,
    %get3A_1262 = vector.shape_cast %get3A_1261 : vector<1x16xf32> to vector<16xf32>
    %add3A_1263 = arith.addf %add3A_1257, %get3A_1262 : vector<16xf32>
    %swap3A_1264 = arith.constant 176 : index
    %swap3A_1265 = tpu.vector_load %arg11[%swap3A_1264] {strides = array<i32>} : memref<256xf32, #tpu.memory_space<vmem>>, vector<16xf32>,
    %swap3A_1266 = vector.shape_cast %swap3A_1265 : vector<16xf32> to vector<16xf32>
    %swap3A_1267 = vector.shape_cast %add3A_1263 : vector<16xf32> to vector<16xf32>
    tpu.vector_store %arg11[%swap3A_1264], %swap3A_1267 {strides = array<i32>} : memref<256xf32, #tpu.memory_space<vmem>>, vector<16xf32>,
    %get3A_1268 = arith.constant 0 : i32
    %get3A_1269 = arith.index_cast %get3A_1268 : i32 to index
    %get3A_1270 = arith.constant 192 : index
    %get3A_1271 = tpu.vector_load %arg12[%get3A_1269, %get3A_1270] {strides = array<i32>} : memref<16x256xf32, #tpu.memory_space<vmem>>, vector<1x16xf32>,
    %get3A_1272 = vector.shape_cast %get3A_1271 : vector<1x16xf32> to vector<16xf32>
    %add3A_1273 = arith.addf %broadcast_in_dim3A_1, %get3A_1272 : vector<16xf32>
    %get3A_1274 = arith.constant 1 : i32
    %get3A_1275 = arith.index_cast %get3A_1274 : i32 to index
    %get3A_1276 = arith.constant 192 : index
    %get3A_1277 = tpu.vector_load %arg12[%get3A_1275, %get3A_1276] {strides = array<i32>} : memref<16x256xf32, #tpu.memory_space<vmem>>, vector<1x16xf32>,
    %get3A_1278 = vector.shape_cast %get3A_1277 : vector<1x16xf32> to vector<16xf32>
    %add3A_1279 = arith.addf %add3A_1273, %get3A_1278 : vector<16xf32>
    %get3A_1280 = arith.constant 2 : i32
    %get3A_1281 = arith.index_cast %get3A_1280 : i32 to index
    %get3A_1282 = arith.constant 192 : index
    %get3A_1283 = tpu.vector_load %arg12[%get3A_1281, %get3A_1282] {strides = array<i32>} : memref<16x256xf32, #tpu.memory_space<vmem>>, vector<1x16xf32>,
    %get3A_1284 = vector.shape_cast %get3A_1283 : vector<1x16xf32> to vector<16xf32>
    %add3A_1285 = arith.addf %add3A_1279, %get3A_1284 : vector<16xf32>
    %get3A_1286 = arith.constant 3 : i32
    %get3A_1287 = arith.index_cast %get3A_1286 : i32 to index
    %get3A_1288 = arith.constant 192 : index
    %get3A_1289 = tpu.vector_load %arg12[%get3A_1287, %get3A_1288] {strides = array<i32>} : memref<16x256xf32, #tpu.memory_space<vmem>>, vector<1x16xf32>,
    %get3A_1290 = vector.shape_cast %get3A_1289 : vector<1x16xf32> to vector<16xf32>
    %add3A_1291 = arith.addf %add3A_1285, %get3A_1290 : vector<16xf32>
    %get3A_1292 = arith.constant 4 : i32
    %get3A_1293 = arith.index_cast %get3A_1292 : i32 to index
    %get3A_1294 = arith.constant 192 : index
    %get3A_1295 = tpu.vector_load %arg12[%get3A_1293, %get3A_1294] {strides = array<i32>} : memref<16x256xf32, #tpu.memory_space<vmem>>, vector<1x16xf32>,
    %get3A_1296 = vector.shape_cast %get3A_1295 : vector<1x16xf32> to vector<16xf32>
    %add3A_1297 = arith.addf %add3A_1291, %get3A_1296 : vector<16xf32>
    %get3A_1298 = arith.constant 5 : i32
    %get3A_1299 = arith.index_cast %get3A_1298 : i32 to index
    %get3A_1300 = arith.constant 192 : index
    %get3A_1301 = tpu.vector_load %arg12[%get3A_1299, %get3A_1300] {strides = array<i32>} : memref<16x256xf32, #tpu.memory_space<vmem>>, vector<1x16xf32>,
    %get3A_1302 = vector.shape_cast %get3A_1301 : vector<1x16xf32> to vector<16xf32>
    %add3A_1303 = arith.addf %add3A_1297, %get3A_1302 : vector<16xf32>
    %get3A_1304 = arith.constant 6 : i32
    %get3A_1305 = arith.index_cast %get3A_1304 : i32 to index
    %get3A_1306 = arith.constant 192 : index
    %get3A_1307 = tpu.vector_load %arg12[%get3A_1305, %get3A_1306] {strides = array<i32>} : memref<16x256xf32, #tpu.memory_space<vmem>>, vector<1x16xf32>,
    %get3A_1308 = vector.shape_cast %get3A_1307 : vector<1x16xf32> to vector<16xf32>
    %add3A_1309 = arith.addf %add3A_1303, %get3A_1308 : vector<16xf32>
    %get3A_1310 = arith.constant 7 : i32
    %get3A_1311 = arith.index_cast %get3A_1310 : i32 to index
    %get3A_1312 = arith.constant 192 : index
    %get3A_1313 = tpu.vector_load %arg12[%get3A_1311, %get3A_1312] {strides = array<i32>} : memref<16x256xf32, #tpu.memory_space<vmem>>, vector<1x16xf32>,
    %get3A_1314 = vector.shape_cast %get3A_1313 : vector<1x16xf32> to vector<16xf32>
    %add3A_1315 = arith.addf %add3A_1309, %get3A_1314 : vector<16xf32>
    %get3A_1316 = arith.constant 8 : i32
    %get3A_1317 = arith.index_cast %get3A_1316 : i32 to index
    %get3A_1318 = arith.constant 192 : index
    %get3A_1319 = tpu.vector_load %arg12[%get3A_1317, %get3A_1318] {strides = array<i32>} : memref<16x256xf32, #tpu.memory_space<vmem>>, vector<1x16xf32>,
    %get3A_1320 = vector.shape_cast %get3A_1319 : vector<1x16xf32> to vector<16xf32>
    %add3A_1321 = arith.addf %add3A_1315, %get3A_1320 : vector<16xf32>
    %get3A_1322 = arith.constant 9 : i32
    %get3A_1323 = arith.index_cast %get3A_1322 : i32 to index
    %get3A_1324 = arith.constant 192 : index
    %get3A_1325 = tpu.vector_load %arg12[%get3A_1323, %get3A_1324] {strides = array<i32>} : memref<16x256xf32, #tpu.memory_space<vmem>>, vector<1x16xf32>,
    %get3A_1326 = vector.shape_cast %get3A_1325 : vector<1x16xf32> to vector<16xf32>
    %add3A_1327 = arith.addf %add3A_1321, %get3A_1326 : vector<16xf32>
    %get3A_1328 = arith.constant 10 : i32
    %get3A_1329 = arith.index_cast %get3A_1328 : i32 to index
    %get3A_1330 = arith.constant 192 : index
    %get3A_1331 = tpu.vector_load %arg12[%get3A_1329, %get3A_1330] {strides = array<i32>} : memref<16x256xf32, #tpu.memory_space<vmem>>, vector<1x16xf32>,
    %get3A_1332 = vector.shape_cast %get3A_1331 : vector<1x16xf32> to vector<16xf32>
    %add3A_1333 = arith.addf %add3A_1327, %get3A_1332 : vector<16xf32>
    %get3A_1334 = arith.constant 11 : i32
    %get3A_1335 = arith.index_cast %get3A_1334 : i32 to index
    %get3A_1336 = arith.constant 192 : index
    %get3A_1337 = tpu.vector_load %arg12[%get3A_1335, %get3A_1336] {strides = array<i32>} : memref<16x256xf32, #tpu.memory_space<vmem>>, vector<1x16xf32>,
    %get3A_1338 = vector.shape_cast %get3A_1337 : vector<1x16xf32> to vector<16xf32>
    %add3A_1339 = arith.addf %add3A_1333, %get3A_1338 : vector<16xf32>
    %get3A_1340 = arith.constant 12 : i32
    %get3A_1341 = arith.index_cast %get3A_1340 : i32 to index
    %get3A_1342 = arith.constant 192 : index
    %get3A_1343 = tpu.vector_load %arg12[%get3A_1341, %get3A_1342] {strides = array<i32>} : memref<16x256xf32, #tpu.memory_space<vmem>>, vector<1x16xf32>,
    %get3A_1344 = vector.shape_cast %get3A_1343 : vector<1x16xf32> to vector<16xf32>
    %add3A_1345 = arith.addf %add3A_1339, %get3A_1344 : vector<16xf32>
    %get3A_1346 = arith.constant 13 : i32
    %get3A_1347 = arith.index_cast %get3A_1346 : i32 to index
    %get3A_1348 = arith.constant 192 : index
    %get3A_1349 = tpu.vector_load %arg12[%get3A_1347, %get3A_1348] {strides = array<i32>} : memref<16x256xf32, #tpu.memory_space<vmem>>, vector<1x16xf32>,
    %get3A_1350 = vector.shape_cast %get3A_1349 : vector<1x16xf32> to vector<16xf32>
    %add3A_1351 = arith.addf %add3A_1345, %get3A_1350 : vector<16xf32>
    %get3A_1352 = arith.constant 14 : i32
    %get3A_1353 = arith.index_cast %get3A_1352 : i32 to index
    %get3A_1354 = arith.constant 192 : index
    %get3A_1355 = tpu.vector_load %arg12[%get3A_1353, %get3A_1354] {strides = array<i32>} : memref<16x256xf32, #tpu.memory_space<vmem>>, vector<1x16xf32>,
    %get3A_1356 = vector.shape_cast %get3A_1355 : vector<1x16xf32> to vector<16xf32>
    %add3A_1357 = arith.addf %add3A_1351, %get3A_1356 : vector<16xf32>
    %get3A_1358 = arith.constant 15 : i32
    %get3A_1359 = arith.index_cast %get3A_1358 : i32 to index
    %get3A_1360 = arith.constant 192 : index
    %get3A_1361 = tpu.vector_load %arg12[%get3A_1359, %get3A_1360] {strides = array<i32>} : memref<16x256xf32, #tpu.memory_space<vmem>>, vector<1x16xf32>,
    %get3A_1362 = vector.shape_cast %get3A_1361 : vector<1x16xf32> to vector<16xf32>
    %add3A_1363 = arith.addf %add3A_1357, %get3A_1362 : vector<16xf32>
    %swap3A_1364 = arith.constant 192 : index
    %swap3A_1365 = tpu.vector_load %arg11[%swap3A_1364] {strides = array<i32>} : memref<256xf32, #tpu.memory_space<vmem>>, vector<16xf32>,
    %swap3A_1366 = vector.shape_cast %swap3A_1365 : vector<16xf32> to vector<16xf32>
    %swap3A_1367 = vector.shape_cast %add3A_1363 : vector<16xf32> to vector<16xf32>
    tpu.vector_store %arg11[%swap3A_1364], %swap3A_1367 {strides = array<i32>} : memref<256xf32, #tpu.memory_space<vmem>>, vector<16xf32>,
    %get3A_1368 = arith.constant 0 : i32
    %get3A_1369 = arith.index_cast %get3A_1368 : i32 to index
    %get3A_1370 = arith.constant 208 : index
    %get3A_1371 = tpu.vector_load %arg12[%get3A_1369, %get3A_1370] {strides = array<i32>} : memref<16x256xf32, #tpu.memory_space<vmem>>, vector<1x16xf32>,
    %get3A_1372 = vector.shape_cast %get3A_1371 : vector<1x16xf32> to vector<16xf32>
    %add3A_1373 = arith.addf %broadcast_in_dim3A_1, %get3A_1372 : vector<16xf32>
    %get3A_1374 = arith.constant 1 : i32
    %get3A_1375 = arith.index_cast %get3A_1374 : i32 to index
    %get3A_1376 = arith.constant 208 : index
    %get3A_1377 = tpu.vector_load %arg12[%get3A_1375, %get3A_1376] {strides = array<i32>} : memref<16x256xf32, #tpu.memory_space<vmem>>, vector<1x16xf32>,
    %get3A_1378 = vector.shape_cast %get3A_1377 : vector<1x16xf32> to vector<16xf32>
    %add3A_1379 = arith.addf %add3A_1373, %get3A_1378 : vector<16xf32>
    %get3A_1380 = arith.constant 2 : i32
    %get3A_1381 = arith.index_cast %get3A_1380 : i32 to index
    %get3A_1382 = arith.constant 208 : index
    %get3A_1383 = tpu.vector_load %arg12[%get3A_1381, %get3A_1382] {strides = array<i32>} : memref<16x256xf32, #tpu.memory_space<vmem>>, vector<1x16xf32>,
    %get3A_1384 = vector.shape_cast %get3A_1383 : vector<1x16xf32> to vector<16xf32>
    %add3A_1385 = arith.addf %add3A_1379, %get3A_1384 : vector<16xf32>
    %get3A_1386 = arith.constant 3 : i32
    %get3A_1387 = arith.index_cast %get3A_1386 : i32 to index
    %get3A_1388 = arith.constant 208 : index
    %get3A_1389 = tpu.vector_load %arg12[%get3A_1387, %get3A_1388] {strides = array<i32>} : memref<16x256xf32, #tpu.memory_space<vmem>>, vector<1x16xf32>,
    %get3A_1390 = vector.shape_cast %get3A_1389 : vector<1x16xf32> to vector<16xf32>
    %add3A_1391 = arith.addf %add3A_1385, %get3A_1390 : vector<16xf32>
    %get3A_1392 = arith.constant 4 : i32
    %get3A_1393 = arith.index_cast %get3A_1392 : i32 to index
    %get3A_1394 = arith.constant 208 : index
    %get3A_1395 = tpu.vector_load %arg12[%get3A_1393, %get3A_1394] {strides = array<i32>} : memref<16x256xf32, #tpu.memory_space<vmem>>, vector<1x16xf32>,
    %get3A_1396 = vector.shape_cast %get3A_1395 : vector<1x16xf32> to vector<16xf32>
    %add3A_1397 = arith.addf %add3A_1391, %get3A_1396 : vector<16xf32>
    %get3A_1398 = arith.constant 5 : i32
    %get3A_1399 = arith.index_cast %get3A_1398 : i32 to index
    %get3A_1400 = arith.constant 208 : index
    %get3A_1401 = tpu.vector_load %arg12[%get3A_1399, %get3A_1400] {strides = array<i32>} : memref<16x256xf32, #tpu.memory_space<vmem>>, vector<1x16xf32>,
    %get3A_1402 = vector.shape_cast %get3A_1401 : vector<1x16xf32> to vector<16xf32>
    %add3A_1403 = arith.addf %add3A_1397, %get3A_1402 : vector<16xf32>
    %get3A_1404 = arith.constant 6 : i32
    %get3A_1405 = arith.index_cast %get3A_1404 : i32 to index
    %get3A_1406 = arith.constant 208 : index
    %get3A_1407 = tpu.vector_load %arg12[%get3A_1405, %get3A_1406] {strides = array<i32>} : memref<16x256xf32, #tpu.memory_space<vmem>>, vector<1x16xf32>,
    %get3A_1408 = vector.shape_cast %get3A_1407 : vector<1x16xf32> to vector<16xf32>
    %add3A_1409 = arith.addf %add3A_1403, %get3A_1408 : vector<16xf32>
    %get3A_1410 = arith.constant 7 : i32
    %get3A_1411 = arith.index_cast %get3A_1410 : i32 to index
    %get3A_1412 = arith.constant 208 : index
    %get3A_1413 = tpu.vector_load %arg12[%get3A_1411, %get3A_1412] {strides = array<i32>} : memref<16x256xf32, #tpu.memory_space<vmem>>, vector<1x16xf32>,
    %get3A_1414 = vector.shape_cast %get3A_1413 : vector<1x16xf32> to vector<16xf32>
    %add3A_1415 = arith.addf %add3A_1409, %get3A_1414 : vector<16xf32>
    %get3A_1416 = arith.constant 8 : i32
    %get3A_1417 = arith.index_cast %get3A_1416 : i32 to index
    %get3A_1418 = arith.constant 208 : index
    %get3A_1419 = tpu.vector_load %arg12[%get3A_1417, %get3A_1418] {strides = array<i32>} : memref<16x256xf32, #tpu.memory_space<vmem>>, vector<1x16xf32>,
    %get3A_1420 = vector.shape_cast %get3A_1419 : vector<1x16xf32> to vector<16xf32>
    %add3A_1421 = arith.addf %add3A_1415, %get3A_1420 : vector<16xf32>
    %get3A_1422 = arith.constant 9 : i32
    %get3A_1423 = arith.index_cast %get3A_1422 : i32 to index
    %get3A_1424 = arith.constant 208 : index
    %get3A_1425 = tpu.vector_load %arg12[%get3A_1423, %get3A_1424] {strides = array<i32>} : memref<16x256xf32, #tpu.memory_space<vmem>>, vector<1x16xf32>,
    %get3A_1426 = vector.shape_cast %get3A_1425 : vector<1x16xf32> to vector<16xf32>
    %add3A_1427 = arith.addf %add3A_1421, %get3A_1426 : vector<16xf32>
    %get3A_1428 = arith.constant 10 : i32
    %get3A_1429 = arith.index_cast %get3A_1428 : i32 to index
    %get3A_1430 = arith.constant 208 : index
    %get3A_1431 = tpu.vector_load %arg12[%get3A_1429, %get3A_1430] {strides = array<i32>} : memref<16x256xf32, #tpu.memory_space<vmem>>, vector<1x16xf32>,
    %get3A_1432 = vector.shape_cast %get3A_1431 : vector<1x16xf32> to vector<16xf32>
    %add3A_1433 = arith.addf %add3A_1427, %get3A_1432 : vector<16xf32>
    %get3A_1434 = arith.constant 11 : i32
    %get3A_1435 = arith.index_cast %get3A_1434 : i32 to index
    %get3A_1436 = arith.constant 208 : index
    %get3A_1437 = tpu.vector_load %arg12[%get3A_1435, %get3A_1436] {strides = array<i32>} : memref<16x256xf32, #tpu.memory_space<vmem>>, vector<1x16xf32>,
    %get3A_1438 = vector.shape_cast %get3A_1437 : vector<1x16xf32> to vector<16xf32>
    %add3A_1439 = arith.addf %add3A_1433, %get3A_1438 : vector<16xf32>
    %get3A_1440 = arith.constant 12 : i32
    %get3A_1441 = arith.index_cast %get3A_1440 : i32 to index
    %get3A_1442 = arith.constant 208 : index
    %get3A_1443 = tpu.vector_load %arg12[%get3A_1441, %get3A_1442] {strides = array<i32>} : memref<16x256xf32, #tpu.memory_space<vmem>>, vector<1x16xf32>,
    %get3A_1444 = vector.shape_cast %get3A_1443 : vector<1x16xf32> to vector<16xf32>
    %add3A_1445 = arith.addf %add3A_1439, %get3A_1444 : vector<16xf32>
    %get3A_1446 = arith.constant 13 : i32
    %get3A_1447 = arith.index_cast %get3A_1446 : i32 to index
    %get3A_1448 = arith.constant 208 : index
    %get3A_1449 = tpu.vector_load %arg12[%get3A_1447, %get3A_1448] {strides = array<i32>} : memref<16x256xf32, #tpu.memory_space<vmem>>, vector<1x16xf32>,
    %get3A_1450 = vector.shape_cast %get3A_1449 : vector<1x16xf32> to vector<16xf32>
    %add3A_1451 = arith.addf %add3A_1445, %get3A_1450 : vector<16xf32>
    %get3A_1452 = arith.constant 14 : i32
    %get3A_1453 = arith.index_cast %get3A_1452 : i32 to index
    %get3A_1454 = arith.constant 208 : index
    %get3A_1455 = tpu.vector_load %arg12[%get3A_1453, %get3A_1454] {strides = array<i32>} : memref<16x256xf32, #tpu.memory_space<vmem>>, vector<1x16xf32>,
    %get3A_1456 = vector.shape_cast %get3A_1455 : vector<1x16xf32> to vector<16xf32>
    %add3A_1457 = arith.addf %add3A_1451, %get3A_1456 : vector<16xf32>
    %get3A_1458 = arith.constant 15 : i32
    %get3A_1459 = arith.index_cast %get3A_1458 : i32 to index
    %get3A_1460 = arith.constant 208 : index
    %get3A_1461 = tpu.vector_load %arg12[%get3A_1459, %get3A_1460] {strides = array<i32>} : memref<16x256xf32, #tpu.memory_space<vmem>>, vector<1x16xf32>,
    %get3A_1462 = vector.shape_cast %get3A_1461 : vector<1x16xf32> to vector<16xf32>
    %add3A_1463 = arith.addf %add3A_1457, %get3A_1462 : vector<16xf32>
    %swap3A_1464 = arith.constant 208 : index
    %swap3A_1465 = tpu.vector_load %arg11[%swap3A_1464] {strides = array<i32>} : memref<256xf32, #tpu.memory_space<vmem>>, vector<16xf32>,
    %swap3A_1466 = vector.shape_cast %swap3A_1465 : vector<16xf32> to vector<16xf32>
    %swap3A_1467 = vector.shape_cast %add3A_1463 : vector<16xf32> to vector<16xf32>
    tpu.vector_store %arg11[%swap3A_1464], %swap3A_1467 {strides = array<i32>} : memref<256xf32, #tpu.memory_space<vmem>>, vector<16xf32>,
    %get3A_1468 = arith.constant 0 : i32
    %get3A_1469 = arith.index_cast %get3A_1468 : i32 to index
    %get3A_1470 = arith.constant 224 : index
    %get3A_1471 = tpu.vector_load %arg12[%get3A_1469, %get3A_1470] {strides = array<i32>} : memref<16x256xf32, #tpu.memory_space<vmem>>, vector<1x16xf32>,
    %get3A_1472 = vector.shape_cast %get3A_1471 : vector<1x16xf32> to vector<16xf32>
    %add3A_1473 = arith.addf %broadcast_in_dim3A_1, %get3A_1472 : vector<16xf32>
    %get3A_1474 = arith.constant 1 : i32
    %get3A_1475 = arith.index_cast %get3A_1474 : i32 to index
    %get3A_1476 = arith.constant 224 : index
    %get3A_1477 = tpu.vector_load %arg12[%get3A_1475, %get3A_1476] {strides = array<i32>} : memref<16x256xf32, #tpu.memory_space<vmem>>, vector<1x16xf32>,
    %get3A_1478 = vector.shape_cast %get3A_1477 : vector<1x16xf32> to vector<16xf32>
    %add3A_1479 = arith.addf %add3A_1473, %get3A_1478 : vector<16xf32>
    %get3A_1480 = arith.constant 2 : i32
    %get3A_1481 = arith.index_cast %get3A_1480 : i32 to index
    %get3A_1482 = arith.constant 224 : index
    %get3A_1483 = tpu.vector_load %arg12[%get3A_1481, %get3A_1482] {strides = array<i32>} : memref<16x256xf32, #tpu.memory_space<vmem>>, vector<1x16xf32>,
    %get3A_1484 = vector.shape_cast %get3A_1483 : vector<1x16xf32> to vector<16xf32>
    %add3A_1485 = arith.addf %add3A_1479, %get3A_1484 : vector<16xf32>
    %get3A_1486 = arith.constant 3 : i32
    %get3A_1487 = arith.index_cast %get3A_1486 : i32 to index
    %get3A_1488 = arith.constant 224 : index
    %get3A_1489 = tpu.vector_load %arg12[%get3A_1487, %get3A_1488] {strides = array<i32>} : memref<16x256xf32, #tpu.memory_space<vmem>>, vector<1x16xf32>,
    %get3A_1490 = vector.shape_cast %get3A_1489 : vector<1x16xf32> to vector<16xf32>
    %add3A_1491 = arith.addf %add3A_1485, %get3A_1490 : vector<16xf32>
    %get3A_1492 = arith.constant 4 : i32
    %get3A_1493 = arith.index_cast %get3A_1492 : i32 to index
    %get3A_1494 = arith.constant 224 : index
    %get3A_1495 = tpu.vector_load %arg12[%get3A_1493, %get3A_1494] {strides = array<i32>} : memref<16x256xf32, #tpu.memory_space<vmem>>, vector<1x16xf32>,
    %get3A_1496 = vector.shape_cast %get3A_1495 : vector<1x16xf32> to vector<16xf32>
    %add3A_1497 = arith.addf %add3A_1491, %get3A_1496 : vector<16xf32>
    %get3A_1498 = arith.constant 5 : i32
    %get3A_1499 = arith.index_cast %get3A_1498 : i32 to index
    %get3A_1500 = arith.constant 224 : index
    %get3A_1501 = tpu.vector_load %arg12[%get3A_1499, %get3A_1500] {strides = array<i32>} : memref<16x256xf32, #tpu.memory_space<vmem>>, vector<1x16xf32>,
    %get3A_1502 = vector.shape_cast %get3A_1501 : vector<1x16xf32> to vector<16xf32>
    %add3A_1503 = arith.addf %add3A_1497, %get3A_1502 : vector<16xf32>
    %get3A_1504 = arith.constant 6 : i32
    %get3A_1505 = arith.index_cast %get3A_1504 : i32 to index
    %get3A_1506 = arith.constant 224 : index
    %get3A_1507 = tpu.vector_load %arg12[%get3A_1505, %get3A_1506] {strides = array<i32>} : memref<16x256xf32, #tpu.memory_space<vmem>>, vector<1x16xf32>,
    %get3A_1508 = vector.shape_cast %get3A_1507 : vector<1x16xf32> to vector<16xf32>
    %add3A_1509 = arith.addf %add3A_1503, %get3A_1508 : vector<16xf32>
    %get3A_1510 = arith.constant 7 : i32
    %get3A_1511 = arith.index_cast %get3A_1510 : i32 to index
    %get3A_1512 = arith.constant 224 : index
    %get3A_1513 = tpu.vector_load %arg12[%get3A_1511, %get3A_1512] {strides = array<i32>} : memref<16x256xf32, #tpu.memory_space<vmem>>, vector<1x16xf32>,
    %get3A_1514 = vector.shape_cast %get3A_1513 : vector<1x16xf32> to vector<16xf32>
    %add3A_1515 = arith.addf %add3A_1509, %get3A_1514 : vector<16xf32>
    %get3A_1516 = arith.constant 8 : i32
    %get3A_1517 = arith.index_cast %get3A_1516 : i32 to index
    %get3A_1518 = arith.constant 224 : index
    %get3A_1519 = tpu.vector_load %arg12[%get3A_1517, %get3A_1518] {strides = array<i32>} : memref<16x256xf32, #tpu.memory_space<vmem>>, vector<1x16xf32>,
    %get3A_1520 = vector.shape_cast %get3A_1519 : vector<1x16xf32> to vector<16xf32>
    %add3A_1521 = arith.addf %add3A_1515, %get3A_1520 : vector<16xf32>
    %get3A_1522 = arith.constant 9 : i32
    %get3A_1523 = arith.index_cast %get3A_1522 : i32 to index
    %get3A_1524 = arith.constant 224 : index
    %get3A_1525 = tpu.vector_load %arg12[%get3A_1523, %get3A_1524] {strides = array<i32>} : memref<16x256xf32, #tpu.memory_space<vmem>>, vector<1x16xf32>,
    %get3A_1526 = vector.shape_cast %get3A_1525 : vector<1x16xf32> to vector<16xf32>
    %add3A_1527 = arith.addf %add3A_1521, %get3A_1526 : vector<16xf32>
    %get3A_1528 = arith.constant 10 : i32
    %get3A_1529 = arith.index_cast %get3A_1528 : i32 to index
    %get3A_1530 = arith.constant 224 : index
    %get3A_1531 = tpu.vector_load %arg12[%get3A_1529, %get3A_1530] {strides = array<i32>} : memref<16x256xf32, #tpu.memory_space<vmem>>, vector<1x16xf32>,
    %get3A_1532 = vector.shape_cast %get3A_1531 : vector<1x16xf32> to vector<16xf32>
    %add3A_1533 = arith.addf %add3A_1527, %get3A_1532 : vector<16xf32>
    %get3A_1534 = arith.constant 11 : i32
    %get3A_1535 = arith.index_cast %get3A_1534 : i32 to index
    %get3A_1536 = arith.constant 224 : index
    %get3A_1537 = tpu.vector_load %arg12[%get3A_1535, %get3A_1536] {strides = array<i32>} : memref<16x256xf32, #tpu.memory_space<vmem>>, vector<1x16xf32>,
    %get3A_1538 = vector.shape_cast %get3A_1537 : vector<1x16xf32> to vector<16xf32>
    %add3A_1539 = arith.addf %add3A_1533, %get3A_1538 : vector<16xf32>
    %get3A_1540 = arith.constant 12 : i32
    %get3A_1541 = arith.index_cast %get3A_1540 : i32 to index
    %get3A_1542 = arith.constant 224 : index
    %get3A_1543 = tpu.vector_load %arg12[%get3A_1541, %get3A_1542] {strides = array<i32>} : memref<16x256xf32, #tpu.memory_space<vmem>>, vector<1x16xf32>,
    %get3A_1544 = vector.shape_cast %get3A_1543 : vector<1x16xf32> to vector<16xf32>
    %add3A_1545 = arith.addf %add3A_1539, %get3A_1544 : vector<16xf32>
    %get3A_1546 = arith.constant 13 : i32
    %get3A_1547 = arith.index_cast %get3A_1546 : i32 to index
    %get3A_1548 = arith.constant 224 : index
    %get3A_1549 = tpu.vector_load %arg12[%get3A_1547, %get3A_1548] {strides = array<i32>} : memref<16x256xf32, #tpu.memory_space<vmem>>, vector<1x16xf32>,
    %get3A_1550 = vector.shape_cast %get3A_1549 : vector<1x16xf32> to vector<16xf32>
    %add3A_1551 = arith.addf %add3A_1545, %get3A_1550 : vector<16xf32>
    %get3A_1552 = arith.constant 14 : i32
    %get3A_1553 = arith.index_cast %get3A_1552 : i32 to index
    %get3A_1554 = arith.constant 224 : index
    %get3A_1555 = tpu.vector_load %arg12[%get3A_1553, %get3A_1554] {strides = array<i32>} : memref<16x256xf32, #tpu.memory_space<vmem>>, vector<1x16xf32>,
    %get3A_1556 = vector.shape_cast %get3A_1555 : vector<1x16xf32> to vector<16xf32>
    %add3A_1557 = arith.addf %add3A_1551, %get3A_1556 : vector<16xf32>
    %get3A_1558 = arith.constant 15 : i32
    %get3A_1559 = arith.index_cast %get3A_1558 : i32 to index
    %get3A_1560 = arith.constant 224 : index
    %get3A_1561 = tpu.vector_load %arg12[%get3A_1559, %get3A_1560] {strides = array<i32>} : memref<16x256xf32, #tpu.memory_space<vmem>>, vector<1x16xf32>,
    %get3A_1562 = vector.shape_cast %get3A_1561 : vector<1x16xf32> to vector<16xf32>
    %add3A_1563 = arith.addf %add3A_1557, %get3A_1562 : vector<16xf32>
    %swap3A_1564 = arith.constant 224 : index
    %swap3A_1565 = tpu.vector_load %arg11[%swap3A_1564] {strides = array<i32>} : memref<256xf32, #tpu.memory_space<vmem>>, vector<16xf32>,
    %swap3A_1566 = vector.shape_cast %swap3A_1565 : vector<16xf32> to vector<16xf32>
    %swap3A_1567 = vector.shape_cast %add3A_1563 : vector<16xf32> to vector<16xf32>
    tpu.vector_store %arg11[%swap3A_1564], %swap3A_1567 {strides = array<i32>} : memref<256xf32, #tpu.memory_space<vmem>>, vector<16xf32>,
    "tpu.region"() ({
      %run_scoped3A = tpu.sem_alloc : memref<!tpu.dma_semaphore, #tpu.memory_space<semaphore_mem>>
      tpu.enqueue_dma source(%arg5 : memref<128xf32, #tpu.memory_space<hbm>>) target(%arg10 : memref<128xf32, #tpu.memory_space<vmem>>) target_semaphore(%run_scoped3A : memref<!tpu.dma_semaphore, #tpu.memory_space<semaphore_mem>>)
      tpu.wait_dma2 semaphore(%run_scoped3A : memref<!tpu.dma_semaphore, #tpu.memory_space<semaphore_mem>>) src(%arg5 : memref<128xf32, #tpu.memory_space<hbm>>) dst(%arg10 : memref<128xf32, #tpu.memory_space<vmem>>)
      tpu.yield
    }) : () -> ()
    %scan3A_1568 = arith.constant 0 : i32
    %scan3A_1569 = arith.constant 8 : i32
    %scan3A_1570 = arith.addi %scan3A_1568, %scan3A_1569 : i32
    %scan3A_1571 = arith.constant 1 : i32
    %scan3A_1572 = scf.for %scan3A_2409 = %scan3A_1568 to %scan3A_1570 step %scan3A_1571 iter_args(%scan3A_2410 = %broadcast_in_dim3A_1) -> (vector<16xf32>)  : i32 {
      %mul3A_2411 = arith.constant 16 : i32
      %mul3A_2412 = arith.muli %scan3A_2409, %mul3A_2411 : i32
      %multiple_of3A = tpu.assume_multiple %mul3A_2412, 16 : i32
      %get3A_2413 = arith.index_cast %multiple_of3A : i32 to index
      %get3A_2414 = tpu.vector_load %arg10[%get3A_2413] {strides = array<i32>} : memref<128xf32, #tpu.memory_space<vmem>>, vector<16xf32>,
      %get3A_2415 = vector.shape_cast %get3A_2414 : vector<16xf32> to vector<16xf32>
      %add3A_2416 = arith.addf %scan3A_2410, %get3A_2415 : vector<16xf32>
      scf.yield %add3A_2416 : vector<16xf32>
    }
    %scan3A_1573 = arith.constant 8 : i32
    %iota3A = tpu.iota {dimensions = array<i32: 0>} : vector<16xi32>
    %eq3A = arith.constant 0 : i32
    %eq3A_1574 = vector.broadcast %eq3A : i32 to vector<16xi32>
    %eq3A_1575 = arith.cmpi eq, %iota3A, %eq3A_1574 : vector<16xi32>
    %get3A_1576 = arith.constant 0 : index
    %get3A_1577 = tpu.vector_load %arg11[%get3A_1576] {strides = array<i32>} : memref<256xf32, #tpu.memory_space<vmem>>, vector<16xf32>,
    %get3A_1578 = vector.shape_cast %get3A_1577 : vector<16xf32> to vector<16xf32>
    %slice3A = vector.extract_strided_slice %get3A_1578 {offsets = [0], sizes = [1], strides = [1]} : vector<16xf32> to vector<1xf32>
    %squeeze3A = vector.extract %slice3A[0] : f32 from vector<1xf32>
    %slice3A_1579 = vector.extract_strided_slice %get3A_1578 {offsets = [1], sizes = [1], strides = [1]} : vector<16xf32> to vector<1xf32>
    %squeeze3A_1580 = vector.extract %slice3A_1579[0] : f32 from vector<1xf32>
    %add3A_1581 = arith.addf %squeeze3A, %squeeze3A_1580 : f32
    %slice3A_1582 = vector.extract_strided_slice %get3A_1578 {offsets = [2], sizes = [1], strides = [1]} : vector<16xf32> to vector<1xf32>
    %squeeze3A_1583 = vector.extract %slice3A_1582[0] : f32 from vector<1xf32>
    %add3A_1584 = arith.addf %add3A_1581, %squeeze3A_1583 : f32
    %slice3A_1585 = vector.extract_strided_slice %get3A_1578 {offsets = [3], sizes = [1], strides = [1]} : vector<16xf32> to vector<1xf32>
    %squeeze3A_1586 = vector.extract %slice3A_1585[0] : f32 from vector<1xf32>
    %add3A_1587 = arith.addf %add3A_1584, %squeeze3A_1586 : f32
    %slice3A_1588 = vector.extract_strided_slice %get3A_1578 {offsets = [4], sizes = [1], strides = [1]} : vector<16xf32> to vector<1xf32>
    %squeeze3A_1589 = vector.extract %slice3A_1588[0] : f32 from vector<1xf32>
    %add3A_1590 = arith.addf %add3A_1587, %squeeze3A_1589 : f32
    %slice3A_1591 = vector.extract_strided_slice %get3A_1578 {offsets = [5], sizes = [1], strides = [1]} : vector<16xf32> to vector<1xf32>
    %squeeze3A_1592 = vector.extract %slice3A_1591[0] : f32 from vector<1xf32>
    %add3A_1593 = arith.addf %add3A_1590, %squeeze3A_1592 : f32
    %slice3A_1594 = vector.extract_strided_slice %get3A_1578 {offsets = [6], sizes = [1], strides = [1]} : vector<16xf32> to vector<1xf32>
    %squeeze3A_1595 = vector.extract %slice3A_1594[0] : f32 from vector<1xf32>
    %add3A_1596 = arith.addf %add3A_1593, %squeeze3A_1595 : f32
    %slice3A_1597 = vector.extract_strided_slice %get3A_1578 {offsets = [7], sizes = [1], strides = [1]} : vector<16xf32> to vector<1xf32>
    %squeeze3A_1598 = vector.extract %slice3A_1597[0] : f32 from vector<1xf32>
    %add3A_1599 = arith.addf %add3A_1596, %squeeze3A_1598 : f32
    %slice3A_1600 = vector.extract_strided_slice %get3A_1578 {offsets = [8], sizes = [1], strides = [1]} : vector<16xf32> to vector<1xf32>
    %squeeze3A_1601 = vector.extract %slice3A_1600[0] : f32 from vector<1xf32>
    %add3A_1602 = arith.addf %add3A_1599, %squeeze3A_1601 : f32
    %slice3A_1603 = vector.extract_strided_slice %get3A_1578 {offsets = [9], sizes = [1], strides = [1]} : vector<16xf32> to vector<1xf32>
    %squeeze3A_1604 = vector.extract %slice3A_1603[0] : f32 from vector<1xf32>
    %add3A_1605 = arith.addf %add3A_1602, %squeeze3A_1604 : f32
    %slice3A_1606 = vector.extract_strided_slice %get3A_1578 {offsets = [10], sizes = [1], strides = [1]} : vector<16xf32> to vector<1xf32>
    %squeeze3A_1607 = vector.extract %slice3A_1606[0] : f32 from vector<1xf32>
    %add3A_1608 = arith.addf %add3A_1605, %squeeze3A_1607 : f32
    %slice3A_1609 = vector.extract_strided_slice %get3A_1578 {offsets = [11], sizes = [1], strides = [1]} : vector<16xf32> to vector<1xf32>
    %squeeze3A_1610 = vector.extract %slice3A_1609[0] : f32 from vector<1xf32>
    %add3A_1611 = arith.addf %add3A_1608, %squeeze3A_1610 : f32
    %slice3A_1612 = vector.extract_strided_slice %get3A_1578 {offsets = [12], sizes = [1], strides = [1]} : vector<16xf32> to vector<1xf32>
    %squeeze3A_1613 = vector.extract %slice3A_1612[0] : f32 from vector<1xf32>
    %add3A_1614 = arith.addf %add3A_1611, %squeeze3A_1613 : f32
    %slice3A_1615 = vector.extract_strided_slice %get3A_1578 {offsets = [13], sizes = [1], strides = [1]} : vector<16xf32> to vector<1xf32>
    %squeeze3A_1616 = vector.extract %slice3A_1615[0] : f32 from vector<1xf32>
    %add3A_1617 = arith.addf %add3A_1614, %squeeze3A_1616 : f32
    %slice3A_1618 = vector.extract_strided_slice %get3A_1578 {offsets = [14], sizes = [1], strides = [1]} : vector<16xf32> to vector<1xf32>
    %squeeze3A_1619 = vector.extract %slice3A_1618[0] : f32 from vector<1xf32>
    %add3A_1620 = arith.addf %add3A_1617, %squeeze3A_1619 : f32
    %slice3A_1621 = vector.extract_strided_slice %get3A_1578 {offsets = [15], sizes = [1], strides = [1]} : vector<16xf32> to vector<1xf32>
    %squeeze3A_1622 = vector.extract %slice3A_1621[0] : f32 from vector<1xf32>
    %add3A_1623 = arith.addf %add3A_1620, %squeeze3A_1622 : f32
    %broadcast_in_dim3A_1624 = vector.broadcast %add3A_1623 : f32 to vector<16xf32>
    %select_n3A = arith.select %eq3A_1575, %broadcast_in_dim3A_1624, %broadcast_in_dim3A_1 : vector<16xi1>, vector<16xf32>
    %get3A_1625 = arith.constant 16 : index
    %get3A_1626 = tpu.vector_load %arg11[%get3A_1625] {strides = array<i32>} : memref<256xf32, #tpu.memory_space<vmem>>, vector<16xf32>,
    %get3A_1627 = vector.shape_cast %get3A_1626 : vector<16xf32> to vector<16xf32>
    %slice3A_1628 = vector.extract_strided_slice %get3A_1627 {offsets = [0], sizes = [1], strides = [1]} : vector<16xf32> to vector<1xf32>
    %squeeze3A_1629 = vector.extract %slice3A_1628[0] : f32 from vector<1xf32>
    %slice3A_1630 = vector.extract_strided_slice %get3A_1627 {offsets = [1], sizes = [1], strides = [1]} : vector<16xf32> to vector<1xf32>
    %squeeze3A_1631 = vector.extract %slice3A_1630[0] : f32 from vector<1xf32>
    %add3A_1632 = arith.addf %squeeze3A_1629, %squeeze3A_1631 : f32
    %slice3A_1633 = vector.extract_strided_slice %get3A_1627 {offsets = [2], sizes = [1], strides = [1]} : vector<16xf32> to vector<1xf32>
    %squeeze3A_1634 = vector.extract %slice3A_1633[0] : f32 from vector<1xf32>
    %add3A_1635 = arith.addf %add3A_1632, %squeeze3A_1634 : f32
    %slice3A_1636 = vector.extract_strided_slice %get3A_1627 {offsets = [3], sizes = [1], strides = [1]} : vector<16xf32> to vector<1xf32>
    %squeeze3A_1637 = vector.extract %slice3A_1636[0] : f32 from vector<1xf32>
    %add3A_1638 = arith.addf %add3A_1635, %squeeze3A_1637 : f32
    %slice3A_1639 = vector.extract_strided_slice %get3A_1627 {offsets = [4], sizes = [1], strides = [1]} : vector<16xf32> to vector<1xf32>
    %squeeze3A_1640 = vector.extract %slice3A_1639[0] : f32 from vector<1xf32>
    %add3A_1641 = arith.addf %add3A_1638, %squeeze3A_1640 : f32
    %slice3A_1642 = vector.extract_strided_slice %get3A_1627 {offsets = [5], sizes = [1], strides = [1]} : vector<16xf32> to vector<1xf32>
    %squeeze3A_1643 = vector.extract %slice3A_1642[0] : f32 from vector<1xf32>
    %add3A_1644 = arith.addf %add3A_1641, %squeeze3A_1643 : f32
    %slice3A_1645 = vector.extract_strided_slice %get3A_1627 {offsets = [6], sizes = [1], strides = [1]} : vector<16xf32> to vector<1xf32>
    %squeeze3A_1646 = vector.extract %slice3A_1645[0] : f32 from vector<1xf32>
    %add3A_1647 = arith.addf %add3A_1644, %squeeze3A_1646 : f32
    %slice3A_1648 = vector.extract_strided_slice %get3A_1627 {offsets = [7], sizes = [1], strides = [1]} : vector<16xf32> to vector<1xf32>
    %squeeze3A_1649 = vector.extract %slice3A_1648[0] : f32 from vector<1xf32>
    %add3A_1650 = arith.addf %add3A_1647, %squeeze3A_1649 : f32
    %slice3A_1651 = vector.extract_strided_slice %get3A_1627 {offsets = [8], sizes = [1], strides = [1]} : vector<16xf32> to vector<1xf32>
    %squeeze3A_1652 = vector.extract %slice3A_1651[0] : f32 from vector<1xf32>
    %add3A_1653 = arith.addf %add3A_1650, %squeeze3A_1652 : f32
    %slice3A_1654 = vector.extract_strided_slice %get3A_1627 {offsets = [9], sizes = [1], strides = [1]} : vector<16xf32> to vector<1xf32>
    %squeeze3A_1655 = vector.extract %slice3A_1654[0] : f32 from vector<1xf32>
    %add3A_1656 = arith.addf %add3A_1653, %squeeze3A_1655 : f32
    %slice3A_1657 = vector.extract_strided_slice %get3A_1627 {offsets = [10], sizes = [1], strides = [1]} : vector<16xf32> to vector<1xf32>
    %squeeze3A_1658 = vector.extract %slice3A_1657[0] : f32 from vector<1xf32>
    %add3A_1659 = arith.addf %add3A_1656, %squeeze3A_1658 : f32
    %slice3A_1660 = vector.extract_strided_slice %get3A_1627 {offsets = [11], sizes = [1], strides = [1]} : vector<16xf32> to vector<1xf32>
    %squeeze3A_1661 = vector.extract %slice3A_1660[0] : f32 from vector<1xf32>
    %add3A_1662 = arith.addf %add3A_1659, %squeeze3A_1661 : f32
    %slice3A_1663 = vector.extract_strided_slice %get3A_1627 {offsets = [12], sizes = [1], strides = [1]} : vector<16xf32> to vector<1xf32>
    %squeeze3A_1664 = vector.extract %slice3A_1663[0] : f32 from vector<1xf32>
    %add3A_1665 = arith.addf %add3A_1662, %squeeze3A_1664 : f32
    %slice3A_1666 = vector.extract_strided_slice %get3A_1627 {offsets = [13], sizes = [1], strides = [1]} : vector<16xf32> to vector<1xf32>
    %squeeze3A_1667 = vector.extract %slice3A_1666[0] : f32 from vector<1xf32>
    %add3A_1668 = arith.addf %add3A_1665, %squeeze3A_1667 : f32
    %slice3A_1669 = vector.extract_strided_slice %get3A_1627 {offsets = [14], sizes = [1], strides = [1]} : vector<16xf32> to vector<1xf32>
    %squeeze3A_1670 = vector.extract %slice3A_1669[0] : f32 from vector<1xf32>
    %add3A_1671 = arith.addf %add3A_1668, %squeeze3A_1670 : f32
    %slice3A_1672 = vector.extract_strided_slice %get3A_1627 {offsets = [15], sizes = [1], strides = [1]} : vector<16xf32> to vector<1xf32>
    %squeeze3A_1673 = vector.extract %slice3A_1672[0] : f32 from vector<1xf32>
    %add3A_1674 = arith.addf %add3A_1671, %squeeze3A_1673 : f32
    %broadcast_in_dim3A_1675 = vector.broadcast %add3A_1674 : f32 to vector<16xf32>
    %select_n3A_1676 = arith.select %eq3A_1575, %broadcast_in_dim3A_1675, %broadcast_in_dim3A_1 : vector<16xi1>, vector<16xf32>
    %get3A_1677 = arith.constant 32 : index
    %get3A_1678 = tpu.vector_load %arg11[%get3A_1677] {strides = array<i32>} : memref<256xf32, #tpu.memory_space<vmem>>, vector<16xf32>,
    %get3A_1679 = vector.shape_cast %get3A_1678 : vector<16xf32> to vector<16xf32>
    %slice3A_1680 = vector.extract_strided_slice %get3A_1679 {offsets = [0], sizes = [1], strides = [1]} : vector<16xf32> to vector<1xf32>
    %squeeze3A_1681 = vector.extract %slice3A_1680[0] : f32 from vector<1xf32>
    %slice3A_1682 = vector.extract_strided_slice %get3A_1679 {offsets = [1], sizes = [1], strides = [1]} : vector<16xf32> to vector<1xf32>
    %squeeze3A_1683 = vector.extract %slice3A_1682[0] : f32 from vector<1xf32>
    %add3A_1684 = arith.addf %squeeze3A_1681, %squeeze3A_1683 : f32
    %slice3A_1685 = vector.extract_strided_slice %get3A_1679 {offsets = [2], sizes = [1], strides = [1]} : vector<16xf32> to vector<1xf32>
    %squeeze3A_1686 = vector.extract %slice3A_1685[0] : f32 from vector<1xf32>
    %add3A_1687 = arith.addf %add3A_1684, %squeeze3A_1686 : f32
    %slice3A_1688 = vector.extract_strided_slice %get3A_1679 {offsets = [3], sizes = [1], strides = [1]} : vector<16xf32> to vector<1xf32>
    %squeeze3A_1689 = vector.extract %slice3A_1688[0] : f32 from vector<1xf32>
    %add3A_1690 = arith.addf %add3A_1687, %squeeze3A_1689 : f32
    %slice3A_1691 = vector.extract_strided_slice %get3A_1679 {offsets = [4], sizes = [1], strides = [1]} : vector<16xf32> to vector<1xf32>
    %squeeze3A_1692 = vector.extract %slice3A_1691[0] : f32 from vector<1xf32>
    %add3A_1693 = arith.addf %add3A_1690, %squeeze3A_1692 : f32
    %slice3A_1694 = vector.extract_strided_slice %get3A_1679 {offsets = [5], sizes = [1], strides = [1]} : vector<16xf32> to vector<1xf32>
    %squeeze3A_1695 = vector.extract %slice3A_1694[0] : f32 from vector<1xf32>
    %add3A_1696 = arith.addf %add3A_1693, %squeeze3A_1695 : f32
    %slice3A_1697 = vector.extract_strided_slice %get3A_1679 {offsets = [6], sizes = [1], strides = [1]} : vector<16xf32> to vector<1xf32>
    %squeeze3A_1698 = vector.extract %slice3A_1697[0] : f32 from vector<1xf32>
    %add3A_1699 = arith.addf %add3A_1696, %squeeze3A_1698 : f32
    %slice3A_1700 = vector.extract_strided_slice %get3A_1679 {offsets = [7], sizes = [1], strides = [1]} : vector<16xf32> to vector<1xf32>
    %squeeze3A_1701 = vector.extract %slice3A_1700[0] : f32 from vector<1xf32>
    %add3A_1702 = arith.addf %add3A_1699, %squeeze3A_1701 : f32
    %slice3A_1703 = vector.extract_strided_slice %get3A_1679 {offsets = [8], sizes = [1], strides = [1]} : vector<16xf32> to vector<1xf32>
    %squeeze3A_1704 = vector.extract %slice3A_1703[0] : f32 from vector<1xf32>
    %add3A_1705 = arith.addf %add3A_1702, %squeeze3A_1704 : f32
    %slice3A_1706 = vector.extract_strided_slice %get3A_1679 {offsets = [9], sizes = [1], strides = [1]} : vector<16xf32> to vector<1xf32>
    %squeeze3A_1707 = vector.extract %slice3A_1706[0] : f32 from vector<1xf32>
    %add3A_1708 = arith.addf %add3A_1705, %squeeze3A_1707 : f32
    %slice3A_1709 = vector.extract_strided_slice %get3A_1679 {offsets = [10], sizes = [1], strides = [1]} : vector<16xf32> to vector<1xf32>
    %squeeze3A_1710 = vector.extract %slice3A_1709[0] : f32 from vector<1xf32>
    %add3A_1711 = arith.addf %add3A_1708, %squeeze3A_1710 : f32
    %slice3A_1712 = vector.extract_strided_slice %get3A_1679 {offsets = [11], sizes = [1], strides = [1]} : vector<16xf32> to vector<1xf32>
    %squeeze3A_1713 = vector.extract %slice3A_1712[0] : f32 from vector<1xf32>
    %add3A_1714 = arith.addf %add3A_1711, %squeeze3A_1713 : f32
    %slice3A_1715 = vector.extract_strided_slice %get3A_1679 {offsets = [12], sizes = [1], strides = [1]} : vector<16xf32> to vector<1xf32>
    %squeeze3A_1716 = vector.extract %slice3A_1715[0] : f32 from vector<1xf32>
    %add3A_1717 = arith.addf %add3A_1714, %squeeze3A_1716 : f32
    %slice3A_1718 = vector.extract_strided_slice %get3A_1679 {offsets = [13], sizes = [1], strides = [1]} : vector<16xf32> to vector<1xf32>
    %squeeze3A_1719 = vector.extract %slice3A_1718[0] : f32 from vector<1xf32>
    %add3A_1720 = arith.addf %add3A_1717, %squeeze3A_1719 : f32
    %slice3A_1721 = vector.extract_strided_slice %get3A_1679 {offsets = [14], sizes = [1], strides = [1]} : vector<16xf32> to vector<1xf32>
    %squeeze3A_1722 = vector.extract %slice3A_1721[0] : f32 from vector<1xf32>
    %add3A_1723 = arith.addf %add3A_1720, %squeeze3A_1722 : f32
    %slice3A_1724 = vector.extract_strided_slice %get3A_1679 {offsets = [15], sizes = [1], strides = [1]} : vector<16xf32> to vector<1xf32>
    %squeeze3A_1725 = vector.extract %slice3A_1724[0] : f32 from vector<1xf32>
    %add3A_1726 = arith.addf %add3A_1723, %squeeze3A_1725 : f32
    %broadcast_in_dim3A_1727 = vector.broadcast %add3A_1726 : f32 to vector<16xf32>
    %select_n3A_1728 = arith.select %eq3A_1575, %broadcast_in_dim3A_1727, %broadcast_in_dim3A_1 : vector<16xi1>, vector<16xf32>
    %eq3A_1729 = arith.constant 1 : i32
    %eq3A_1730 = vector.broadcast %eq3A_1729 : i32 to vector<16xi32>
    %eq3A_1731 = arith.cmpi eq, %iota3A, %eq3A_1730 : vector<16xi32>
    %get3A_1732 = arith.constant 48 : index
    %get3A_1733 = tpu.vector_load %arg11[%get3A_1732] {strides = array<i32>} : memref<256xf32, #tpu.memory_space<vmem>>, vector<16xf32>,
    %get3A_1734 = vector.shape_cast %get3A_1733 : vector<16xf32> to vector<16xf32>
    %slice3A_1735 = vector.extract_strided_slice %get3A_1734 {offsets = [0], sizes = [1], strides = [1]} : vector<16xf32> to vector<1xf32>
    %squeeze3A_1736 = vector.extract %slice3A_1735[0] : f32 from vector<1xf32>
    %slice3A_1737 = vector.extract_strided_slice %get3A_1734 {offsets = [1], sizes = [1], strides = [1]} : vector<16xf32> to vector<1xf32>
    %squeeze3A_1738 = vector.extract %slice3A_1737[0] : f32 from vector<1xf32>
    %add3A_1739 = arith.addf %squeeze3A_1736, %squeeze3A_1738 : f32
    %slice3A_1740 = vector.extract_strided_slice %get3A_1734 {offsets = [2], sizes = [1], strides = [1]} : vector<16xf32> to vector<1xf32>
    %squeeze3A_1741 = vector.extract %slice3A_1740[0] : f32 from vector<1xf32>
    %add3A_1742 = arith.addf %add3A_1739, %squeeze3A_1741 : f32
    %slice3A_1743 = vector.extract_strided_slice %get3A_1734 {offsets = [3], sizes = [1], strides = [1]} : vector<16xf32> to vector<1xf32>
    %squeeze3A_1744 = vector.extract %slice3A_1743[0] : f32 from vector<1xf32>
    %add3A_1745 = arith.addf %add3A_1742, %squeeze3A_1744 : f32
    %slice3A_1746 = vector.extract_strided_slice %get3A_1734 {offsets = [4], sizes = [1], strides = [1]} : vector<16xf32> to vector<1xf32>
    %squeeze3A_1747 = vector.extract %slice3A_1746[0] : f32 from vector<1xf32>
    %add3A_1748 = arith.addf %add3A_1745, %squeeze3A_1747 : f32
    %slice3A_1749 = vector.extract_strided_slice %get3A_1734 {offsets = [5], sizes = [1], strides = [1]} : vector<16xf32> to vector<1xf32>
    %squeeze3A_1750 = vector.extract %slice3A_1749[0] : f32 from vector<1xf32>
    %add3A_1751 = arith.addf %add3A_1748, %squeeze3A_1750 : f32
    %slice3A_1752 = vector.extract_strided_slice %get3A_1734 {offsets = [6], sizes = [1], strides = [1]} : vector<16xf32> to vector<1xf32>
    %squeeze3A_1753 = vector.extract %slice3A_1752[0] : f32 from vector<1xf32>
    %add3A_1754 = arith.addf %add3A_1751, %squeeze3A_1753 : f32
    %slice3A_1755 = vector.extract_strided_slice %get3A_1734 {offsets = [7], sizes = [1], strides = [1]} : vector<16xf32> to vector<1xf32>
    %squeeze3A_1756 = vector.extract %slice3A_1755[0] : f32 from vector<1xf32>
    %add3A_1757 = arith.addf %add3A_1754, %squeeze3A_1756 : f32
    %slice3A_1758 = vector.extract_strided_slice %get3A_1734 {offsets = [8], sizes = [1], strides = [1]} : vector<16xf32> to vector<1xf32>
    %squeeze3A_1759 = vector.extract %slice3A_1758[0] : f32 from vector<1xf32>
    %add3A_1760 = arith.addf %add3A_1757, %squeeze3A_1759 : f32
    %slice3A_1761 = vector.extract_strided_slice %get3A_1734 {offsets = [9], sizes = [1], strides = [1]} : vector<16xf32> to vector<1xf32>
    %squeeze3A_1762 = vector.extract %slice3A_1761[0] : f32 from vector<1xf32>
    %add3A_1763 = arith.addf %add3A_1760, %squeeze3A_1762 : f32
    %slice3A_1764 = vector.extract_strided_slice %get3A_1734 {offsets = [10], sizes = [1], strides = [1]} : vector<16xf32> to vector<1xf32>
    %squeeze3A_1765 = vector.extract %slice3A_1764[0] : f32 from vector<1xf32>
    %add3A_1766 = arith.addf %add3A_1763, %squeeze3A_1765 : f32
    %slice3A_1767 = vector.extract_strided_slice %get3A_1734 {offsets = [11], sizes = [1], strides = [1]} : vector<16xf32> to vector<1xf32>
    %squeeze3A_1768 = vector.extract %slice3A_1767[0] : f32 from vector<1xf32>
    %add3A_1769 = arith.addf %add3A_1766, %squeeze3A_1768 : f32
    %slice3A_1770 = vector.extract_strided_slice %get3A_1734 {offsets = [12], sizes = [1], strides = [1]} : vector<16xf32> to vector<1xf32>
    %squeeze3A_1771 = vector.extract %slice3A_1770[0] : f32 from vector<1xf32>
    %add3A_1772 = arith.addf %add3A_1769, %squeeze3A_1771 : f32
    %slice3A_1773 = vector.extract_strided_slice %get3A_1734 {offsets = [13], sizes = [1], strides = [1]} : vector<16xf32> to vector<1xf32>
    %squeeze3A_1774 = vector.extract %slice3A_1773[0] : f32 from vector<1xf32>
    %add3A_1775 = arith.addf %add3A_1772, %squeeze3A_1774 : f32
    %slice3A_1776 = vector.extract_strided_slice %get3A_1734 {offsets = [14], sizes = [1], strides = [1]} : vector<16xf32> to vector<1xf32>
    %squeeze3A_1777 = vector.extract %slice3A_1776[0] : f32 from vector<1xf32>
    %add3A_1778 = arith.addf %add3A_1775, %squeeze3A_1777 : f32
    %slice3A_1779 = vector.extract_strided_slice %get3A_1734 {offsets = [15], sizes = [1], strides = [1]} : vector<16xf32> to vector<1xf32>
    %squeeze3A_1780 = vector.extract %slice3A_1779[0] : f32 from vector<1xf32>
    %add3A_1781 = arith.addf %add3A_1778, %squeeze3A_1780 : f32
    %broadcast_in_dim3A_1782 = vector.broadcast %add3A_1781 : f32 to vector<16xf32>
    %select_n3A_1783 = arith.select %eq3A_1731, %broadcast_in_dim3A_1782, %select_n3A : vector<16xi1>, vector<16xf32>
    %get3A_1784 = arith.constant 64 : index
    %get3A_1785 = tpu.vector_load %arg11[%get3A_1784] {strides = array<i32>} : memref<256xf32, #tpu.memory_space<vmem>>, vector<16xf32>,
    %get3A_1786 = vector.shape_cast %get3A_1785 : vector<16xf32> to vector<16xf32>
    %slice3A_1787 = vector.extract_strided_slice %get3A_1786 {offsets = [0], sizes = [1], strides = [1]} : vector<16xf32> to vector<1xf32>
    %squeeze3A_1788 = vector.extract %slice3A_1787[0] : f32 from vector<1xf32>
    %slice3A_1789 = vector.extract_strided_slice %get3A_1786 {offsets = [1], sizes = [1], strides = [1]} : vector<16xf32> to vector<1xf32>
    %squeeze3A_1790 = vector.extract %slice3A_1789[0] : f32 from vector<1xf32>
    %add3A_1791 = arith.addf %squeeze3A_1788, %squeeze3A_1790 : f32
    %slice3A_1792 = vector.extract_strided_slice %get3A_1786 {offsets = [2], sizes = [1], strides = [1]} : vector<16xf32> to vector<1xf32>
    %squeeze3A_1793 = vector.extract %slice3A_1792[0] : f32 from vector<1xf32>
    %add3A_1794 = arith.addf %add3A_1791, %squeeze3A_1793 : f32
    %slice3A_1795 = vector.extract_strided_slice %get3A_1786 {offsets = [3], sizes = [1], strides = [1]} : vector<16xf32> to vector<1xf32>
    %squeeze3A_1796 = vector.extract %slice3A_1795[0] : f32 from vector<1xf32>
    %add3A_1797 = arith.addf %add3A_1794, %squeeze3A_1796 : f32
    %slice3A_1798 = vector.extract_strided_slice %get3A_1786 {offsets = [4], sizes = [1], strides = [1]} : vector<16xf32> to vector<1xf32>
    %squeeze3A_1799 = vector.extract %slice3A_1798[0] : f32 from vector<1xf32>
    %add3A_1800 = arith.addf %add3A_1797, %squeeze3A_1799 : f32
    %slice3A_1801 = vector.extract_strided_slice %get3A_1786 {offsets = [5], sizes = [1], strides = [1]} : vector<16xf32> to vector<1xf32>
    %squeeze3A_1802 = vector.extract %slice3A_1801[0] : f32 from vector<1xf32>
    %add3A_1803 = arith.addf %add3A_1800, %squeeze3A_1802 : f32
    %slice3A_1804 = vector.extract_strided_slice %get3A_1786 {offsets = [6], sizes = [1], strides = [1]} : vector<16xf32> to vector<1xf32>
    %squeeze3A_1805 = vector.extract %slice3A_1804[0] : f32 from vector<1xf32>
    %add3A_1806 = arith.addf %add3A_1803, %squeeze3A_1805 : f32
    %slice3A_1807 = vector.extract_strided_slice %get3A_1786 {offsets = [7], sizes = [1], strides = [1]} : vector<16xf32> to vector<1xf32>
    %squeeze3A_1808 = vector.extract %slice3A_1807[0] : f32 from vector<1xf32>
    %add3A_1809 = arith.addf %add3A_1806, %squeeze3A_1808 : f32
    %slice3A_1810 = vector.extract_strided_slice %get3A_1786 {offsets = [8], sizes = [1], strides = [1]} : vector<16xf32> to vector<1xf32>
    %squeeze3A_1811 = vector.extract %slice3A_1810[0] : f32 from vector<1xf32>
    %add3A_1812 = arith.addf %add3A_1809, %squeeze3A_1811 : f32
    %slice3A_1813 = vector.extract_strided_slice %get3A_1786 {offsets = [9], sizes = [1], strides = [1]} : vector<16xf32> to vector<1xf32>
    %squeeze3A_1814 = vector.extract %slice3A_1813[0] : f32 from vector<1xf32>
    %add3A_1815 = arith.addf %add3A_1812, %squeeze3A_1814 : f32
    %slice3A_1816 = vector.extract_strided_slice %get3A_1786 {offsets = [10], sizes = [1], strides = [1]} : vector<16xf32> to vector<1xf32>
    %squeeze3A_1817 = vector.extract %slice3A_1816[0] : f32 from vector<1xf32>
    %add3A_1818 = arith.addf %add3A_1815, %squeeze3A_1817 : f32
    %slice3A_1819 = vector.extract_strided_slice %get3A_1786 {offsets = [11], sizes = [1], strides = [1]} : vector<16xf32> to vector<1xf32>
    %squeeze3A_1820 = vector.extract %slice3A_1819[0] : f32 from vector<1xf32>
    %add3A_1821 = arith.addf %add3A_1818, %squeeze3A_1820 : f32
    %slice3A_1822 = vector.extract_strided_slice %get3A_1786 {offsets = [12], sizes = [1], strides = [1]} : vector<16xf32> to vector<1xf32>
    %squeeze3A_1823 = vector.extract %slice3A_1822[0] : f32 from vector<1xf32>
    %add3A_1824 = arith.addf %add3A_1821, %squeeze3A_1823 : f32
    %slice3A_1825 = vector.extract_strided_slice %get3A_1786 {offsets = [13], sizes = [1], strides = [1]} : vector<16xf32> to vector<1xf32>
    %squeeze3A_1826 = vector.extract %slice3A_1825[0] : f32 from vector<1xf32>
    %add3A_1827 = arith.addf %add3A_1824, %squeeze3A_1826 : f32
    %slice3A_1828 = vector.extract_strided_slice %get3A_1786 {offsets = [14], sizes = [1], strides = [1]} : vector<16xf32> to vector<1xf32>
    %squeeze3A_1829 = vector.extract %slice3A_1828[0] : f32 from vector<1xf32>
    %add3A_1830 = arith.addf %add3A_1827, %squeeze3A_1829 : f32
    %slice3A_1831 = vector.extract_strided_slice %get3A_1786 {offsets = [15], sizes = [1], strides = [1]} : vector<16xf32> to vector<1xf32>
    %squeeze3A_1832 = vector.extract %slice3A_1831[0] : f32 from vector<1xf32>
    %add3A_1833 = arith.addf %add3A_1830, %squeeze3A_1832 : f32
    %broadcast_in_dim3A_1834 = vector.broadcast %add3A_1833 : f32 to vector<16xf32>
    %select_n3A_1835 = arith.select %eq3A_1731, %broadcast_in_dim3A_1834, %select_n3A_1676 : vector<16xi1>, vector<16xf32>
    %get3A_1836 = arith.constant 80 : index
    %get3A_1837 = tpu.vector_load %arg11[%get3A_1836] {strides = array<i32>} : memref<256xf32, #tpu.memory_space<vmem>>, vector<16xf32>,
    %get3A_1838 = vector.shape_cast %get3A_1837 : vector<16xf32> to vector<16xf32>
    %slice3A_1839 = vector.extract_strided_slice %get3A_1838 {offsets = [0], sizes = [1], strides = [1]} : vector<16xf32> to vector<1xf32>
    %squeeze3A_1840 = vector.extract %slice3A_1839[0] : f32 from vector<1xf32>
    %slice3A_1841 = vector.extract_strided_slice %get3A_1838 {offsets = [1], sizes = [1], strides = [1]} : vector<16xf32> to vector<1xf32>
    %squeeze3A_1842 = vector.extract %slice3A_1841[0] : f32 from vector<1xf32>
    %add3A_1843 = arith.addf %squeeze3A_1840, %squeeze3A_1842 : f32
    %slice3A_1844 = vector.extract_strided_slice %get3A_1838 {offsets = [2], sizes = [1], strides = [1]} : vector<16xf32> to vector<1xf32>
    %squeeze3A_1845 = vector.extract %slice3A_1844[0] : f32 from vector<1xf32>
    %add3A_1846 = arith.addf %add3A_1843, %squeeze3A_1845 : f32
    %slice3A_1847 = vector.extract_strided_slice %get3A_1838 {offsets = [3], sizes = [1], strides = [1]} : vector<16xf32> to vector<1xf32>
    %squeeze3A_1848 = vector.extract %slice3A_1847[0] : f32 from vector<1xf32>
    %add3A_1849 = arith.addf %add3A_1846, %squeeze3A_1848 : f32
    %slice3A_1850 = vector.extract_strided_slice %get3A_1838 {offsets = [4], sizes = [1], strides = [1]} : vector<16xf32> to vector<1xf32>
    %squeeze3A_1851 = vector.extract %slice3A_1850[0] : f32 from vector<1xf32>
    %add3A_1852 = arith.addf %add3A_1849, %squeeze3A_1851 : f32
    %slice3A_1853 = vector.extract_strided_slice %get3A_1838 {offsets = [5], sizes = [1], strides = [1]} : vector<16xf32> to vector<1xf32>
    %squeeze3A_1854 = vector.extract %slice3A_1853[0] : f32 from vector<1xf32>
    %add3A_1855 = arith.addf %add3A_1852, %squeeze3A_1854 : f32
    %slice3A_1856 = vector.extract_strided_slice %get3A_1838 {offsets = [6], sizes = [1], strides = [1]} : vector<16xf32> to vector<1xf32>
    %squeeze3A_1857 = vector.extract %slice3A_1856[0] : f32 from vector<1xf32>
    %add3A_1858 = arith.addf %add3A_1855, %squeeze3A_1857 : f32
    %slice3A_1859 = vector.extract_strided_slice %get3A_1838 {offsets = [7], sizes = [1], strides = [1]} : vector<16xf32> to vector<1xf32>
    %squeeze3A_1860 = vector.extract %slice3A_1859[0] : f32 from vector<1xf32>
    %add3A_1861 = arith.addf %add3A_1858, %squeeze3A_1860 : f32
    %slice3A_1862 = vector.extract_strided_slice %get3A_1838 {offsets = [8], sizes = [1], strides = [1]} : vector<16xf32> to vector<1xf32>
    %squeeze3A_1863 = vector.extract %slice3A_1862[0] : f32 from vector<1xf32>
    %add3A_1864 = arith.addf %add3A_1861, %squeeze3A_1863 : f32
    %slice3A_1865 = vector.extract_strided_slice %get3A_1838 {offsets = [9], sizes = [1], strides = [1]} : vector<16xf32> to vector<1xf32>
    %squeeze3A_1866 = vector.extract %slice3A_1865[0] : f32 from vector<1xf32>
    %add3A_1867 = arith.addf %add3A_1864, %squeeze3A_1866 : f32
    %slice3A_1868 = vector.extract_strided_slice %get3A_1838 {offsets = [10], sizes = [1], strides = [1]} : vector<16xf32> to vector<1xf32>
    %squeeze3A_1869 = vector.extract %slice3A_1868[0] : f32 from vector<1xf32>
    %add3A_1870 = arith.addf %add3A_1867, %squeeze3A_1869 : f32
    %slice3A_1871 = vector.extract_strided_slice %get3A_1838 {offsets = [11], sizes = [1], strides = [1]} : vector<16xf32> to vector<1xf32>
    %squeeze3A_1872 = vector.extract %slice3A_1871[0] : f32 from vector<1xf32>
    %add3A_1873 = arith.addf %add3A_1870, %squeeze3A_1872 : f32
    %slice3A_1874 = vector.extract_strided_slice %get3A_1838 {offsets = [12], sizes = [1], strides = [1]} : vector<16xf32> to vector<1xf32>
    %squeeze3A_1875 = vector.extract %slice3A_1874[0] : f32 from vector<1xf32>
    %add3A_1876 = arith.addf %add3A_1873, %squeeze3A_1875 : f32
    %slice3A_1877 = vector.extract_strided_slice %get3A_1838 {offsets = [13], sizes = [1], strides = [1]} : vector<16xf32> to vector<1xf32>
    %squeeze3A_1878 = vector.extract %slice3A_1877[0] : f32 from vector<1xf32>
    %add3A_1879 = arith.addf %add3A_1876, %squeeze3A_1878 : f32
    %slice3A_1880 = vector.extract_strided_slice %get3A_1838 {offsets = [14], sizes = [1], strides = [1]} : vector<16xf32> to vector<1xf32>
    %squeeze3A_1881 = vector.extract %slice3A_1880[0] : f32 from vector<1xf32>
    %add3A_1882 = arith.addf %add3A_1879, %squeeze3A_1881 : f32
    %slice3A_1883 = vector.extract_strided_slice %get3A_1838 {offsets = [15], sizes = [1], strides = [1]} : vector<16xf32> to vector<1xf32>
    %squeeze3A_1884 = vector.extract %slice3A_1883[0] : f32 from vector<1xf32>
    %add3A_1885 = arith.addf %add3A_1882, %squeeze3A_1884 : f32
    %broadcast_in_dim3A_1886 = vector.broadcast %add3A_1885 : f32 to vector<16xf32>
    %select_n3A_1887 = arith.select %eq3A_1731, %broadcast_in_dim3A_1886, %select_n3A_1728 : vector<16xi1>, vector<16xf32>
    %eq3A_1888 = arith.constant 2 : i32
    %eq3A_1889 = vector.broadcast %eq3A_1888 : i32 to vector<16xi32>
    %eq3A_1890 = arith.cmpi eq, %iota3A, %eq3A_1889 : vector<16xi32>
    %get3A_1891 = arith.constant 96 : index
    %get3A_1892 = tpu.vector_load %arg11[%get3A_1891] {strides = array<i32>} : memref<256xf32, #tpu.memory_space<vmem>>, vector<16xf32>,
    %get3A_1893 = vector.shape_cast %get3A_1892 : vector<16xf32> to vector<16xf32>
    %slice3A_1894 = vector.extract_strided_slice %get3A_1893 {offsets = [0], sizes = [1], strides = [1]} : vector<16xf32> to vector<1xf32>
    %squeeze3A_1895 = vector.extract %slice3A_1894[0] : f32 from vector<1xf32>
    %slice3A_1896 = vector.extract_strided_slice %get3A_1893 {offsets = [1], sizes = [1], strides = [1]} : vector<16xf32> to vector<1xf32>
    %squeeze3A_1897 = vector.extract %slice3A_1896[0] : f32 from vector<1xf32>
    %add3A_1898 = arith.addf %squeeze3A_1895, %squeeze3A_1897 : f32
    %slice3A_1899 = vector.extract_strided_slice %get3A_1893 {offsets = [2], sizes = [1], strides = [1]} : vector<16xf32> to vector<1xf32>
    %squeeze3A_1900 = vector.extract %slice3A_1899[0] : f32 from vector<1xf32>
    %add3A_1901 = arith.addf %add3A_1898, %squeeze3A_1900 : f32
    %slice3A_1902 = vector.extract_strided_slice %get3A_1893 {offsets = [3], sizes = [1], strides = [1]} : vector<16xf32> to vector<1xf32>
    %squeeze3A_1903 = vector.extract %slice3A_1902[0] : f32 from vector<1xf32>
    %add3A_1904 = arith.addf %add3A_1901, %squeeze3A_1903 : f32
    %slice3A_1905 = vector.extract_strided_slice %get3A_1893 {offsets = [4], sizes = [1], strides = [1]} : vector<16xf32> to vector<1xf32>
    %squeeze3A_1906 = vector.extract %slice3A_1905[0] : f32 from vector<1xf32>
    %add3A_1907 = arith.addf %add3A_1904, %squeeze3A_1906 : f32
    %slice3A_1908 = vector.extract_strided_slice %get3A_1893 {offsets = [5], sizes = [1], strides = [1]} : vector<16xf32> to vector<1xf32>
    %squeeze3A_1909 = vector.extract %slice3A_1908[0] : f32 from vector<1xf32>
    %add3A_1910 = arith.addf %add3A_1907, %squeeze3A_1909 : f32
    %slice3A_1911 = vector.extract_strided_slice %get3A_1893 {offsets = [6], sizes = [1], strides = [1]} : vector<16xf32> to vector<1xf32>
    %squeeze3A_1912 = vector.extract %slice3A_1911[0] : f32 from vector<1xf32>
    %add3A_1913 = arith.addf %add3A_1910, %squeeze3A_1912 : f32
    %slice3A_1914 = vector.extract_strided_slice %get3A_1893 {offsets = [7], sizes = [1], strides = [1]} : vector<16xf32> to vector<1xf32>
    %squeeze3A_1915 = vector.extract %slice3A_1914[0] : f32 from vector<1xf32>
    %add3A_1916 = arith.addf %add3A_1913, %squeeze3A_1915 : f32
    %slice3A_1917 = vector.extract_strided_slice %get3A_1893 {offsets = [8], sizes = [1], strides = [1]} : vector<16xf32> to vector<1xf32>
    %squeeze3A_1918 = vector.extract %slice3A_1917[0] : f32 from vector<1xf32>
    %add3A_1919 = arith.addf %add3A_1916, %squeeze3A_1918 : f32
    %slice3A_1920 = vector.extract_strided_slice %get3A_1893 {offsets = [9], sizes = [1], strides = [1]} : vector<16xf32> to vector<1xf32>
    %squeeze3A_1921 = vector.extract %slice3A_1920[0] : f32 from vector<1xf32>
    %add3A_1922 = arith.addf %add3A_1919, %squeeze3A_1921 : f32
    %slice3A_1923 = vector.extract_strided_slice %get3A_1893 {offsets = [10], sizes = [1], strides = [1]} : vector<16xf32> to vector<1xf32>
    %squeeze3A_1924 = vector.extract %slice3A_1923[0] : f32 from vector<1xf32>
    %add3A_1925 = arith.addf %add3A_1922, %squeeze3A_1924 : f32
    %slice3A_1926 = vector.extract_strided_slice %get3A_1893 {offsets = [11], sizes = [1], strides = [1]} : vector<16xf32> to vector<1xf32>
    %squeeze3A_1927 = vector.extract %slice3A_1926[0] : f32 from vector<1xf32>
    %add3A_1928 = arith.addf %add3A_1925, %squeeze3A_1927 : f32
    %slice3A_1929 = vector.extract_strided_slice %get3A_1893 {offsets = [12], sizes = [1], strides = [1]} : vector<16xf32> to vector<1xf32>
    %squeeze3A_1930 = vector.extract %slice3A_1929[0] : f32 from vector<1xf32>
    %add3A_1931 = arith.addf %add3A_1928, %squeeze3A_1930 : f32
    %slice3A_1932 = vector.extract_strided_slice %get3A_1893 {offsets = [13], sizes = [1], strides = [1]} : vector<16xf32> to vector<1xf32>
    %squeeze3A_1933 = vector.extract %slice3A_1932[0] : f32 from vector<1xf32>
    %add3A_1934 = arith.addf %add3A_1931, %squeeze3A_1933 : f32
    %slice3A_1935 = vector.extract_strided_slice %get3A_1893 {offsets = [14], sizes = [1], strides = [1]} : vector<16xf32> to vector<1xf32>
    %squeeze3A_1936 = vector.extract %slice3A_1935[0] : f32 from vector<1xf32>
    %add3A_1937 = arith.addf %add3A_1934, %squeeze3A_1936 : f32
    %slice3A_1938 = vector.extract_strided_slice %get3A_1893 {offsets = [15], sizes = [1], strides = [1]} : vector<16xf32> to vector<1xf32>
    %squeeze3A_1939 = vector.extract %slice3A_1938[0] : f32 from vector<1xf32>
    %add3A_1940 = arith.addf %add3A_1937, %squeeze3A_1939 : f32
    %broadcast_in_dim3A_1941 = vector.broadcast %add3A_1940 : f32 to vector<16xf32>
    %select_n3A_1942 = arith.select %eq3A_1890, %broadcast_in_dim3A_1941, %select_n3A_1783 : vector<16xi1>, vector<16xf32>
    %get3A_1943 = arith.constant 112 : index
    %get3A_1944 = tpu.vector_load %arg11[%get3A_1943] {strides = array<i32>} : memref<256xf32, #tpu.memory_space<vmem>>, vector<16xf32>,
    %get3A_1945 = vector.shape_cast %get3A_1944 : vector<16xf32> to vector<16xf32>
    %slice3A_1946 = vector.extract_strided_slice %get3A_1945 {offsets = [0], sizes = [1], strides = [1]} : vector<16xf32> to vector<1xf32>
    %squeeze3A_1947 = vector.extract %slice3A_1946[0] : f32 from vector<1xf32>
    %slice3A_1948 = vector.extract_strided_slice %get3A_1945 {offsets = [1], sizes = [1], strides = [1]} : vector<16xf32> to vector<1xf32>
    %squeeze3A_1949 = vector.extract %slice3A_1948[0] : f32 from vector<1xf32>
    %add3A_1950 = arith.addf %squeeze3A_1947, %squeeze3A_1949 : f32
    %slice3A_1951 = vector.extract_strided_slice %get3A_1945 {offsets = [2], sizes = [1], strides = [1]} : vector<16xf32> to vector<1xf32>
    %squeeze3A_1952 = vector.extract %slice3A_1951[0] : f32 from vector<1xf32>
    %add3A_1953 = arith.addf %add3A_1950, %squeeze3A_1952 : f32
    %slice3A_1954 = vector.extract_strided_slice %get3A_1945 {offsets = [3], sizes = [1], strides = [1]} : vector<16xf32> to vector<1xf32>
    %squeeze3A_1955 = vector.extract %slice3A_1954[0] : f32 from vector<1xf32>
    %add3A_1956 = arith.addf %add3A_1953, %squeeze3A_1955 : f32
    %slice3A_1957 = vector.extract_strided_slice %get3A_1945 {offsets = [4], sizes = [1], strides = [1]} : vector<16xf32> to vector<1xf32>
    %squeeze3A_1958 = vector.extract %slice3A_1957[0] : f32 from vector<1xf32>
    %add3A_1959 = arith.addf %add3A_1956, %squeeze3A_1958 : f32
    %slice3A_1960 = vector.extract_strided_slice %get3A_1945 {offsets = [5], sizes = [1], strides = [1]} : vector<16xf32> to vector<1xf32>
    %squeeze3A_1961 = vector.extract %slice3A_1960[0] : f32 from vector<1xf32>
    %add3A_1962 = arith.addf %add3A_1959, %squeeze3A_1961 : f32
    %slice3A_1963 = vector.extract_strided_slice %get3A_1945 {offsets = [6], sizes = [1], strides = [1]} : vector<16xf32> to vector<1xf32>
    %squeeze3A_1964 = vector.extract %slice3A_1963[0] : f32 from vector<1xf32>
    %add3A_1965 = arith.addf %add3A_1962, %squeeze3A_1964 : f32
    %slice3A_1966 = vector.extract_strided_slice %get3A_1945 {offsets = [7], sizes = [1], strides = [1]} : vector<16xf32> to vector<1xf32>
    %squeeze3A_1967 = vector.extract %slice3A_1966[0] : f32 from vector<1xf32>
    %add3A_1968 = arith.addf %add3A_1965, %squeeze3A_1967 : f32
    %slice3A_1969 = vector.extract_strided_slice %get3A_1945 {offsets = [8], sizes = [1], strides = [1]} : vector<16xf32> to vector<1xf32>
    %squeeze3A_1970 = vector.extract %slice3A_1969[0] : f32 from vector<1xf32>
    %add3A_1971 = arith.addf %add3A_1968, %squeeze3A_1970 : f32
    %slice3A_1972 = vector.extract_strided_slice %get3A_1945 {offsets = [9], sizes = [1], strides = [1]} : vector<16xf32> to vector<1xf32>
    %squeeze3A_1973 = vector.extract %slice3A_1972[0] : f32 from vector<1xf32>
    %add3A_1974 = arith.addf %add3A_1971, %squeeze3A_1973 : f32
    %slice3A_1975 = vector.extract_strided_slice %get3A_1945 {offsets = [10], sizes = [1], strides = [1]} : vector<16xf32> to vector<1xf32>
    %squeeze3A_1976 = vector.extract %slice3A_1975[0] : f32 from vector<1xf32>
    %add3A_1977 = arith.addf %add3A_1974, %squeeze3A_1976 : f32
    %slice3A_1978 = vector.extract_strided_slice %get3A_1945 {offsets = [11], sizes = [1], strides = [1]} : vector<16xf32> to vector<1xf32>
    %squeeze3A_1979 = vector.extract %slice3A_1978[0] : f32 from vector<1xf32>
    %add3A_1980 = arith.addf %add3A_1977, %squeeze3A_1979 : f32
    %slice3A_1981 = vector.extract_strided_slice %get3A_1945 {offsets = [12], sizes = [1], strides = [1]} : vector<16xf32> to vector<1xf32>
    %squeeze3A_1982 = vector.extract %slice3A_1981[0] : f32 from vector<1xf32>
    %add3A_1983 = arith.addf %add3A_1980, %squeeze3A_1982 : f32
    %slice3A_1984 = vector.extract_strided_slice %get3A_1945 {offsets = [13], sizes = [1], strides = [1]} : vector<16xf32> to vector<1xf32>
    %squeeze3A_1985 = vector.extract %slice3A_1984[0] : f32 from vector<1xf32>
    %add3A_1986 = arith.addf %add3A_1983, %squeeze3A_1985 : f32
    %slice3A_1987 = vector.extract_strided_slice %get3A_1945 {offsets = [14], sizes = [1], strides = [1]} : vector<16xf32> to vector<1xf32>
    %squeeze3A_1988 = vector.extract %slice3A_1987[0] : f32 from vector<1xf32>
    %add3A_1989 = arith.addf %add3A_1986, %squeeze3A_1988 : f32
    %slice3A_1990 = vector.extract_strided_slice %get3A_1945 {offsets = [15], sizes = [1], strides = [1]} : vector<16xf32> to vector<1xf32>
    %squeeze3A_1991 = vector.extract %slice3A_1990[0] : f32 from vector<1xf32>
    %add3A_1992 = arith.addf %add3A_1989, %squeeze3A_1991 : f32
    %broadcast_in_dim3A_1993 = vector.broadcast %add3A_1992 : f32 to vector<16xf32>
    %select_n3A_1994 = arith.select %eq3A_1890, %broadcast_in_dim3A_1993, %select_n3A_1835 : vector<16xi1>, vector<16xf32>
    %get3A_1995 = arith.constant 128 : index
    %get3A_1996 = tpu.vector_load %arg11[%get3A_1995] {strides = array<i32>} : memref<256xf32, #tpu.memory_space<vmem>>, vector<16xf32>,
    %get3A_1997 = vector.shape_cast %get3A_1996 : vector<16xf32> to vector<16xf32>
    %slice3A_1998 = vector.extract_strided_slice %get3A_1997 {offsets = [0], sizes = [1], strides = [1]} : vector<16xf32> to vector<1xf32>
    %squeeze3A_1999 = vector.extract %slice3A_1998[0] : f32 from vector<1xf32>
    %slice3A_2000 = vector.extract_strided_slice %get3A_1997 {offsets = [1], sizes = [1], strides = [1]} : vector<16xf32> to vector<1xf32>
    %squeeze3A_2001 = vector.extract %slice3A_2000[0] : f32 from vector<1xf32>
    %add3A_2002 = arith.addf %squeeze3A_1999, %squeeze3A_2001 : f32
    %slice3A_2003 = vector.extract_strided_slice %get3A_1997 {offsets = [2], sizes = [1], strides = [1]} : vector<16xf32> to vector<1xf32>
    %squeeze3A_2004 = vector.extract %slice3A_2003[0] : f32 from vector<1xf32>
    %add3A_2005 = arith.addf %add3A_2002, %squeeze3A_2004 : f32
    %slice3A_2006 = vector.extract_strided_slice %get3A_1997 {offsets = [3], sizes = [1], strides = [1]} : vector<16xf32> to vector<1xf32>
    %squeeze3A_2007 = vector.extract %slice3A_2006[0] : f32 from vector<1xf32>
    %add3A_2008 = arith.addf %add3A_2005, %squeeze3A_2007 : f32
    %slice3A_2009 = vector.extract_strided_slice %get3A_1997 {offsets = [4], sizes = [1], strides = [1]} : vector<16xf32> to vector<1xf32>
    %squeeze3A_2010 = vector.extract %slice3A_2009[0] : f32 from vector<1xf32>
    %add3A_2011 = arith.addf %add3A_2008, %squeeze3A_2010 : f32
    %slice3A_2012 = vector.extract_strided_slice %get3A_1997 {offsets = [5], sizes = [1], strides = [1]} : vector<16xf32> to vector<1xf32>
    %squeeze3A_2013 = vector.extract %slice3A_2012[0] : f32 from vector<1xf32>
    %add3A_2014 = arith.addf %add3A_2011, %squeeze3A_2013 : f32
    %slice3A_2015 = vector.extract_strided_slice %get3A_1997 {offsets = [6], sizes = [1], strides = [1]} : vector<16xf32> to vector<1xf32>
    %squeeze3A_2016 = vector.extract %slice3A_2015[0] : f32 from vector<1xf32>
    %add3A_2017 = arith.addf %add3A_2014, %squeeze3A_2016 : f32
    %slice3A_2018 = vector.extract_strided_slice %get3A_1997 {offsets = [7], sizes = [1], strides = [1]} : vector<16xf32> to vector<1xf32>
    %squeeze3A_2019 = vector.extract %slice3A_2018[0] : f32 from vector<1xf32>
    %add3A_2020 = arith.addf %add3A_2017, %squeeze3A_2019 : f32
    %slice3A_2021 = vector.extract_strided_slice %get3A_1997 {offsets = [8], sizes = [1], strides = [1]} : vector<16xf32> to vector<1xf32>
    %squeeze3A_2022 = vector.extract %slice3A_2021[0] : f32 from vector<1xf32>
    %add3A_2023 = arith.addf %add3A_2020, %squeeze3A_2022 : f32
    %slice3A_2024 = vector.extract_strided_slice %get3A_1997 {offsets = [9], sizes = [1], strides = [1]} : vector<16xf32> to vector<1xf32>
    %squeeze3A_2025 = vector.extract %slice3A_2024[0] : f32 from vector<1xf32>
    %add3A_2026 = arith.addf %add3A_2023, %squeeze3A_2025 : f32
    %slice3A_2027 = vector.extract_strided_slice %get3A_1997 {offsets = [10], sizes = [1], strides = [1]} : vector<16xf32> to vector<1xf32>
    %squeeze3A_2028 = vector.extract %slice3A_2027[0] : f32 from vector<1xf32>
    %add3A_2029 = arith.addf %add3A_2026, %squeeze3A_2028 : f32
    %slice3A_2030 = vector.extract_strided_slice %get3A_1997 {offsets = [11], sizes = [1], strides = [1]} : vector<16xf32> to vector<1xf32>
    %squeeze3A_2031 = vector.extract %slice3A_2030[0] : f32 from vector<1xf32>
    %add3A_2032 = arith.addf %add3A_2029, %squeeze3A_2031 : f32
    %slice3A_2033 = vector.extract_strided_slice %get3A_1997 {offsets = [12], sizes = [1], strides = [1]} : vector<16xf32> to vector<1xf32>
    %squeeze3A_2034 = vector.extract %slice3A_2033[0] : f32 from vector<1xf32>
    %add3A_2035 = arith.addf %add3A_2032, %squeeze3A_2034 : f32
    %slice3A_2036 = vector.extract_strided_slice %get3A_1997 {offsets = [13], sizes = [1], strides = [1]} : vector<16xf32> to vector<1xf32>
    %squeeze3A_2037 = vector.extract %slice3A_2036[0] : f32 from vector<1xf32>
    %add3A_2038 = arith.addf %add3A_2035, %squeeze3A_2037 : f32
    %slice3A_2039 = vector.extract_strided_slice %get3A_1997 {offsets = [14], sizes = [1], strides = [1]} : vector<16xf32> to vector<1xf32>
    %squeeze3A_2040 = vector.extract %slice3A_2039[0] : f32 from vector<1xf32>
    %add3A_2041 = arith.addf %add3A_2038, %squeeze3A_2040 : f32
    %slice3A_2042 = vector.extract_strided_slice %get3A_1997 {offsets = [15], sizes = [1], strides = [1]} : vector<16xf32> to vector<1xf32>
    %squeeze3A_2043 = vector.extract %slice3A_2042[0] : f32 from vector<1xf32>
    %add3A_2044 = arith.addf %add3A_2041, %squeeze3A_2043 : f32
    %broadcast_in_dim3A_2045 = vector.broadcast %add3A_2044 : f32 to vector<16xf32>
    %select_n3A_2046 = arith.select %eq3A_1890, %broadcast_in_dim3A_2045, %select_n3A_1887 : vector<16xi1>, vector<16xf32>
    %eq3A_2047 = arith.constant 3 : i32
    %eq3A_2048 = vector.broadcast %eq3A_2047 : i32 to vector<16xi32>
    %eq3A_2049 = arith.cmpi eq, %iota3A, %eq3A_2048 : vector<16xi32>
    %get3A_2050 = arith.constant 144 : index
    %get3A_2051 = tpu.vector_load %arg11[%get3A_2050] {strides = array<i32>} : memref<256xf32, #tpu.memory_space<vmem>>, vector<16xf32>,
    %get3A_2052 = vector.shape_cast %get3A_2051 : vector<16xf32> to vector<16xf32>
    %slice3A_2053 = vector.extract_strided_slice %get3A_2052 {offsets = [0], sizes = [1], strides = [1]} : vector<16xf32> to vector<1xf32>
    %squeeze3A_2054 = vector.extract %slice3A_2053[0] : f32 from vector<1xf32>
    %slice3A_2055 = vector.extract_strided_slice %get3A_2052 {offsets = [1], sizes = [1], strides = [1]} : vector<16xf32> to vector<1xf32>
    %squeeze3A_2056 = vector.extract %slice3A_2055[0] : f32 from vector<1xf32>
    %add3A_2057 = arith.addf %squeeze3A_2054, %squeeze3A_2056 : f32
    %slice3A_2058 = vector.extract_strided_slice %get3A_2052 {offsets = [2], sizes = [1], strides = [1]} : vector<16xf32> to vector<1xf32>
    %squeeze3A_2059 = vector.extract %slice3A_2058[0] : f32 from vector<1xf32>
    %add3A_2060 = arith.addf %add3A_2057, %squeeze3A_2059 : f32
    %slice3A_2061 = vector.extract_strided_slice %get3A_2052 {offsets = [3], sizes = [1], strides = [1]} : vector<16xf32> to vector<1xf32>
    %squeeze3A_2062 = vector.extract %slice3A_2061[0] : f32 from vector<1xf32>
    %add3A_2063 = arith.addf %add3A_2060, %squeeze3A_2062 : f32
    %slice3A_2064 = vector.extract_strided_slice %get3A_2052 {offsets = [4], sizes = [1], strides = [1]} : vector<16xf32> to vector<1xf32>
    %squeeze3A_2065 = vector.extract %slice3A_2064[0] : f32 from vector<1xf32>
    %add3A_2066 = arith.addf %add3A_2063, %squeeze3A_2065 : f32
    %slice3A_2067 = vector.extract_strided_slice %get3A_2052 {offsets = [5], sizes = [1], strides = [1]} : vector<16xf32> to vector<1xf32>
    %squeeze3A_2068 = vector.extract %slice3A_2067[0] : f32 from vector<1xf32>
    %add3A_2069 = arith.addf %add3A_2066, %squeeze3A_2068 : f32
    %slice3A_2070 = vector.extract_strided_slice %get3A_2052 {offsets = [6], sizes = [1], strides = [1]} : vector<16xf32> to vector<1xf32>
    %squeeze3A_2071 = vector.extract %slice3A_2070[0] : f32 from vector<1xf32>
    %add3A_2072 = arith.addf %add3A_2069, %squeeze3A_2071 : f32
    %slice3A_2073 = vector.extract_strided_slice %get3A_2052 {offsets = [7], sizes = [1], strides = [1]} : vector<16xf32> to vector<1xf32>
    %squeeze3A_2074 = vector.extract %slice3A_2073[0] : f32 from vector<1xf32>
    %add3A_2075 = arith.addf %add3A_2072, %squeeze3A_2074 : f32
    %slice3A_2076 = vector.extract_strided_slice %get3A_2052 {offsets = [8], sizes = [1], strides = [1]} : vector<16xf32> to vector<1xf32>
    %squeeze3A_2077 = vector.extract %slice3A_2076[0] : f32 from vector<1xf32>
    %add3A_2078 = arith.addf %add3A_2075, %squeeze3A_2077 : f32
    %slice3A_2079 = vector.extract_strided_slice %get3A_2052 {offsets = [9], sizes = [1], strides = [1]} : vector<16xf32> to vector<1xf32>
    %squeeze3A_2080 = vector.extract %slice3A_2079[0] : f32 from vector<1xf32>
    %add3A_2081 = arith.addf %add3A_2078, %squeeze3A_2080 : f32
    %slice3A_2082 = vector.extract_strided_slice %get3A_2052 {offsets = [10], sizes = [1], strides = [1]} : vector<16xf32> to vector<1xf32>
    %squeeze3A_2083 = vector.extract %slice3A_2082[0] : f32 from vector<1xf32>
    %add3A_2084 = arith.addf %add3A_2081, %squeeze3A_2083 : f32
    %slice3A_2085 = vector.extract_strided_slice %get3A_2052 {offsets = [11], sizes = [1], strides = [1]} : vector<16xf32> to vector<1xf32>
    %squeeze3A_2086 = vector.extract %slice3A_2085[0] : f32 from vector<1xf32>
    %add3A_2087 = arith.addf %add3A_2084, %squeeze3A_2086 : f32
    %slice3A_2088 = vector.extract_strided_slice %get3A_2052 {offsets = [12], sizes = [1], strides = [1]} : vector<16xf32> to vector<1xf32>
    %squeeze3A_2089 = vector.extract %slice3A_2088[0] : f32 from vector<1xf32>
    %add3A_2090 = arith.addf %add3A_2087, %squeeze3A_2089 : f32
    %slice3A_2091 = vector.extract_strided_slice %get3A_2052 {offsets = [13], sizes = [1], strides = [1]} : vector<16xf32> to vector<1xf32>
    %squeeze3A_2092 = vector.extract %slice3A_2091[0] : f32 from vector<1xf32>
    %add3A_2093 = arith.addf %add3A_2090, %squeeze3A_2092 : f32
    %slice3A_2094 = vector.extract_strided_slice %get3A_2052 {offsets = [14], sizes = [1], strides = [1]} : vector<16xf32> to vector<1xf32>
    %squeeze3A_2095 = vector.extract %slice3A_2094[0] : f32 from vector<1xf32>
    %add3A_2096 = arith.addf %add3A_2093, %squeeze3A_2095 : f32
    %slice3A_2097 = vector.extract_strided_slice %get3A_2052 {offsets = [15], sizes = [1], strides = [1]} : vector<16xf32> to vector<1xf32>
    %squeeze3A_2098 = vector.extract %slice3A_2097[0] : f32 from vector<1xf32>
    %add3A_2099 = arith.addf %add3A_2096, %squeeze3A_2098 : f32
    %broadcast_in_dim3A_2100 = vector.broadcast %add3A_2099 : f32 to vector<16xf32>
    %select_n3A_2101 = arith.select %eq3A_2049, %broadcast_in_dim3A_2100, %select_n3A_1942 : vector<16xi1>, vector<16xf32>
    %get3A_2102 = arith.constant 160 : index
    %get3A_2103 = tpu.vector_load %arg11[%get3A_2102] {strides = array<i32>} : memref<256xf32, #tpu.memory_space<vmem>>, vector<16xf32>,
    %get3A_2104 = vector.shape_cast %get3A_2103 : vector<16xf32> to vector<16xf32>
    %slice3A_2105 = vector.extract_strided_slice %get3A_2104 {offsets = [0], sizes = [1], strides = [1]} : vector<16xf32> to vector<1xf32>
    %squeeze3A_2106 = vector.extract %slice3A_2105[0] : f32 from vector<1xf32>
    %slice3A_2107 = vector.extract_strided_slice %get3A_2104 {offsets = [1], sizes = [1], strides = [1]} : vector<16xf32> to vector<1xf32>
    %squeeze3A_2108 = vector.extract %slice3A_2107[0] : f32 from vector<1xf32>
    %add3A_2109 = arith.addf %squeeze3A_2106, %squeeze3A_2108 : f32
    %slice3A_2110 = vector.extract_strided_slice %get3A_2104 {offsets = [2], sizes = [1], strides = [1]} : vector<16xf32> to vector<1xf32>
    %squeeze3A_2111 = vector.extract %slice3A_2110[0] : f32 from vector<1xf32>
    %add3A_2112 = arith.addf %add3A_2109, %squeeze3A_2111 : f32
    %slice3A_2113 = vector.extract_strided_slice %get3A_2104 {offsets = [3], sizes = [1], strides = [1]} : vector<16xf32> to vector<1xf32>
    %squeeze3A_2114 = vector.extract %slice3A_2113[0] : f32 from vector<1xf32>
    %add3A_2115 = arith.addf %add3A_2112, %squeeze3A_2114 : f32
    %slice3A_2116 = vector.extract_strided_slice %get3A_2104 {offsets = [4], sizes = [1], strides = [1]} : vector<16xf32> to vector<1xf32>
    %squeeze3A_2117 = vector.extract %slice3A_2116[0] : f32 from vector<1xf32>
    %add3A_2118 = arith.addf %add3A_2115, %squeeze3A_2117 : f32
    %slice3A_2119 = vector.extract_strided_slice %get3A_2104 {offsets = [5], sizes = [1], strides = [1]} : vector<16xf32> to vector<1xf32>
    %squeeze3A_2120 = vector.extract %slice3A_2119[0] : f32 from vector<1xf32>
    %add3A_2121 = arith.addf %add3A_2118, %squeeze3A_2120 : f32
    %slice3A_2122 = vector.extract_strided_slice %get3A_2104 {offsets = [6], sizes = [1], strides = [1]} : vector<16xf32> to vector<1xf32>
    %squeeze3A_2123 = vector.extract %slice3A_2122[0] : f32 from vector<1xf32>
    %add3A_2124 = arith.addf %add3A_2121, %squeeze3A_2123 : f32
    %slice3A_2125 = vector.extract_strided_slice %get3A_2104 {offsets = [7], sizes = [1], strides = [1]} : vector<16xf32> to vector<1xf32>
    %squeeze3A_2126 = vector.extract %slice3A_2125[0] : f32 from vector<1xf32>
    %add3A_2127 = arith.addf %add3A_2124, %squeeze3A_2126 : f32
    %slice3A_2128 = vector.extract_strided_slice %get3A_2104 {offsets = [8], sizes = [1], strides = [1]} : vector<16xf32> to vector<1xf32>
    %squeeze3A_2129 = vector.extract %slice3A_2128[0] : f32 from vector<1xf32>
    %add3A_2130 = arith.addf %add3A_2127, %squeeze3A_2129 : f32
    %slice3A_2131 = vector.extract_strided_slice %get3A_2104 {offsets = [9], sizes = [1], strides = [1]} : vector<16xf32> to vector<1xf32>
    %squeeze3A_2132 = vector.extract %slice3A_2131[0] : f32 from vector<1xf32>
    %add3A_2133 = arith.addf %add3A_2130, %squeeze3A_2132 : f32
    %slice3A_2134 = vector.extract_strided_slice %get3A_2104 {offsets = [10], sizes = [1], strides = [1]} : vector<16xf32> to vector<1xf32>
    %squeeze3A_2135 = vector.extract %slice3A_2134[0] : f32 from vector<1xf32>
    %add3A_2136 = arith.addf %add3A_2133, %squeeze3A_2135 : f32
    %slice3A_2137 = vector.extract_strided_slice %get3A_2104 {offsets = [11], sizes = [1], strides = [1]} : vector<16xf32> to vector<1xf32>
    %squeeze3A_2138 = vector.extract %slice3A_2137[0] : f32 from vector<1xf32>
    %add3A_2139 = arith.addf %add3A_2136, %squeeze3A_2138 : f32
    %slice3A_2140 = vector.extract_strided_slice %get3A_2104 {offsets = [12], sizes = [1], strides = [1]} : vector<16xf32> to vector<1xf32>
    %squeeze3A_2141 = vector.extract %slice3A_2140[0] : f32 from vector<1xf32>
    %add3A_2142 = arith.addf %add3A_2139, %squeeze3A_2141 : f32
    %slice3A_2143 = vector.extract_strided_slice %get3A_2104 {offsets = [13], sizes = [1], strides = [1]} : vector<16xf32> to vector<1xf32>
    %squeeze3A_2144 = vector.extract %slice3A_2143[0] : f32 from vector<1xf32>
    %add3A_2145 = arith.addf %add3A_2142, %squeeze3A_2144 : f32
    %slice3A_2146 = vector.extract_strided_slice %get3A_2104 {offsets = [14], sizes = [1], strides = [1]} : vector<16xf32> to vector<1xf32>
    %squeeze3A_2147 = vector.extract %slice3A_2146[0] : f32 from vector<1xf32>
    %add3A_2148 = arith.addf %add3A_2145, %squeeze3A_2147 : f32
    %slice3A_2149 = vector.extract_strided_slice %get3A_2104 {offsets = [15], sizes = [1], strides = [1]} : vector<16xf32> to vector<1xf32>
    %squeeze3A_2150 = vector.extract %slice3A_2149[0] : f32 from vector<1xf32>
    %add3A_2151 = arith.addf %add3A_2148, %squeeze3A_2150 : f32
    %broadcast_in_dim3A_2152 = vector.broadcast %add3A_2151 : f32 to vector<16xf32>
    %select_n3A_2153 = arith.select %eq3A_2049, %broadcast_in_dim3A_2152, %select_n3A_1994 : vector<16xi1>, vector<16xf32>
    %get3A_2154 = arith.constant 176 : index
    %get3A_2155 = tpu.vector_load %arg11[%get3A_2154] {strides = array<i32>} : memref<256xf32, #tpu.memory_space<vmem>>, vector<16xf32>,
    %get3A_2156 = vector.shape_cast %get3A_2155 : vector<16xf32> to vector<16xf32>
    %slice3A_2157 = vector.extract_strided_slice %get3A_2156 {offsets = [0], sizes = [1], strides = [1]} : vector<16xf32> to vector<1xf32>
    %squeeze3A_2158 = vector.extract %slice3A_2157[0] : f32 from vector<1xf32>
    %slice3A_2159 = vector.extract_strided_slice %get3A_2156 {offsets = [1], sizes = [1], strides = [1]} : vector<16xf32> to vector<1xf32>
    %squeeze3A_2160 = vector.extract %slice3A_2159[0] : f32 from vector<1xf32>
    %add3A_2161 = arith.addf %squeeze3A_2158, %squeeze3A_2160 : f32
    %slice3A_2162 = vector.extract_strided_slice %get3A_2156 {offsets = [2], sizes = [1], strides = [1]} : vector<16xf32> to vector<1xf32>
    %squeeze3A_2163 = vector.extract %slice3A_2162[0] : f32 from vector<1xf32>
    %add3A_2164 = arith.addf %add3A_2161, %squeeze3A_2163 : f32
    %slice3A_2165 = vector.extract_strided_slice %get3A_2156 {offsets = [3], sizes = [1], strides = [1]} : vector<16xf32> to vector<1xf32>
    %squeeze3A_2166 = vector.extract %slice3A_2165[0] : f32 from vector<1xf32>
    %add3A_2167 = arith.addf %add3A_2164, %squeeze3A_2166 : f32
    %slice3A_2168 = vector.extract_strided_slice %get3A_2156 {offsets = [4], sizes = [1], strides = [1]} : vector<16xf32> to vector<1xf32>
    %squeeze3A_2169 = vector.extract %slice3A_2168[0] : f32 from vector<1xf32>
    %add3A_2170 = arith.addf %add3A_2167, %squeeze3A_2169 : f32
    %slice3A_2171 = vector.extract_strided_slice %get3A_2156 {offsets = [5], sizes = [1], strides = [1]} : vector<16xf32> to vector<1xf32>
    %squeeze3A_2172 = vector.extract %slice3A_2171[0] : f32 from vector<1xf32>
    %add3A_2173 = arith.addf %add3A_2170, %squeeze3A_2172 : f32
    %slice3A_2174 = vector.extract_strided_slice %get3A_2156 {offsets = [6], sizes = [1], strides = [1]} : vector<16xf32> to vector<1xf32>
    %squeeze3A_2175 = vector.extract %slice3A_2174[0] : f32 from vector<1xf32>
    %add3A_2176 = arith.addf %add3A_2173, %squeeze3A_2175 : f32
    %slice3A_2177 = vector.extract_strided_slice %get3A_2156 {offsets = [7], sizes = [1], strides = [1]} : vector<16xf32> to vector<1xf32>
    %squeeze3A_2178 = vector.extract %slice3A_2177[0] : f32 from vector<1xf32>
    %add3A_2179 = arith.addf %add3A_2176, %squeeze3A_2178 : f32
    %slice3A_2180 = vector.extract_strided_slice %get3A_2156 {offsets = [8], sizes = [1], strides = [1]} : vector<16xf32> to vector<1xf32>
    %squeeze3A_2181 = vector.extract %slice3A_2180[0] : f32 from vector<1xf32>
    %add3A_2182 = arith.addf %add3A_2179, %squeeze3A_2181 : f32
    %slice3A_2183 = vector.extract_strided_slice %get3A_2156 {offsets = [9], sizes = [1], strides = [1]} : vector<16xf32> to vector<1xf32>
    %squeeze3A_2184 = vector.extract %slice3A_2183[0] : f32 from vector<1xf32>
    %add3A_2185 = arith.addf %add3A_2182, %squeeze3A_2184 : f32
    %slice3A_2186 = vector.extract_strided_slice %get3A_2156 {offsets = [10], sizes = [1], strides = [1]} : vector<16xf32> to vector<1xf32>
    %squeeze3A_2187 = vector.extract %slice3A_2186[0] : f32 from vector<1xf32>
    %add3A_2188 = arith.addf %add3A_2185, %squeeze3A_2187 : f32
    %slice3A_2189 = vector.extract_strided_slice %get3A_2156 {offsets = [11], sizes = [1], strides = [1]} : vector<16xf32> to vector<1xf32>
    %squeeze3A_2190 = vector.extract %slice3A_2189[0] : f32 from vector<1xf32>
    %add3A_2191 = arith.addf %add3A_2188, %squeeze3A_2190 : f32
    %slice3A_2192 = vector.extract_strided_slice %get3A_2156 {offsets = [12], sizes = [1], strides = [1]} : vector<16xf32> to vector<1xf32>
    %squeeze3A_2193 = vector.extract %slice3A_2192[0] : f32 from vector<1xf32>
    %add3A_2194 = arith.addf %add3A_2191, %squeeze3A_2193 : f32
    %slice3A_2195 = vector.extract_strided_slice %get3A_2156 {offsets = [13], sizes = [1], strides = [1]} : vector<16xf32> to vector<1xf32>
    %squeeze3A_2196 = vector.extract %slice3A_2195[0] : f32 from vector<1xf32>
    %add3A_2197 = arith.addf %add3A_2194, %squeeze3A_2196 : f32
    %slice3A_2198 = vector.extract_strided_slice %get3A_2156 {offsets = [14], sizes = [1], strides = [1]} : vector<16xf32> to vector<1xf32>
    %squeeze3A_2199 = vector.extract %slice3A_2198[0] : f32 from vector<1xf32>
    %add3A_2200 = arith.addf %add3A_2197, %squeeze3A_2199 : f32
    %slice3A_2201 = vector.extract_strided_slice %get3A_2156 {offsets = [15], sizes = [1], strides = [1]} : vector<16xf32> to vector<1xf32>
    %squeeze3A_2202 = vector.extract %slice3A_2201[0] : f32 from vector<1xf32>
    %add3A_2203 = arith.addf %add3A_2200, %squeeze3A_2202 : f32
    %broadcast_in_dim3A_2204 = vector.broadcast %add3A_2203 : f32 to vector<16xf32>
    %select_n3A_2205 = arith.select %eq3A_2049, %broadcast_in_dim3A_2204, %select_n3A_2046 : vector<16xi1>, vector<16xf32>
    %eq3A_2206 = arith.constant 4 : i32
    %eq3A_2207 = vector.broadcast %eq3A_2206 : i32 to vector<16xi32>
    %eq3A_2208 = arith.cmpi eq, %iota3A, %eq3A_2207 : vector<16xi32>
    %get3A_2209 = arith.constant 192 : index
    %get3A_2210 = tpu.vector_load %arg11[%get3A_2209] {strides = array<i32>} : memref<256xf32, #tpu.memory_space<vmem>>, vector<16xf32>,
    %get3A_2211 = vector.shape_cast %get3A_2210 : vector<16xf32> to vector<16xf32>
    %slice3A_2212 = vector.extract_strided_slice %get3A_2211 {offsets = [0], sizes = [1], strides = [1]} : vector<16xf32> to vector<1xf32>
    %squeeze3A_2213 = vector.extract %slice3A_2212[0] : f32 from vector<1xf32>
    %slice3A_2214 = vector.extract_strided_slice %get3A_2211 {offsets = [1], sizes = [1], strides = [1]} : vector<16xf32> to vector<1xf32>
    %squeeze3A_2215 = vector.extract %slice3A_2214[0] : f32 from vector<1xf32>
    %add3A_2216 = arith.addf %squeeze3A_2213, %squeeze3A_2215 : f32
    %slice3A_2217 = vector.extract_strided_slice %get3A_2211 {offsets = [2], sizes = [1], strides = [1]} : vector<16xf32> to vector<1xf32>
    %squeeze3A_2218 = vector.extract %slice3A_2217[0] : f32 from vector<1xf32>
    %add3A_2219 = arith.addf %add3A_2216, %squeeze3A_2218 : f32
    %slice3A_2220 = vector.extract_strided_slice %get3A_2211 {offsets = [3], sizes = [1], strides = [1]} : vector<16xf32> to vector<1xf32>
    %squeeze3A_2221 = vector.extract %slice3A_2220[0] : f32 from vector<1xf32>
    %add3A_2222 = arith.addf %add3A_2219, %squeeze3A_2221 : f32
    %slice3A_2223 = vector.extract_strided_slice %get3A_2211 {offsets = [4], sizes = [1], strides = [1]} : vector<16xf32> to vector<1xf32>
    %squeeze3A_2224 = vector.extract %slice3A_2223[0] : f32 from vector<1xf32>
    %add3A_2225 = arith.addf %add3A_2222, %squeeze3A_2224 : f32
    %slice3A_2226 = vector.extract_strided_slice %get3A_2211 {offsets = [5], sizes = [1], strides = [1]} : vector<16xf32> to vector<1xf32>
    %squeeze3A_2227 = vector.extract %slice3A_2226[0] : f32 from vector<1xf32>
    %add3A_2228 = arith.addf %add3A_2225, %squeeze3A_2227 : f32
    %slice3A_2229 = vector.extract_strided_slice %get3A_2211 {offsets = [6], sizes = [1], strides = [1]} : vector<16xf32> to vector<1xf32>
    %squeeze3A_2230 = vector.extract %slice3A_2229[0] : f32 from vector<1xf32>
    %add3A_2231 = arith.addf %add3A_2228, %squeeze3A_2230 : f32
    %slice3A_2232 = vector.extract_strided_slice %get3A_2211 {offsets = [7], sizes = [1], strides = [1]} : vector<16xf32> to vector<1xf32>
    %squeeze3A_2233 = vector.extract %slice3A_2232[0] : f32 from vector<1xf32>
    %add3A_2234 = arith.addf %add3A_2231, %squeeze3A_2233 : f32
    %slice3A_2235 = vector.extract_strided_slice %get3A_2211 {offsets = [8], sizes = [1], strides = [1]} : vector<16xf32> to vector<1xf32>
    %squeeze3A_2236 = vector.extract %slice3A_2235[0] : f32 from vector<1xf32>
    %add3A_2237 = arith.addf %add3A_2234, %squeeze3A_2236 : f32
    %slice3A_2238 = vector.extract_strided_slice %get3A_2211 {offsets = [9], sizes = [1], strides = [1]} : vector<16xf32> to vector<1xf32>
    %squeeze3A_2239 = vector.extract %slice3A_2238[0] : f32 from vector<1xf32>
    %add3A_2240 = arith.addf %add3A_2237, %squeeze3A_2239 : f32
    %slice3A_2241 = vector.extract_strided_slice %get3A_2211 {offsets = [10], sizes = [1], strides = [1]} : vector<16xf32> to vector<1xf32>
    %squeeze3A_2242 = vector.extract %slice3A_2241[0] : f32 from vector<1xf32>
    %add3A_2243 = arith.addf %add3A_2240, %squeeze3A_2242 : f32
    %slice3A_2244 = vector.extract_strided_slice %get3A_2211 {offsets = [11], sizes = [1], strides = [1]} : vector<16xf32> to vector<1xf32>
    %squeeze3A_2245 = vector.extract %slice3A_2244[0] : f32 from vector<1xf32>
    %add3A_2246 = arith.addf %add3A_2243, %squeeze3A_2245 : f32
    %slice3A_2247 = vector.extract_strided_slice %get3A_2211 {offsets = [12], sizes = [1], strides = [1]} : vector<16xf32> to vector<1xf32>
    %squeeze3A_2248 = vector.extract %slice3A_2247[0] : f32 from vector<1xf32>
    %add3A_2249 = arith.addf %add3A_2246, %squeeze3A_2248 : f32
    %slice3A_2250 = vector.extract_strided_slice %get3A_2211 {offsets = [13], sizes = [1], strides = [1]} : vector<16xf32> to vector<1xf32>
    %squeeze3A_2251 = vector.extract %slice3A_2250[0] : f32 from vector<1xf32>
    %add3A_2252 = arith.addf %add3A_2249, %squeeze3A_2251 : f32
    %slice3A_2253 = vector.extract_strided_slice %get3A_2211 {offsets = [14], sizes = [1], strides = [1]} : vector<16xf32> to vector<1xf32>
    %squeeze3A_2254 = vector.extract %slice3A_2253[0] : f32 from vector<1xf32>
    %add3A_2255 = arith.addf %add3A_2252, %squeeze3A_2254 : f32
    %slice3A_2256 = vector.extract_strided_slice %get3A_2211 {offsets = [15], sizes = [1], strides = [1]} : vector<16xf32> to vector<1xf32>
    %squeeze3A_2257 = vector.extract %slice3A_2256[0] : f32 from vector<1xf32>
    %add3A_2258 = arith.addf %add3A_2255, %squeeze3A_2257 : f32
    %broadcast_in_dim3A_2259 = vector.broadcast %add3A_2258 : f32 to vector<16xf32>
    %select_n3A_2260 = arith.select %eq3A_2208, %broadcast_in_dim3A_2259, %select_n3A_2101 : vector<16xi1>, vector<16xf32>
    %get3A_2261 = arith.constant 208 : index
    %get3A_2262 = tpu.vector_load %arg11[%get3A_2261] {strides = array<i32>} : memref<256xf32, #tpu.memory_space<vmem>>, vector<16xf32>,
    %get3A_2263 = vector.shape_cast %get3A_2262 : vector<16xf32> to vector<16xf32>
    %slice3A_2264 = vector.extract_strided_slice %get3A_2263 {offsets = [0], sizes = [1], strides = [1]} : vector<16xf32> to vector<1xf32>
    %squeeze3A_2265 = vector.extract %slice3A_2264[0] : f32 from vector<1xf32>
    %slice3A_2266 = vector.extract_strided_slice %get3A_2263 {offsets = [1], sizes = [1], strides = [1]} : vector<16xf32> to vector<1xf32>
    %squeeze3A_2267 = vector.extract %slice3A_2266[0] : f32 from vector<1xf32>
    %add3A_2268 = arith.addf %squeeze3A_2265, %squeeze3A_2267 : f32
    %slice3A_2269 = vector.extract_strided_slice %get3A_2263 {offsets = [2], sizes = [1], strides = [1]} : vector<16xf32> to vector<1xf32>
    %squeeze3A_2270 = vector.extract %slice3A_2269[0] : f32 from vector<1xf32>
    %add3A_2271 = arith.addf %add3A_2268, %squeeze3A_2270 : f32
    %slice3A_2272 = vector.extract_strided_slice %get3A_2263 {offsets = [3], sizes = [1], strides = [1]} : vector<16xf32> to vector<1xf32>
    %squeeze3A_2273 = vector.extract %slice3A_2272[0] : f32 from vector<1xf32>
    %add3A_2274 = arith.addf %add3A_2271, %squeeze3A_2273 : f32
    %slice3A_2275 = vector.extract_strided_slice %get3A_2263 {offsets = [4], sizes = [1], strides = [1]} : vector<16xf32> to vector<1xf32>
    %squeeze3A_2276 = vector.extract %slice3A_2275[0] : f32 from vector<1xf32>
    %add3A_2277 = arith.addf %add3A_2274, %squeeze3A_2276 : f32
    %slice3A_2278 = vector.extract_strided_slice %get3A_2263 {offsets = [5], sizes = [1], strides = [1]} : vector<16xf32> to vector<1xf32>
    %squeeze3A_2279 = vector.extract %slice3A_2278[0] : f32 from vector<1xf32>
    %add3A_2280 = arith.addf %add3A_2277, %squeeze3A_2279 : f32
    %slice3A_2281 = vector.extract_strided_slice %get3A_2263 {offsets = [6], sizes = [1], strides = [1]} : vector<16xf32> to vector<1xf32>
    %squeeze3A_2282 = vector.extract %slice3A_2281[0] : f32 from vector<1xf32>
    %add3A_2283 = arith.addf %add3A_2280, %squeeze3A_2282 : f32
    %slice3A_2284 = vector.extract_strided_slice %get3A_2263 {offsets = [7], sizes = [1], strides = [1]} : vector<16xf32> to vector<1xf32>
    %squeeze3A_2285 = vector.extract %slice3A_2284[0] : f32 from vector<1xf32>
    %add3A_2286 = arith.addf %add3A_2283, %squeeze3A_2285 : f32
    %slice3A_2287 = vector.extract_strided_slice %get3A_2263 {offsets = [8], sizes = [1], strides = [1]} : vector<16xf32> to vector<1xf32>
    %squeeze3A_2288 = vector.extract %slice3A_2287[0] : f32 from vector<1xf32>
    %add3A_2289 = arith.addf %add3A_2286, %squeeze3A_2288 : f32
    %slice3A_2290 = vector.extract_strided_slice %get3A_2263 {offsets = [9], sizes = [1], strides = [1]} : vector<16xf32> to vector<1xf32>
    %squeeze3A_2291 = vector.extract %slice3A_2290[0] : f32 from vector<1xf32>
    %add3A_2292 = arith.addf %add3A_2289, %squeeze3A_2291 : f32
    %slice3A_2293 = vector.extract_strided_slice %get3A_2263 {offsets = [10], sizes = [1], strides = [1]} : vector<16xf32> to vector<1xf32>
    %squeeze3A_2294 = vector.extract %slice3A_2293[0] : f32 from vector<1xf32>
    %add3A_2295 = arith.addf %add3A_2292, %squeeze3A_2294 : f32
    %slice3A_2296 = vector.extract_strided_slice %get3A_2263 {offsets = [11], sizes = [1], strides = [1]} : vector<16xf32> to vector<1xf32>
    %squeeze3A_2297 = vector.extract %slice3A_2296[0] : f32 from vector<1xf32>
    %add3A_2298 = arith.addf %add3A_2295, %squeeze3A_2297 : f32
    %slice3A_2299 = vector.extract_strided_slice %get3A_2263 {offsets = [12], sizes = [1], strides = [1]} : vector<16xf32> to vector<1xf32>
    %squeeze3A_2300 = vector.extract %slice3A_2299[0] : f32 from vector<1xf32>
    %add3A_2301 = arith.addf %add3A_2298, %squeeze3A_2300 : f32
    %slice3A_2302 = vector.extract_strided_slice %get3A_2263 {offsets = [13], sizes = [1], strides = [1]} : vector<16xf32> to vector<1xf32>
    %squeeze3A_2303 = vector.extract %slice3A_2302[0] : f32 from vector<1xf32>
    %add3A_2304 = arith.addf %add3A_2301, %squeeze3A_2303 : f32
    %slice3A_2305 = vector.extract_strided_slice %get3A_2263 {offsets = [14], sizes = [1], strides = [1]} : vector<16xf32> to vector<1xf32>
    %squeeze3A_2306 = vector.extract %slice3A_2305[0] : f32 from vector<1xf32>
    %add3A_2307 = arith.addf %add3A_2304, %squeeze3A_2306 : f32
    %slice3A_2308 = vector.extract_strided_slice %get3A_2263 {offsets = [15], sizes = [1], strides = [1]} : vector<16xf32> to vector<1xf32>
    %squeeze3A_2309 = vector.extract %slice3A_2308[0] : f32 from vector<1xf32>
    %add3A_2310 = arith.addf %add3A_2307, %squeeze3A_2309 : f32
    %broadcast_in_dim3A_2311 = vector.broadcast %add3A_2310 : f32 to vector<16xf32>
    %select_n3A_2312 = arith.select %eq3A_2208, %broadcast_in_dim3A_2311, %select_n3A_2153 : vector<16xi1>, vector<16xf32>
    %get3A_2313 = arith.constant 224 : index
    %get3A_2314 = tpu.vector_load %arg11[%get3A_2313] {strides = array<i32>} : memref<256xf32, #tpu.memory_space<vmem>>, vector<16xf32>,
    %get3A_2315 = vector.shape_cast %get3A_2314 : vector<16xf32> to vector<16xf32>
    %slice3A_2316 = vector.extract_strided_slice %get3A_2315 {offsets = [0], sizes = [1], strides = [1]} : vector<16xf32> to vector<1xf32>
    %squeeze3A_2317 = vector.extract %slice3A_2316[0] : f32 from vector<1xf32>
    %slice3A_2318 = vector.extract_strided_slice %get3A_2315 {offsets = [1], sizes = [1], strides = [1]} : vector<16xf32> to vector<1xf32>
    %squeeze3A_2319 = vector.extract %slice3A_2318[0] : f32 from vector<1xf32>
    %add3A_2320 = arith.addf %squeeze3A_2317, %squeeze3A_2319 : f32
    %slice3A_2321 = vector.extract_strided_slice %get3A_2315 {offsets = [2], sizes = [1], strides = [1]} : vector<16xf32> to vector<1xf32>
    %squeeze3A_2322 = vector.extract %slice3A_2321[0] : f32 from vector<1xf32>
    %add3A_2323 = arith.addf %add3A_2320, %squeeze3A_2322 : f32
    %slice3A_2324 = vector.extract_strided_slice %get3A_2315 {offsets = [3], sizes = [1], strides = [1]} : vector<16xf32> to vector<1xf32>
    %squeeze3A_2325 = vector.extract %slice3A_2324[0] : f32 from vector<1xf32>
    %add3A_2326 = arith.addf %add3A_2323, %squeeze3A_2325 : f32
    %slice3A_2327 = vector.extract_strided_slice %get3A_2315 {offsets = [4], sizes = [1], strides = [1]} : vector<16xf32> to vector<1xf32>
    %squeeze3A_2328 = vector.extract %slice3A_2327[0] : f32 from vector<1xf32>
    %add3A_2329 = arith.addf %add3A_2326, %squeeze3A_2328 : f32
    %slice3A_2330 = vector.extract_strided_slice %get3A_2315 {offsets = [5], sizes = [1], strides = [1]} : vector<16xf32> to vector<1xf32>
    %squeeze3A_2331 = vector.extract %slice3A_2330[0] : f32 from vector<1xf32>
    %add3A_2332 = arith.addf %add3A_2329, %squeeze3A_2331 : f32
    %slice3A_2333 = vector.extract_strided_slice %get3A_2315 {offsets = [6], sizes = [1], strides = [1]} : vector<16xf32> to vector<1xf32>
    %squeeze3A_2334 = vector.extract %slice3A_2333[0] : f32 from vector<1xf32>
    %add3A_2335 = arith.addf %add3A_2332, %squeeze3A_2334 : f32
    %slice3A_2336 = vector.extract_strided_slice %get3A_2315 {offsets = [7], sizes = [1], strides = [1]} : vector<16xf32> to vector<1xf32>
    %squeeze3A_2337 = vector.extract %slice3A_2336[0] : f32 from vector<1xf32>
    %add3A_2338 = arith.addf %add3A_2335, %squeeze3A_2337 : f32
    %slice3A_2339 = vector.extract_strided_slice %get3A_2315 {offsets = [8], sizes = [1], strides = [1]} : vector<16xf32> to vector<1xf32>
    %squeeze3A_2340 = vector.extract %slice3A_2339[0] : f32 from vector<1xf32>
    %add3A_2341 = arith.addf %add3A_2338, %squeeze3A_2340 : f32
    %slice3A_2342 = vector.extract_strided_slice %get3A_2315 {offsets = [9], sizes = [1], strides = [1]} : vector<16xf32> to vector<1xf32>
    %squeeze3A_2343 = vector.extract %slice3A_2342[0] : f32 from vector<1xf32>
    %add3A_2344 = arith.addf %add3A_2341, %squeeze3A_2343 : f32
    %slice3A_2345 = vector.extract_strided_slice %get3A_2315 {offsets = [10], sizes = [1], strides = [1]} : vector<16xf32> to vector<1xf32>
    %squeeze3A_2346 = vector.extract %slice3A_2345[0] : f32 from vector<1xf32>
    %add3A_2347 = arith.addf %add3A_2344, %squeeze3A_2346 : f32
    %slice3A_2348 = vector.extract_strided_slice %get3A_2315 {offsets = [11], sizes = [1], strides = [1]} : vector<16xf32> to vector<1xf32>
    %squeeze3A_2349 = vector.extract %slice3A_2348[0] : f32 from vector<1xf32>
    %add3A_2350 = arith.addf %add3A_2347, %squeeze3A_2349 : f32
    %slice3A_2351 = vector.extract_strided_slice %get3A_2315 {offsets = [12], sizes = [1], strides = [1]} : vector<16xf32> to vector<1xf32>
    %squeeze3A_2352 = vector.extract %slice3A_2351[0] : f32 from vector<1xf32>
    %add3A_2353 = arith.addf %add3A_2350, %squeeze3A_2352 : f32
    %slice3A_2354 = vector.extract_strided_slice %get3A_2315 {offsets = [13], sizes = [1], strides = [1]} : vector<16xf32> to vector<1xf32>
    %squeeze3A_2355 = vector.extract %slice3A_2354[0] : f32 from vector<1xf32>
    %add3A_2356 = arith.addf %add3A_2353, %squeeze3A_2355 : f32
    %slice3A_2357 = vector.extract_strided_slice %get3A_2315 {offsets = [14], sizes = [1], strides = [1]} : vector<16xf32> to vector<1xf32>
    %squeeze3A_2358 = vector.extract %slice3A_2357[0] : f32 from vector<1xf32>
    %add3A_2359 = arith.addf %add3A_2356, %squeeze3A_2358 : f32
    %slice3A_2360 = vector.extract_strided_slice %get3A_2315 {offsets = [15], sizes = [1], strides = [1]} : vector<16xf32> to vector<1xf32>
    %squeeze3A_2361 = vector.extract %slice3A_2360[0] : f32 from vector<1xf32>
    %add3A_2362 = arith.addf %add3A_2359, %squeeze3A_2361 : f32
    %broadcast_in_dim3A_2363 = vector.broadcast %add3A_2362 : f32 to vector<16xf32>
    %select_n3A_2364 = arith.select %eq3A_2208, %broadcast_in_dim3A_2363, %select_n3A_2205 : vector<16xi1>, vector<16xf32>
    %max3A = arith.constant 1.000000e+00 : f32
    %max3A_2365 = vector.broadcast %max3A : f32 to vector<16xf32>
    %max3A_2366 = arith.maximumf %select_n3A_2260, %max3A_2365 : vector<16xf32>
    %div3A = arith.divf %select_n3A_2312, %max3A_2366 : vector<16xf32>
    %div3A_2367 = arith.divf %select_n3A_2364, %max3A_2366 : vector<16xf32>
    %sub3A = arith.subf %div3A_2367, %div3A : vector<16xf32>
    %abs3A = math.absf %sub3A : vector<16xf32>
    %mul3A_2368 = arith.constant 6.10351591E-8 : f32
    %mul3A_2369 = vector.broadcast %mul3A_2368 : f32 to vector<16xf32>
    %mul3A_2370 = arith.mulf %scan3A_1572, %mul3A_2369 : vector<16xf32>
    %mul3A_2371 = arith.mulf %abs3A, %mul3A_2370 : vector<16xf32>
    %gt3A = arith.constant 0.000000e+00 : f32
    %gt3A_2372 = vector.broadcast %gt3A : f32 to vector<16xf32>
    %gt3A_2373 = arith.cmpf ogt, %scan3A_1572, %gt3A_2372 : vector<16xf32>
    %lt3A = arith.constant 5 : i32
    %lt3A_2374 = vector.broadcast %lt3A : i32 to vector<16xi32>
    %lt3A_2375 = arith.cmpi slt, %iota3A, %lt3A_2374 : vector<16xi32>
    %and3A = arith.andi %gt3A_2373, %lt3A_2375 : vector<16xi1>
    %jit3A = arith.constant 0.000000e+00 : f32
    %broadcast_in_dim3A_2376 = vector.broadcast %jit3A : f32 to vector<16xf32>
    %select_n3A_2377 = arith.select %and3A, %mul3A_2371, %broadcast_in_dim3A_2376 : vector<16xi1>, vector<16xf32>
    %slice3A_2378 = vector.extract_strided_slice %select_n3A_2377 {offsets = [0], sizes = [1], strides = [1]} : vector<16xf32> to vector<1xf32>
    %squeeze3A_2379 = vector.extract %slice3A_2378[0] : f32 from vector<1xf32>
    %slice3A_2380 = vector.extract_strided_slice %select_n3A_2377 {offsets = [1], sizes = [1], strides = [1]} : vector<16xf32> to vector<1xf32>
    %squeeze3A_2381 = vector.extract %slice3A_2380[0] : f32 from vector<1xf32>
    %add3A_2382 = arith.addf %squeeze3A_2379, %squeeze3A_2381 : f32
    %slice3A_2383 = vector.extract_strided_slice %select_n3A_2377 {offsets = [2], sizes = [1], strides = [1]} : vector<16xf32> to vector<1xf32>
    %squeeze3A_2384 = vector.extract %slice3A_2383[0] : f32 from vector<1xf32>
    %add3A_2385 = arith.addf %add3A_2382, %squeeze3A_2384 : f32
    %slice3A_2386 = vector.extract_strided_slice %select_n3A_2377 {offsets = [3], sizes = [1], strides = [1]} : vector<16xf32> to vector<1xf32>
    %squeeze3A_2387 = vector.extract %slice3A_2386[0] : f32 from vector<1xf32>
    %add3A_2388 = arith.addf %add3A_2385, %squeeze3A_2387 : f32
    %slice3A_2389 = vector.extract_strided_slice %select_n3A_2377 {offsets = [4], sizes = [1], strides = [1]} : vector<16xf32> to vector<1xf32>
    %squeeze3A_2390 = vector.extract %slice3A_2389[0] : f32 from vector<1xf32>
    %add3A_2391 = arith.addf %add3A_2388, %squeeze3A_2390 : f32
    %eq3A_2392 = arith.constant 0 : i32
    %eq3A_2393 = vector.broadcast %eq3A_2392 : i32 to vector<16xi32>
    %eq3A_2394 = arith.cmpi eq, %iota3A, %eq3A_2393 : vector<16xi32>
    %jit3A_2395 = arith.constant 0.000000e+00 : f32
    %broadcast_in_dim3A_2396 = vector.broadcast %add3A_2391 : f32 to vector<16xf32>
    %broadcast_in_dim3A_2397 = vector.broadcast %jit3A_2395 : f32 to vector<16xf32>
    %select_n3A_2398 = arith.select %eq3A_2394, %broadcast_in_dim3A_2396, %broadcast_in_dim3A_2397 : vector<16xi1>, vector<16xf32>
    %swap3A_2399 = arith.constant 0 : index
    %swap3A_2400 = tpu.vector_load %arg13[%swap3A_2399] {strides = array<i32>} : memref<16xf32, #tpu.memory_space<vmem>>, vector<16xf32>,
    %swap3A_2401 = vector.shape_cast %swap3A_2400 : vector<16xf32> to vector<16xf32>
    %swap3A_2402 = vector.shape_cast %select_n3A_2398 : vector<16xf32> to vector<16xf32>
    tpu.vector_store %arg13[%swap3A_2399], %swap3A_2402 {strides = array<i32>} : memref<16xf32, #tpu.memory_space<vmem>>, vector<16xf32>,
    %eq3A_2403 = arith.constant 0 : i32
    %eq3A_2404 = arith.cmpi eq, %arg0, %eq3A_2403 : i32
    %eq3A_2405 = arith.constant 0 : i32
    %eq3A_2406 = arith.cmpi eq, %arg1, %eq3A_2405 : i32
    %and3A_2407 = arith.andi %eq3A_2404, %eq3A_2406 : i1
    %convert_element_type3A = arith.extui %and3A_2407 : i1 to i32
    %cond3A = arith.constant 0 : i32
    %cond3A_2408 = arith.cmpi ne, %convert_element_type3A, %cond3A : i32
    scf.if %cond3A_2408 {
      "tpu.region"() ({
        %run_scoped3A = tpu.sem_alloc : memref<!tpu.dma_semaphore, #tpu.memory_space<semaphore_mem>>
        tpu.enqueue_dma source(%arg13 : memref<16xf32, #tpu.memory_space<vmem>>) target(%arg6 : memref<16xf32, #tpu.memory_space<hbm>>) target_semaphore(%run_scoped3A : memref<!tpu.dma_semaphore, #tpu.memory_space<semaphore_mem>>)
        tpu.wait_dma2 semaphore(%run_scoped3A : memref<!tpu.dma_semaphore, #tpu.memory_space<semaphore_mem>>) src(%arg13 : memref<16xf32, #tpu.memory_space<vmem>>) dst(%arg6 : memref<16xf32, #tpu.memory_space<hbm>>)
        tpu.yield
      }) : () -> ()
    } else {
    }
    return
  }
}

module attributes {stable_mosaic.version = 14 : i64} {
  func.func @_tc_rowstats_body(%arg0: i32, %arg1: memref<2048x1000xf32, #tpu.memory_space<vmem>>, %arg2: memref<2048xi32, #tpu.memory_space<vmem>>, %arg3: memref<2048xf32, #tpu.memory_space<vmem>>, %arg4: memref<2048xf32, #tpu.memory_space<vmem>>, %arg5: memref<2048xi32, #tpu.memory_space<vmem>>, %arg6: memref<1x1x16xf32, #tpu.memory_space<vmem>>) attributes {dimension_semantics = [#tpu.dimension_semantics<arbitrary>], iteration_bounds = array<i64: 8>, scalar_prefetch = 0 : i64, scratch_operands = 0 : i64, tpu.core_type = #tpu.core_type<tc>, window_params = [{transform_indices = @transform_0, window_bounds = array<i64: 2048, 1000>}, {transform_indices = @transform_1, window_bounds = array<i64: 2048>}, {transform_indices = @transform_2, window_bounds = array<i64: 2048>}, {transform_indices = @transform_3, window_bounds = array<i64: 2048>}, {transform_indices = @transform_4, window_bounds = array<i64: 2048>}, {transform_indices = @transform_5, window_bounds = array<i64: 1, 1, 16>}]} {
    %get3A = arith.constant 0 : index
    %get3A_0 = arith.constant 0 : index
    %get3A_1 = vector.load %arg1[%get3A, %get3A_0] : memref<2048x1000xf32, #tpu.memory_space<vmem>>, vector<2048x1000xf32>
    %reduce_max3A = arith.constant dense<0xFF800000> : vector<2048xf32>
    %reduce_max3A_2 = vector.multi_reduction <maximumf>, %get3A_1, %reduce_max3A [1] : vector<2048x1000xf32> to vector<2048xf32>
    %swap3A = arith.constant 0 : index
    %swap3A_3 = vector.load %arg3[%swap3A] : memref<2048xf32, #tpu.memory_space<vmem>>, vector<2048xf32>
    tpu.vector_store %arg3[%swap3A], %reduce_max3A_2 {strides = array<i32>} : memref<2048xf32, #tpu.memory_space<vmem>>, vector<2048xf32>,
    %iota3A = tpu.iota {dimensions = array<i32: 1>} : vector<2048x1000xi32>
    %broadcast_in_dim3A = vector.shape_cast %reduce_max3A_2 : vector<2048xf32> to vector<2048x1xf32>
    %eq3A = vector.broadcast %broadcast_in_dim3A : vector<2048x1xf32> to vector<2048x1000xf32>
    %eq3A_4 = arith.cmpf oeq, %get3A_1, %eq3A : vector<2048x1000xf32>
    %jit3A = arith.constant 1073741824 : i32
    %broadcast_in_dim3A_5 = vector.broadcast %jit3A : i32 to vector<2048x1000xi32>
    %select_n3A = arith.select %eq3A_4, %iota3A, %broadcast_in_dim3A_5 : vector<2048x1000xi1>, vector<2048x1000xi32>
    %reduce_min3A = arith.constant dense<2147483647> : vector<2048xi32>
    %reduce_min3A_6 = vector.multi_reduction <minsi>, %select_n3A, %reduce_min3A [1] : vector<2048x1000xi32> to vector<2048xi32>
    %get3A_7 = arith.constant 0 : index
    %get3A_8 = vector.load %arg2[%get3A_7] : memref<2048xi32, #tpu.memory_space<vmem>>, vector<2048xi32>
    %eq3A_9 = arith.cmpi eq, %reduce_min3A_6, %get3A_8 : vector<2048xi32>
    %convert_element_type3A = arith.extui %eq3A_9 : vector<2048xi1> to vector<2048xi32>
    %convert_element_type3A_10 = arith.sitofp %convert_element_type3A : vector<2048xi32> to vector<2048xf32>
    %swap3A_11 = arith.constant 0 : index
    %swap3A_12 = vector.load %arg4[%swap3A_11] : memref<2048xf32, #tpu.memory_space<vmem>>, vector<2048xf32>
    tpu.vector_store %arg4[%swap3A_11], %convert_element_type3A_10 {strides = array<i32>} : memref<2048xf32, #tpu.memory_space<vmem>>, vector<2048xf32>,
    %broadcast_in_dim3A_13 = arith.constant 1.000000e+00 : bf16
    %broadcast_in_dim3A_14 = vector.broadcast %broadcast_in_dim3A_13 : bf16 to vector<1000xbf16>
    %gt3A = arith.constant 0.000000e+00 : f32
    %gt3A_15 = vector.broadcast %gt3A : f32 to vector<2048x1000xf32>
    %gt3A_16 = arith.cmpf ogt, %get3A_1, %gt3A_15 : vector<2048x1000xf32>
    %convert_element_type3A_17 = arith.extui %gt3A_16 : vector<2048x1000xi1> to vector<2048x1000xi32>
    %convert_element_type3A_18 = arith.sitofp %convert_element_type3A_17 : vector<2048x1000xi32> to vector<2048x1000xf32>
    %convert_element_type3A_19 = arith.truncf %convert_element_type3A_18 : vector<2048x1000xf32> to vector<2048x1000xbf16>
    %dot_general3A = arith.constant dense<0.000000e+00> : vector<2048xf32>
    %dot_general3A_20 = tpu.matmul %convert_element_type3A_19, %broadcast_in_dim3A_14, %dot_general3A {dimension_numbers = #tpu.dot_dimension_numbers<[1], [0], [0], [], [0, 0], [], []>, transpose_lhs_hint = false} : vector<2048x1000xbf16>, vector<1000xbf16>, vector<2048xf32> -> vector<2048xf32>
    %gt3A_21 = arith.constant 1.000000e+00 : f32
    %gt3A_22 = vector.broadcast %gt3A_21 : f32 to vector<2048x1000xf32>
    %gt3A_23 = arith.cmpf ogt, %get3A_1, %gt3A_22 : vector<2048x1000xf32>
    %convert_element_type3A_24 = arith.extui %gt3A_23 : vector<2048x1000xi1> to vector<2048x1000xi32>
    %convert_element_type3A_25 = arith.sitofp %convert_element_type3A_24 : vector<2048x1000xi32> to vector<2048x1000xf32>
    %convert_element_type3A_26 = arith.truncf %convert_element_type3A_25 : vector<2048x1000xf32> to vector<2048x1000xbf16>
    %dot_general3A_27 = arith.constant dense<0.000000e+00> : vector<2048xf32>
    %dot_general3A_28 = tpu.matmul %convert_element_type3A_26, %broadcast_in_dim3A_14, %dot_general3A_27 {dimension_numbers = #tpu.dot_dimension_numbers<[1], [0], [0], [], [0, 0], [], []>, transpose_lhs_hint = false} : vector<2048x1000xbf16>, vector<1000xbf16>, vector<2048xf32> -> vector<2048xf32>
    %gt3A_29 = arith.constant 2.000000e+00 : f32
    %gt3A_30 = vector.broadcast %gt3A_29 : f32 to vector<2048x1000xf32>
    %gt3A_31 = arith.cmpf ogt, %get3A_1, %gt3A_30 : vector<2048x1000xf32>
    %convert_element_type3A_32 = arith.extui %gt3A_31 : vector<2048x1000xi1> to vector<2048x1000xi32>
    %convert_element_type3A_33 = arith.sitofp %convert_element_type3A_32 : vector<2048x1000xi32> to vector<2048x1000xf32>
    %convert_element_type3A_34 = arith.truncf %convert_element_type3A_33 : vector<2048x1000xf32> to vector<2048x1000xbf16>
    %dot_general3A_35 = arith.constant dense<0.000000e+00> : vector<2048xf32>
    %dot_general3A_36 = tpu.matmul %convert_element_type3A_34, %broadcast_in_dim3A_14, %dot_general3A_35 {dimension_numbers = #tpu.dot_dimension_numbers<[1], [0], [0], [], [0, 0], [], []>, transpose_lhs_hint = false} : vector<2048x1000xbf16>, vector<1000xbf16>, vector<2048xf32> -> vector<2048xf32>
    %gt3A_37 = arith.constant 3.000000e+00 : f32
    %gt3A_38 = vector.broadcast %gt3A_37 : f32 to vector<2048x1000xf32>
    %gt3A_39 = arith.cmpf ogt, %get3A_1, %gt3A_38 : vector<2048x1000xf32>
    %convert_element_type3A_40 = arith.extui %gt3A_39 : vector<2048x1000xi1> to vector<2048x1000xi32>
    %convert_element_type3A_41 = arith.sitofp %convert_element_type3A_40 : vector<2048x1000xi32> to vector<2048x1000xf32>
    %convert_element_type3A_42 = arith.truncf %convert_element_type3A_41 : vector<2048x1000xf32> to vector<2048x1000xbf16>
    %dot_general3A_43 = arith.constant dense<0.000000e+00> : vector<2048xf32>
    %dot_general3A_44 = tpu.matmul %convert_element_type3A_42, %broadcast_in_dim3A_14, %dot_general3A_43 {dimension_numbers = #tpu.dot_dimension_numbers<[1], [0], [0], [], [0, 0], [], []>, transpose_lhs_hint = false} : vector<2048x1000xbf16>, vector<1000xbf16>, vector<2048xf32> -> vector<2048xf32>
    %gt3A_45 = arith.constant 4.000000e+00 : f32
    %gt3A_46 = vector.broadcast %gt3A_45 : f32 to vector<2048x1000xf32>
    %gt3A_47 = arith.cmpf ogt, %get3A_1, %gt3A_46 : vector<2048x1000xf32>
    %convert_element_type3A_48 = arith.extui %gt3A_47 : vector<2048x1000xi1> to vector<2048x1000xi32>
    %convert_element_type3A_49 = arith.sitofp %convert_element_type3A_48 : vector<2048x1000xi32> to vector<2048x1000xf32>
    %convert_element_type3A_50 = arith.truncf %convert_element_type3A_49 : vector<2048x1000xf32> to vector<2048x1000xbf16>
    %dot_general3A_51 = arith.constant dense<0.000000e+00> : vector<2048xf32>
    %dot_general3A_52 = tpu.matmul %convert_element_type3A_50, %broadcast_in_dim3A_14, %dot_general3A_51 {dimension_numbers = #tpu.dot_dimension_numbers<[1], [0], [0], [], [0, 0], [], []>, transpose_lhs_hint = false} : vector<2048x1000xbf16>, vector<1000xbf16>, vector<2048xf32> -> vector<2048xf32>
    %gt3A_53 = arith.constant 5.000000e+00 : f32
    %gt3A_54 = vector.broadcast %gt3A_53 : f32 to vector<2048x1000xf32>
    %gt3A_55 = arith.cmpf ogt, %get3A_1, %gt3A_54 : vector<2048x1000xf32>
    %convert_element_type3A_56 = arith.extui %gt3A_55 : vector<2048x1000xi1> to vector<2048x1000xi32>
    %convert_element_type3A_57 = arith.sitofp %convert_element_type3A_56 : vector<2048x1000xi32> to vector<2048x1000xf32>
    %convert_element_type3A_58 = arith.truncf %convert_element_type3A_57 : vector<2048x1000xf32> to vector<2048x1000xbf16>
    %dot_general3A_59 = arith.constant dense<0.000000e+00> : vector<2048xf32>
    %dot_general3A_60 = tpu.matmul %convert_element_type3A_58, %broadcast_in_dim3A_14, %dot_general3A_59 {dimension_numbers = #tpu.dot_dimension_numbers<[1], [0], [0], [], [0, 0], [], []>, transpose_lhs_hint = false} : vector<2048x1000xbf16>, vector<1000xbf16>, vector<2048xf32> -> vector<2048xf32>
    %broadcast_in_dim3A_61 = arith.constant 0 : i32
    %broadcast_in_dim3A_62 = vector.broadcast %broadcast_in_dim3A_61 : i32 to vector<2048xi32>
    %iota3A_63 = tpu.iota {dimensions = array<i32: 2>} : vector<1x1x16xi32>
    %broadcast_in_dim3A_64 = arith.constant 0.000000e+00 : f32
    %broadcast_in_dim3A_65 = vector.broadcast %broadcast_in_dim3A_64 : f32 to vector<1x1x16xf32>
    %sub3A = arith.subf %dot_general3A_20, %dot_general3A_28 : vector<2048xf32>
    %gt3A_66 = arith.constant 0.000000e+00 : f32
    %gt3A_67 = vector.broadcast %gt3A_66 : f32 to vector<2048xf32>
    %gt3A_68 = arith.cmpf ogt, %sub3A, %gt3A_67 : vector<2048xf32>
    %convert_element_type3A_69 = arith.extui %gt3A_68 : vector<2048xi1> to vector<2048xi32>
    %shift_left3A = arith.constant 0 : i32
    %shift_left3A_70 = vector.broadcast %shift_left3A : i32 to vector<2048xi32>
    %shift_left3A_71 = arith.shli %convert_element_type3A_69, %shift_left3A_70 : vector<2048xi32>
    %or3A = arith.ori %broadcast_in_dim3A_62, %shift_left3A_71 : vector<2048xi32>
    %eq3A_72 = arith.constant 0 : i32
    %eq3A_73 = vector.broadcast %eq3A_72 : i32 to vector<1x1x16xi32>
    %eq3A_74 = arith.cmpi eq, %iota3A_63, %eq3A_73 : vector<1x1x16xi32>
    %reduce_sum3A = vector.shape_cast %sub3A : vector<2048xf32> to vector<1x2048xf32>
    %reduce_sum3A_75 = arith.constant dense<0.000000e+00> : vector<1xf32>
    %reduce_sum3A_76 = vector.multi_reduction <add>, %reduce_sum3A, %reduce_sum3A_75 [1] : vector<1x2048xf32> to vector<1xf32>
    %reduce_sum3A_77 = vector.shape_cast %reduce_sum3A_76 : vector<1xf32> to vector<1x1xf32>
    %reduce_sum3A_78 = vector.extract %reduce_sum3A_77[0, 0] : f32 from vector<1x1xf32>
    %jit3A_79 = arith.constant 0.000000e+00 : f32
    %broadcast_in_dim3A_80 = vector.broadcast %reduce_sum3A_78 : f32 to vector<1x1x16xf32>
    %broadcast_in_dim3A_81 = vector.broadcast %jit3A_79 : f32 to vector<1x1x16xf32>
    %select_n3A_82 = arith.select %eq3A_74, %broadcast_in_dim3A_80, %broadcast_in_dim3A_81 : vector<1x1x16xi1>, vector<1x1x16xf32>
    %add3A = arith.addf %broadcast_in_dim3A_65, %select_n3A_82 : vector<1x1x16xf32>
    %sub3A_83 = arith.subf %dot_general3A_28, %dot_general3A_36 : vector<2048xf32>
    %gt3A_84 = arith.constant 0.000000e+00 : f32
    %gt3A_85 = vector.broadcast %gt3A_84 : f32 to vector<2048xf32>
    %gt3A_86 = arith.cmpf ogt, %sub3A_83, %gt3A_85 : vector<2048xf32>
    %convert_element_type3A_87 = arith.extui %gt3A_86 : vector<2048xi1> to vector<2048xi32>
    %shift_left3A_88 = arith.constant 1 : i32
    %shift_left3A_89 = vector.broadcast %shift_left3A_88 : i32 to vector<2048xi32>
    %shift_left3A_90 = arith.shli %convert_element_type3A_87, %shift_left3A_89 : vector<2048xi32>
    %or3A_91 = arith.ori %or3A, %shift_left3A_90 : vector<2048xi32>
    %eq3A_92 = arith.constant 1 : i32
    %eq3A_93 = vector.broadcast %eq3A_92 : i32 to vector<1x1x16xi32>
    %eq3A_94 = arith.cmpi eq, %iota3A_63, %eq3A_93 : vector<1x1x16xi32>
    %reduce_sum3A_95 = vector.shape_cast %sub3A_83 : vector<2048xf32> to vector<1x2048xf32>
    %reduce_sum3A_96 = arith.constant dense<0.000000e+00> : vector<1xf32>
    %reduce_sum3A_97 = vector.multi_reduction <add>, %reduce_sum3A_95, %reduce_sum3A_96 [1] : vector<1x2048xf32> to vector<1xf32>
    %reduce_sum3A_98 = vector.shape_cast %reduce_sum3A_97 : vector<1xf32> to vector<1x1xf32>
    %reduce_sum3A_99 = vector.extract %reduce_sum3A_98[0, 0] : f32 from vector<1x1xf32>
    %jit3A_100 = arith.constant 0.000000e+00 : f32
    %broadcast_in_dim3A_101 = vector.broadcast %reduce_sum3A_99 : f32 to vector<1x1x16xf32>
    %broadcast_in_dim3A_102 = vector.broadcast %jit3A_100 : f32 to vector<1x1x16xf32>
    %select_n3A_103 = arith.select %eq3A_94, %broadcast_in_dim3A_101, %broadcast_in_dim3A_102 : vector<1x1x16xi1>, vector<1x1x16xf32>
    %add3A_104 = arith.addf %add3A, %select_n3A_103 : vector<1x1x16xf32>
    %sub3A_105 = arith.subf %dot_general3A_36, %dot_general3A_44 : vector<2048xf32>
    %gt3A_106 = arith.constant 0.000000e+00 : f32
    %gt3A_107 = vector.broadcast %gt3A_106 : f32 to vector<2048xf32>
    %gt3A_108 = arith.cmpf ogt, %sub3A_105, %gt3A_107 : vector<2048xf32>
    %convert_element_type3A_109 = arith.extui %gt3A_108 : vector<2048xi1> to vector<2048xi32>
    %shift_left3A_110 = arith.constant 2 : i32
    %shift_left3A_111 = vector.broadcast %shift_left3A_110 : i32 to vector<2048xi32>
    %shift_left3A_112 = arith.shli %convert_element_type3A_109, %shift_left3A_111 : vector<2048xi32>
    %or3A_113 = arith.ori %or3A_91, %shift_left3A_112 : vector<2048xi32>
    %eq3A_114 = arith.constant 2 : i32
    %eq3A_115 = vector.broadcast %eq3A_114 : i32 to vector<1x1x16xi32>
    %eq3A_116 = arith.cmpi eq, %iota3A_63, %eq3A_115 : vector<1x1x16xi32>
    %reduce_sum3A_117 = vector.shape_cast %sub3A_105 : vector<2048xf32> to vector<1x2048xf32>
    %reduce_sum3A_118 = arith.constant dense<0.000000e+00> : vector<1xf32>
    %reduce_sum3A_119 = vector.multi_reduction <add>, %reduce_sum3A_117, %reduce_sum3A_118 [1] : vector<1x2048xf32> to vector<1xf32>
    %reduce_sum3A_120 = vector.shape_cast %reduce_sum3A_119 : vector<1xf32> to vector<1x1xf32>
    %reduce_sum3A_121 = vector.extract %reduce_sum3A_120[0, 0] : f32 from vector<1x1xf32>
    %jit3A_122 = arith.constant 0.000000e+00 : f32
    %broadcast_in_dim3A_123 = vector.broadcast %reduce_sum3A_121 : f32 to vector<1x1x16xf32>
    %broadcast_in_dim3A_124 = vector.broadcast %jit3A_122 : f32 to vector<1x1x16xf32>
    %select_n3A_125 = arith.select %eq3A_116, %broadcast_in_dim3A_123, %broadcast_in_dim3A_124 : vector<1x1x16xi1>, vector<1x1x16xf32>
    %add3A_126 = arith.addf %add3A_104, %select_n3A_125 : vector<1x1x16xf32>
    %sub3A_127 = arith.subf %dot_general3A_44, %dot_general3A_52 : vector<2048xf32>
    %gt3A_128 = arith.constant 0.000000e+00 : f32
    %gt3A_129 = vector.broadcast %gt3A_128 : f32 to vector<2048xf32>
    %gt3A_130 = arith.cmpf ogt, %sub3A_127, %gt3A_129 : vector<2048xf32>
    %convert_element_type3A_131 = arith.extui %gt3A_130 : vector<2048xi1> to vector<2048xi32>
    %shift_left3A_132 = arith.constant 3 : i32
    %shift_left3A_133 = vector.broadcast %shift_left3A_132 : i32 to vector<2048xi32>
    %shift_left3A_134 = arith.shli %convert_element_type3A_131, %shift_left3A_133 : vector<2048xi32>
    %or3A_135 = arith.ori %or3A_113, %shift_left3A_134 : vector<2048xi32>
    %eq3A_136 = arith.constant 3 : i32
    %eq3A_137 = vector.broadcast %eq3A_136 : i32 to vector<1x1x16xi32>
    %eq3A_138 = arith.cmpi eq, %iota3A_63, %eq3A_137 : vector<1x1x16xi32>
    %reduce_sum3A_139 = vector.shape_cast %sub3A_127 : vector<2048xf32> to vector<1x2048xf32>
    %reduce_sum3A_140 = arith.constant dense<0.000000e+00> : vector<1xf32>
    %reduce_sum3A_141 = vector.multi_reduction <add>, %reduce_sum3A_139, %reduce_sum3A_140 [1] : vector<1x2048xf32> to vector<1xf32>
    %reduce_sum3A_142 = vector.shape_cast %reduce_sum3A_141 : vector<1xf32> to vector<1x1xf32>
    %reduce_sum3A_143 = vector.extract %reduce_sum3A_142[0, 0] : f32 from vector<1x1xf32>
    %jit3A_144 = arith.constant 0.000000e+00 : f32
    %broadcast_in_dim3A_145 = vector.broadcast %reduce_sum3A_143 : f32 to vector<1x1x16xf32>
    %broadcast_in_dim3A_146 = vector.broadcast %jit3A_144 : f32 to vector<1x1x16xf32>
    %select_n3A_147 = arith.select %eq3A_138, %broadcast_in_dim3A_145, %broadcast_in_dim3A_146 : vector<1x1x16xi1>, vector<1x1x16xf32>
    %add3A_148 = arith.addf %add3A_126, %select_n3A_147 : vector<1x1x16xf32>
    %sub3A_149 = arith.subf %dot_general3A_52, %dot_general3A_60 : vector<2048xf32>
    %gt3A_150 = arith.constant 0.000000e+00 : f32
    %gt3A_151 = vector.broadcast %gt3A_150 : f32 to vector<2048xf32>
    %gt3A_152 = arith.cmpf ogt, %sub3A_149, %gt3A_151 : vector<2048xf32>
    %convert_element_type3A_153 = arith.extui %gt3A_152 : vector<2048xi1> to vector<2048xi32>
    %shift_left3A_154 = arith.constant 4 : i32
    %shift_left3A_155 = vector.broadcast %shift_left3A_154 : i32 to vector<2048xi32>
    %shift_left3A_156 = arith.shli %convert_element_type3A_153, %shift_left3A_155 : vector<2048xi32>
    %or3A_157 = arith.ori %or3A_135, %shift_left3A_156 : vector<2048xi32>
    %eq3A_158 = arith.constant 4 : i32
    %eq3A_159 = vector.broadcast %eq3A_158 : i32 to vector<1x1x16xi32>
    %eq3A_160 = arith.cmpi eq, %iota3A_63, %eq3A_159 : vector<1x1x16xi32>
    %reduce_sum3A_161 = vector.shape_cast %sub3A_149 : vector<2048xf32> to vector<1x2048xf32>
    %reduce_sum3A_162 = arith.constant dense<0.000000e+00> : vector<1xf32>
    %reduce_sum3A_163 = vector.multi_reduction <add>, %reduce_sum3A_161, %reduce_sum3A_162 [1] : vector<1x2048xf32> to vector<1xf32>
    %reduce_sum3A_164 = vector.shape_cast %reduce_sum3A_163 : vector<1xf32> to vector<1x1xf32>
    %reduce_sum3A_165 = vector.extract %reduce_sum3A_164[0, 0] : f32 from vector<1x1xf32>
    %jit3A_166 = arith.constant 0.000000e+00 : f32
    %broadcast_in_dim3A_167 = vector.broadcast %reduce_sum3A_165 : f32 to vector<1x1x16xf32>
    %broadcast_in_dim3A_168 = vector.broadcast %jit3A_166 : f32 to vector<1x1x16xf32>
    %select_n3A_169 = arith.select %eq3A_160, %broadcast_in_dim3A_167, %broadcast_in_dim3A_168 : vector<1x1x16xi1>, vector<1x1x16xf32>
    %add3A_170 = arith.addf %add3A_148, %select_n3A_169 : vector<1x1x16xf32>
    %swap3A_171 = arith.constant 0 : index
    %swap3A_172 = vector.load %arg5[%swap3A_171] : memref<2048xi32, #tpu.memory_space<vmem>>, vector<2048xi32>
    tpu.vector_store %arg5[%swap3A_171], %or3A_157 {strides = array<i32>} : memref<2048xi32, #tpu.memory_space<vmem>>, vector<2048xi32>,
    %swap3A_173 = arith.constant 0 : index
    %swap3A_174 = arith.constant 0 : index
    %swap3A_175 = arith.constant 0 : index
    %swap3A_176 = vector.load %arg6[%swap3A_173, %swap3A_174, %swap3A_175] : memref<1x1x16xf32, #tpu.memory_space<vmem>>, vector<1x1x16xf32>
    tpu.vector_store %arg6[%swap3A_173, %swap3A_174, %swap3A_175], %add3A_170 {strides = array<i32>} : memref<1x1x16xf32, #tpu.memory_space<vmem>>, vector<1x1x16xf32>,
    return
  }
  func.func @transform_0(%arg0: i32) -> (i32, i32) {
    %c0_i32 = arith.constant 0 : i32
    %c0_i32_0 = arith.constant 0 : i32
    return %arg0, %c0_i32 : i32, i32
  }
  func.func @transform_1(%arg0: i32) -> i32 {
    %c0_i32 = arith.constant 0 : i32
    return %arg0 : i32
  }
  func.func @transform_2(%arg0: i32) -> i32 {
    %c0_i32 = arith.constant 0 : i32
    return %arg0 : i32
  }
  func.func @transform_3(%arg0: i32) -> i32 {
    %c0_i32 = arith.constant 0 : i32
    return %arg0 : i32
  }
  func.func @transform_4(%arg0: i32) -> i32 {
    %c0_i32 = arith.constant 0 : i32
    return %arg0 : i32
  }
  func.func @transform_5(%arg0: i32) -> (i32, i32, i32) {
    %c0_i32 = arith.constant 0 : i32
    %c0_i32_0 = arith.constant 0 : i32
    %c0_i32_1 = arith.constant 0 : i32
    return %arg0, %c0_i32, %c0_i32_0 : i32, i32, i32
  }
}

</mosaic_0001>

<sc_bundles>
// kernel: kernel.4.cloned.1.call-start
scs
__scs_entry_jumppad:
0x0: {  	(pc) =	sbr.rel $0x88, $3  }
0x1: {  	(tag) =	ssettag $0x0;
	lr =	simm.s32 $0x1  }
0x2: {  	[smem:$0x3F9F] =	sst lr;
	_ =	strace $0xD0000000  }
0x3: {  	_ = 	snop  }
0x4: {  	_ = 	snop  }
0x5: {  	_ = 	snop  }
0x6: {  	_ = 	snop  }
0x7: {  	_ = 	snop  }
__scs_overlays_trampoline_lowered:
0x8: {  	[smem:$0x3FAE] =	sst s0  }
0x9: {  	[smem:$0x3FAF] =	sst s1  }
0xa: {  	[smem:$0x3FB0] =	sst s2  }
0xb: {  	[smem:$0x3FB1] =	sst s3  }
0xc: {  	[smem:$0x3FB2] =	sst s4  }
0xd: {  	[smem:$0x3FB3] =	sst s5  }
0xe: {  	[smem:$0x3FB4] =	sst s6  }
0xf: {  	[smem:$0x3FB5] =	sst s7  }
0x10: {  	[smem:$0x3FB6] =	sst s8  }
0x11: {  	[smem:$0x3FB7] =	sst s9;
	s0 =	simm.s32 @!p0 $0x0  }
0x12: {  	s1 =	sld [smem:$0x3F9D];
	s0 =	simm.s32 @p0 $0x1  }
0x13: {  	[smem:$0x3FB8] =	sst s0;
	s0 =	simm.s32 @!p1 $0x0  }
0x14: {  	s2 =	sld [smem:$0x3F9C];
	s0 =	simm.s32 @p1 $0x1  }
0x15: {  	[smem:$0x3FB9] =	sst s0;
	s0 =	simm.s32 @!p2 $0x0  }
0x16: {  	s3 =	sld [smem:$0x3FDB];
	s0 =	simm.s32 @p2 $0x1  }
0x17: {  	s4 =	simm.s32 $0x1BF5;
	[smem:$0x3FBB] =	sst s0  }
0x18: {  	s0 =	sld [smem:$0x3F9E];
	_ =	swait.ge [sflag:s4], $0x0  }
0x19: {  	s7 =	sld [smem:$0x3F9F]  }
0x1a: {  	s8 =	sadd.s32 $0xFFFFE003, lr  }
0x1b: {  	s9 =	sadd.s32 $0xFFFFFEF7, lr;
	s5 =	simm.s32 $0xFFFFFFFF;
	p2 =	slt.u32 s8, $0xFFFFF086  }
0x1c: {  	p1 =	slt.u32 s9, $0xF7A;
	s5 =	simm.s32 @!p2 $0x0  }
0x1d: {  	s5 =	simm.s32 @p1 $0x1;
	p0 =	seq.s32 s7, s2  }
0x1e: {  	s7 =	smul.u32 @!p0 $0xF7A, s2;
	p2 =	seq.s32 @!p0 s5, $0x0  }
0x1f: {  	s9 =	smul.u32 $0xF7A, s1;
	s8 =	simm.s32 @!p0 $0x1BF5;
	p2 =	por !p2, p0  }
0x20: {  	[sflag:s8] =	ssyncset.s32 @!p0 $0xFFFFF086;
	s6 =	sadd.s32 @!p0 s3, s7;
	s7 =	simm.s32 @!p0 $0x108  }
0x21: {  	s3 =	sadd.s32 s3, s9;
	s6 =	sadd.s32 @!p0 $0x88, s6;
	s7 =	simm.s32 @p2 $0x1082  }
0x22: {  	[simem:s7], [sflag:s8] =	dma.local @!p0 [hbm:s6], $0xF7A  }
0x23: {  	s9 =	sor.u32 $0xD0000000, s2;
	s6 =	simm.s32 $0x108;
	_ =	swait.ge @!p0 [sflag:s8], $0x0  }
0x24: {  	s3 =	sadd.s32 $0x88, s3;
	s6 =	simm.s32 @!p1 $0x1082;
	[sflag:s4] =	ssyncset.s32 $0xFFFFF086  }
0x25: {  	[simem:s6], [sflag:s4] =	dma.local [hbm:s3], $0xF7A  }
0x26: {  	[smem:$0x3F9F] =	sst s1;
	(tag) =	ssettag s2;
	_ =	strace s9  }
0x27: {  	s1 =	sld [smem:$0x3FAF]  }
0x28: {  	s2 =	sld [smem:$0x3FB0]  }
0x29: {  	s4 =	sld [smem:$0x3FB2]  }
0x2a: {  	p0 =	seq.s32 s5, $0x0;
	s5 =	sld [smem:$0x3FB3]  }
0x2b: {  	s6 =	sld [smem:$0x3FB4]  }
0x2c: {  	s7 =	sld [smem:$0x3FB5]  }
0x2d: {  	s3 =	simm.s32 $0x108;
	s8 =	sld [smem:$0x3FB6]  }
0x2e: {  	s3 =	simm.s32 @!p0 $0x1082;
	s9 =	sld [smem:$0x3FB7]  }
0x2f: {  	lr =	sadd.s32 s0, s3;
	s0 =	sld [smem:$0x3FAE]  }
0x30: {  	s3 =	sld [smem:$0x3FB1]  }
0x31: {  	[smem:$0x3FBA] =	sst s10  }
0x32: {  	s10 =	sld [smem:$0x3FB8];
	_ =	sdelay $0x3  }
0x33: {  	p0 =	seq.s32 s10, $0x1;
	s10 =	sld [smem:$0x3FBA];
	_ =	sdelay $0x3  }
0x34: {  	[smem:$0x3FBA] =	sst s10  }
0x35: {  	s10 =	sld [smem:$0x3FB9];
	_ =	sdelay $0x3  }
0x36: {  	p1 =	seq.s32 s10, $0x1;
	s10 =	sld [smem:$0x3FBA];
	_ =	sdelay $0x3  }
0x37: {  	[smem:$0x3FBA] =	sst s10  }
0x38: {  	s10 =	sld [smem:$0x3FBB]  }
0x39: {  	_ = 	snop;
	(pc) =	sbr.ind lr, $3  }
0x3a: {  	_ = 	snop  }
0x3b: {  	_ = 	snop  }
0x3c: {  	p2 =	seq.s32 s10, $0x1;
	s10 =	sld [smem:$0x3FBA]  }
0x3d: {  	_ =	shalt  }
0x3e: {  	_ =	shalt  }
0x3f: {  	_ =	shalt  }
0x40: {  	_ =	shalt  }
0x41: {  	_ =	shalt  }
0x42: {  	_ =	shalt  }
0x43: {  	_ =	shalt  }
0x44: {  	_ =	shalt  }
0x45: {  	_ =	shalt  }
0x46: {  	_ =	shalt  }
0x47: {  	_ =	shalt  }
0x48: {  	_ =	shalt  }
0x49: {  	_ =	shalt  }
0x4a: {  	_ =	shalt  }
0x4b: {  	_ =	shalt  }
0x4c: {  	_ =	shalt  }
0x4d: {  	_ =	shalt  }
0x4e: {  	_ =	shalt  }
0x4f: {  	_ =	shalt  }
0x50: {  	_ =	shalt  }
0x51: {  	_ =	shalt  }
0x52: {  	_ =	shalt  }
0x53: {  	_ =	shalt  }
0x54: {  	_ =	shalt  }
0x55: {  	_ =	shalt  }
0x56: {  	_ =	shalt  }
0x57: {  	_ =	shalt  }
0x58: {  	_ =	shalt  }
0x59: {  	_ =	shalt  }
0x5a: {  	_ =	shalt  }
0x5b: {  	_ =	shalt  }
0x5c: {  	_ =	shalt  }
0x5d: {  	_ =	shalt  }
0x5e: {  	_ =	shalt  }
0x5f: {  	_ =	shalt  }
0x60: {  	_ =	shalt  }
0x61: {  	_ =	shalt  }
0x62: {  	_ =	shalt  }
0x63: {  	_ =	shalt  }
0x64: {  	_ =	shalt  }
0x65: {  	_ =	shalt  }
0x66: {  	_ =	shalt  }
0x67: {  	_ =	shalt  }
0x68: {  	_ =	shalt  }
0x69: {  	_ =	shalt  }
0x6a: {  	_ =	shalt  }
0x6b: {  	_ =	shalt  }
0x6c: {  	_ =	shalt  }
0x6d: {  	_ =	shalt  }
0x6e: {  	_ =	shalt  }
0x6f: {  	_ =	shalt  }
0x70: {  	_ =	shalt  }
0x71: {  	_ =	shalt  }
0x72: {  	_ =	shalt  }
0x73: {  	_ =	shalt  }
0x74: {  	_ =	shalt  }
0x75: {  	_ =	shalt  }
0x76: {  	_ =	shalt  }
0x77: {  	_ =	shalt  }
0x78: {  	_ =	shalt  }
0x79: {  	_ =	shalt  }
0x7a: {  	_ =	shalt  }
0x7b: {  	_ =	shalt  }
0x7c: {  	_ =	shalt  }
0x7d: {  	_ =	shalt  }
0x7e: {  	_ =	shalt  }
0x7f: {  	_ =	shalt  }
0x80: {  	_ =	shalt  }
0x81: {  	_ =	shalt  }
0x82: {  	_ =	shalt  }
0x83: {  	_ =	shalt  }
0x84: {  	_ =	shalt  }
0x85: {  	_ =	shalt  }
0x86: {  	_ =	shalt  }
0x87: {  	_ =	shalt  }
.Lfunc_end0:
.L_simem_size_0:
called_computation_lowered:
.L_overlay_start_0:
0x88: {  	s0 =	sld [smem:$0x3FD9]  }
0x89: {  	s1 =	sld [smem:$0x3FFE];
	_ =	sdelay $0x3  }
0x8a: {  	s0 =	sadd.s32 s1, s0  }
0x8b: {  	[smem:$0x3FC6] =	sst s0  }
0x8c: {  	_ = 	snop  }
0x8d: {  	s0 =	sld [smem:$0x3FD0];
	(tm) =	ssettm $0x1  }
0x8e: {  	s16 =	sld [smem:$0x3FFB];
	_ =	sdelay $0x3  }
0x8f: {  	_ =	strace s16  }
0x90: {  	s1 =	sld [smem:$0x3FFC];
	_ =	sdelay $0x3  }
0x91: {  	_ =	strace s1  }
0x92: {  	s1 =	sld [smem:$0x3FFD];
	_ =	sdelay $0x3  }
0x93: {  	_ =	strace s1  }
0x94: {  	_ =	strace $0x8FFFFFFF  }
0x95: {  	s17 =	sld [smem:$0x3FDB];
	_ =	sdelay $0x1  }
0x96: {  	s2 =	simm.s32 $_scs_section_size  }
0x97: {  	s3 =	simm.s32 $_size__tile_overlayer_lowered;
	s4 =	simm.s32 $_tile_overlayer_lowered  }
0x98: {  	s20 =	simm.s32 $0x1BFF;
	s19 =	sshll.u32 s4, $0x1;
	s1 =	sadd.s32 s2, s17  }
0x99: {  	s5 =	simm.s32 $0x0;
	s18 =	sshll.u32 s3, $0x1;
	s3 =	sadd.s32 s19, s1  }
0x9a: {  	[timem:s5], [sflag:s20] =	dma.local [hbm:s3], s18  }
0x9b: {  	_ =	swait.ge [sflag:s20], s18  }
0x9c: {  	s2 =	ssub.s32 $0x0, s18;
	[sflag:s20] =	ssyncset.done $0x0  }
0x9d: {  	[sflag:s20] =	ssyncadd.s32 s2;
	_ =	sdelay $0x1  }
0x9e: {  	s21 =	simm.s32 $0x1B8B  }
0x9f: {  	_ =	swait.ge [sflag:s21], $0x1  }
0xa0: {  	[sflag:s21] =	ssyncset.done $0x0  }
0xa1: {  	s23 =	simm.s32 $0x1B8E;
	s22 =	sld [smem:$0x3FFE];
	[sflag:s21] =	ssyncadd.s32 $0xFFFFFFFF  }
0xa2: {  	s24 =	simm.s32 $execute0_lowered;
	[smem:$0x3FD2] =	sst s23  }
0xa3: {  	s3 =	sshll.u32 s24, $0x1;
	_ =	strace $0x80000046;
	[dreg:$0x1] =	wrdreg $0xFFFFFFFF  }
0xa4: {  	s25 =	simm.s32 $_size_execute0_lowered;
	s1 =	sadd.s32 s1, s3;
	[dreg:$0x0] =	wrdreg $0x0  }
0xa5: {  	s3 =	sshll.u32 s25, $0x1;
	[dreg:$0x2] =	wrdreg s1  }
0xa6: {  	[dreg:$0x3] =	wrdreg s3  }
0xa7: {  	[dreg:$0x4] =	wrdreg $0xC0  }
0xa8: {  	_ =	task [dreg:s5], $0x5FFFF  }
0xa9: {  	[dreg:$0x1] =	wrdreg $0xFFFFFFFF  }
0xaa: {  	[dreg:$0x0] =	wrdreg $0x60  }
0xab: {  	[dreg:$0x2] =	wrdreg s22  }
0xac: {  	[dreg:$0x3] =	wrdreg s0  }
0xad: {  	[dreg:$0x4] =	wrdreg $0x1E000  }
0xae: {  	[dreg:$0x5] =	wrdreg $0x9  }
0xaf: {  	_ =	task.clear_ibuf [dreg:s5], $0x6FFFF;
	_ =	strace $0x90000046  }
0xb0: {  	s26 =	simm.s32 $0x9;
	_ =	strace $0x80000048  }
0xb1: {  	_ =	swait.ge [sflag:s26], $0x1  }
0xb2: {  	[sflag:s26] =	ssyncadd.s32 $0xFFFFFFFF  }
0xb3: {  	_ =	strace $0x90000048  }
0xb4: {  	_ =	sfence  }
0xb5: {  	s28 =	sld [smem:$0x0];
	_ =	sdelay $0x1  }
0xb6: {  	s29 =	srdreg.scid  }
0xb7: {  	s30 =	sshll.u32 s29, $0xD;
	s31 =	sshrl.u32 s29, $0x2  }
0xb8: {  	s2 =	sand.u32 $0x4000, s30;
	s1 =	sand.u32 $0x1, s29;
	s0 =	sadd.s32 s31, s28  }
0xb9: {  	s1 =	sor.u32 s2, s1;
	s0 =	sshll.u32 s0, $0x11  }
0xba: {  	s0 =	sor.u32 s0, s1  }
0xbb: {  	s0 =	sadd.s32 $0x8F2B, s0  }
0xbc: {  	[sflag:s0] =	ssyncadd.remote.s32 $0x1  }
0xbd: {  	_ =	sfence.sel $0xFFFF  }
0xbe: {  	[dreg:$0x0] =	wrdreg $0xFFFFFFFF;
	(pc) =	sbr.abs _section_cstart, $3  }
0xbf: {  	[dreg:$0x1] =	wrdreg $0xFFFFFFFF  }
0xc0: {  	_ =	task.clear_ibuf [dreg:s5], $0x2FFFF;
	_ =	strace $0x9FFFFFFF  }
0xc1: {  	(tm) =	ssettm $0x7FFFFFFF  }
tec
execute0_lowered:
.L_overlay_start_1:
0x0: {  	(tag) =	ssettag $0x1  }
0x1: {  	s0 =	rddreg [dreg:$0x0];
	s2 =	stileid.u32  }
0x2: {  	s5 =	rddreg [dreg:$0x2];
	s1 =	simm.s32 $0x0;
	s4 =	sshll.u32 s2, $0x7  }
0x3: {  	[smem:$0x7FF] =	sst s1;
	s3 =	sadd.s32 s4, s0  }
0x4: {  	s29 =	simm.s32 $0x1;
	_ =	strace $0x80000047;
	s6 =	sadd.s32 $0xA00, s3  }
0x5: {  	[tilespmem:s1], [sflag:$0x1] =	stream.linear.gather [hbm4b:s6+s1], $0x400, $0x38;
	[tilespmem:$0x1F00] =	vst v63  }
0x6: {  	_ =	swait.ge [sflag:s29], $0x400  }
0x7: {  	[sflag:s29] =	ssyncset.done $0x0  }
0x8: {  	s8 =	simm.s32 $0x400;
	s7 =	sadd.s32 $0x1200, s3;
	[sflag:s29] =	ssyncadd.s32 $0xFFFFFC00  }
0x9: {  	[tilespmem:s8], [sflag:$0x1] =	stream.linear.gather [hbm4b:s7+s1], $0x400, $0x38;
	[tilespmem:$0x1F00] =	vst v63  }
0xa: {  	_ =	swait.ge [sflag:s29], $0x400  }
0xb: {  	[sflag:s29] =	ssyncset.done $0x0  }
0xc: {  	s30 =	simm.s32 $0x800;
	s3 =	sadd.s32 $0x1A00, s3;
	[sflag:s29] =	ssyncadd.s32 $0xFFFFFC00  }
0xd: {  	[tilespmem:s30], [sflag:$0x1] =	stream.linear.gather [hbm4b:s3+s1], $0x400, $0x38;
	[tilespmem:$0x1F00] =	vst v63  }
0xe: {  	_ =	swait.ge [sflag:s29], $0x400  }
0xf: {  	[sflag:s29] =	ssyncset.done $0x0  }
0x10: {  	s31 =	simm.s32 $0x0;
	[sflag:s29] =	ssyncadd.s32 $0xFFFFFC00  }
0x11: {  	v0 =	vld [tilespmem:s31+$0x800]  }
0x12: {  	v5 =	vimm.f32 $0.0e+00  }
0x13: {  	v6 =	vimm.f32 $0.0e+00;
	v9 =	vimm.f32 $0.0e+00;
	v17 =	vimm.f32 $0.0e+00  }
0x14: {  	v11 =	vimm.f32 $0.0e+00;
	v15 =	vimm.f32 $0.0e+00;
	v18 =	vimm.f32 $0.0e+00  }
0x15: {  	v7 =	vimm.f32 $0.0e+00;
	v14 =	vimm.f32 $0.0e+00;
	v13 =	vimm.f32 $0.0e+00  }
0x16: {  	v1 =	vshrl.u32 v0, $0x1;
	v2 =	vshrl.u32 v0, $0x2;
	v3 =	vshrl.u32 v0, $0x4  }
0x17: {  	v4 =	vshrl.u32 v0, $0x3;
	v0 =	vand.u32 $0x1, v0;
	v1 =	vand.u32 $0x1, v1  }
0x18: {  	v10 =	vld [tilespmem:s31+$0x400];
	v3 =	vand.u32 $0x1, v3;
	v2 =	vand.u32 $0x1, v2;
	v21 =	vand.u32 $0x1, v4  }
0x19: {  	v8 =	vld [tilespmem:s31+$0x0];
	v19 =	vcvt.s32.f32 v0;
	v0 =	vimm.f32 $0.0e+00;
	v12 =	vcvt.s32.f32 v3  }
0x1a: {  	v4 =	vimm.f32 $0.0e+00;
	v16 =	vcvt.s32.f32 v2;
	v20 =	vcvt.s32.f32 v1  }
0x1b: {  	s6 =	simm.s32 $0x40;
	s3 =	sadd.s32 $0x2200, s0;
	v2 =	vimm.f32 $0.0e+00;
	v3 =	vimm.f32 $0.0e+00;
	v1 =	vimm.f32 $0.0e+00  }
.LBB2_1:
0x1c: {  	s0 =	sshra.s32 s6, $0x2;
	p0 =	sne.s32 s6, $0xFC0;
	s6 =	sadd.s32 $0x40, s6;
	v5 =	vadd.f32 v19, v5;
	v6 =	vadd.f32 v16, v6;
	v21 =	vcvt.s32.f32 v21  }
0x1d: {  	v22 =	vld [tilespmem:s0+$0x800];
	v9 =	vadd.f32 v20, v9;
	v23 =	vmul.f32 v16, v10;
	v24 =	vmul.f32 v12, v10  }
0x1e: {  	v2 =	vadd.f32 v12, v2;
	v25 =	vmul.f32 v20, v8;
	v12 =	vmul.f32 v12, v8  }
0x1f: {  	v26 =	vmul.f32 v19, v10;
	v3 =	vadd.f32 v21, v3;
	v1 =	vadd.f32 v24, v1  }
0x20: {  	v27 =	vmul.f32 v21, v8;
	v24 =	vmul.f32 v21, v10;
	v0 =	vadd.f32 v12, v0  }
0x21: {  	v17 =	vadd.f32 v26, v17;
	v12 =	vmul.f32 v20, v10;
	v11 =	vadd.f32 v25, v11  }
0x22: {  	v25 =	vmul.f32 v16, v8;
	v10 =	vshrl.u32 v22, $0x1;
	v20 =	vshrl.u32 v22, $0x2  }
0x23: {  	v4 =	vadd.f32 v24, v4;
	v26 =	vand.u32 $0x1, v10;
	v10 =	vshrl.u32 v22, $0x4  }
.Ltmp0:
0x24: {  	v19 =	vmul.f32 v19, v8;
	v16 =	vshrl.u32 v22, $0x3;
	v24 =	vand.u32 $0x1, v10;
	(pc) =	sbr.rel @p0 .LBB2_1-.Ltmp0, $4  }
0x25: {  	v15 =	vadd.f32 v12, v15;
	v22 =	vand.u32 $0x1, v22;
	v20 =	vand.u32 $0x1, v20;
	v10 =	vld [tilespmem:s0+$0x400]  }
0x26: {  	v18 =	vadd.f32 v19, v18;
	v21 =	vand.u32 $0x1, v16;
	v12 =	vcvt.s32.f32 v24;
	v8 =	vld [tilespmem:s0+$0x0]  }
0x27: {  	v7 =	vadd.f32 v27, v7;
	v19 =	vcvt.s32.f32 v22;
	v16 =	vcvt.s32.f32 v20  }
0x28: {  	v14 =	vadd.f32 v23, v14;
	v13 =	vadd.f32 v25, v13;
	v20 =	vcvt.s32.f32 v26  }
0x29: {  	v5 =	vadd.f32 v19, v5;
	v31 =	vimm.f32 $0.0e+00  }
0x2a: {  	v24 =	vadd.f32 v16, v6;
	[tilespmem:$0xD70] =	vst v31  }
0x2b: {  	v25 =	vcvt.s32.f32 v21;
	v2 =	vadd.f32 v12, v2;
	[tilespmem:$0xC80] =	vst v5  }
0x2c: {  	v22 =	vmul.f32 v19, v10;
	v63 =	vadd.f32 v20, v9;
	[tilespmem:$0xCE0] =	vst v24  }
0x2d: {  	v62 =	vmul.f32 v20, v10;
	v3 =	vadd.f32 v25, v3;
	[tilespmem:$0xD40] =	vst v2  }
0x2e: {  	v23 =	vmul.f32 v16, v10;
	v17 =	vadd.f32 v22, v17;
	[tilespmem:$0xCB0] =	vst v63  }
0x2f: {  	v29 =	vmul.f32 v12, v10;
	v15 =	vadd.f32 v62, v15;
	[tilespmem:$0xD10] =	vst v3  }
0x30: {  	v61 =	vmul.f32 v19, v8;
	v14 =	vadd.f32 v23, v14;
	[tilespmem:$0xC90] =	vst v17  }
0x31: {  	v20 =	vmul.f32 v20, v8;
	v1 =	vadd.f32 v29, v1;
	[tilespmem:$0xCC0] =	vst v15  }
0x32: {  	v26 =	vmul.f32 v16, v8;
	v18 =	vadd.f32 v61, v18;
	[tilespmem:$0xCF0] =	vst v14  }
0x33: {  	v27 =	vmul.f32 v25, v10;
	v9 =	vadd.f32 v20, v11;
	[tilespmem:$0xD50] =	vst v1  }
0x34: {  	v28 =	vmul.f32 v25, v8;
	v11 =	vadd.f32 v26, v13;
	[tilespmem:$0xCA0] =	vst v18  }
0x35: {  	v30 =	vmul.f32 v12, v8;
	v4 =	vadd.f32 v27, v4;
	[tilespmem:$0xCD0] =	vst v9  }
0x36: {  	s0 =	sshll.u32 s2, $0x8;
	v5 =	vadd.f32 v28, v7;
	[tilespmem:$0xD00] =	vst v11  }
0x37: {  	s1 =	sand.u32 $0x380, s4;
	s0 =	sand.u32 $0x800, s0;
	v0 =	vadd.f32 v30, v0;
	[tilespmem:$0xD20] =	vst v4  }
0x38: {  	s22 =	simm.s32 $0x80;
	s23 =	simm.s32 $0x400;
	s0 =	sadd.s32 s0, s5;
	[tilespmem:$0xD30] =	vst v5  }
0x39: {  	s6 =	simm.s32 $0xC80;
	s24 =	simm.s32 $0x1;
	s0 =	sadd.s32 s1, s0;
	[tilespmem:$0xD60] =	vst v0  }
0x3a: {  	[spmem:s0] =	stream.strided.scatter [tilespmem:s6], [sflag:$0x1], $0x100, s23, s22, $0x38;
	[tilespmem:$0x1F00] =	vst v63  }
0x3b: {  	_ =	swait.ge [sflag:s24], $0x100  }
0x3c: {  	[sflag:s24] =	ssyncset.done $0x0  }
0x3d: {  	[sflag:s24] =	ssyncadd.s32 $0xFFFFFF00  }
0x3e: {  	s25 =	simm.s32 $0xD80;
	[bflag:$0x0] =	sbarrier.arrive $0xFFFF  }
0x3f: {  	[tilespmem:s25], [sflag:$0x1] =	stream.linear.gather [spmem:s5], $0x1000, $0x38;
	[tilespmem:$0x1F00] =	vst v63  }
0x40: {  	_ =	swait.ge [sflag:s24], $0x1000  }
0x41: {  	[sflag:s24] =	ssyncset.done $0x0  }
0x42: {  	[sflag:s24] =	ssyncadd.s32 $0xFFFFF000  }
0x43: {  	v13 =	vld [tilespmem:$0xD80]  }
0x44: {  	v17 =	vld [tilespmem:$0xE00]  }
0x45: {  	v22 =	vld [tilespmem:$0xE80]  }
0x46: {  	v26 =	vld [tilespmem:$0xF00]  }
0x47: {  	v30 =	vld [tilespmem:$0xF80]  }
0x48: {  	v34 =	vld [tilespmem:$0x1000]  }
0x49: {  	v39 =	vld [tilespmem:$0x1080]  }
0x4a: {  	v44 =	vld [tilespmem:$0x1100]  }
0x4b: {  	v52 =	vld [tilespmem:$0x1580]  }
0x4c: {  	v59 =	vld [tilespmem:$0x1600]  }
0x4d: {  	v32 =	vld [tilespmem:$0x1680]  }
0x4e: {  	v33 =	vld [tilespmem:$0x1700]  }
0x4f: {  	v35 =	vld [tilespmem:$0x1780]  }
0x50: {  	v36 =	vld [tilespmem:$0x1800]  }
0x51: {  	v37 =	vld [tilespmem:$0x1880]  }
0x52: {  	v38 =	vld [tilespmem:$0x1900]  }
0x53: {  	v4 =	vld [tilespmem:$0xD90]  }
0x54: {  	v6 =	vld [tilespmem:$0xE10]  }
0x55: {  	v9 =	vld [tilespmem:$0xE90]  }
0x56: {  	v12 =	vld [tilespmem:$0xF10]  }
0x57: {  	v16 =	vld [tilespmem:$0xF90]  }
0x58: {  	v20 =	vld [tilespmem:$0x1010]  }
0x59: {  	v25 =	vld [tilespmem:$0x1090]  }
0x5a: {  	v61 =	vld [tilespmem:$0x1110]  }
0x5b: {  	v58 =	vld [tilespmem:$0x1590]  }
0x5c: {  	v55 =	vld [tilespmem:$0x1610]  }
0x5d: {  	v47 =	vld [tilespmem:$0x1690]  }
0x5e: {  	v49 =	vld [tilespmem:$0x1710]  }
0x5f: {  	v57 =	vld [tilespmem:$0x1790]  }
0x60: {  	v40 =	vld [tilespmem:$0x1810]  }
0x61: {  	v41 =	vld [tilespmem:$0x1890]  }
0x62: {  	v42 =	vld [tilespmem:$0x1910]  }
0x63: {  	v0 =	vld [tilespmem:$0xDA0]  }
0x64: {  	v1 =	vld [tilespmem:$0xE20]  }
0x65: {  	v2 =	vld [tilespmem:$0xEA0]  }
0x66: {  	v3 =	vld [tilespmem:$0xF20]  }
0x67: {  	v5 =	vld [tilespmem:$0xFA0]  }
0x68: {  	v8 =	vld [tilespmem:$0x1020]  }
0x69: {  	v11 =	vld [tilespmem:$0x10A0]  }
0x6a: {  	v14 =	vld [tilespmem:$0x1120]  }
0x6b: {  	v19 =	vld [tilespmem:$0x15A0]  }
0x6c: {  	v23 =	vld [tilespmem:$0x1620]  }
0x6d: {  	v28 =	vld [tilespmem:$0x16A0]  }
0x6e: {  	v46 =	vld [tilespmem:$0x18A0]  }
0x6f: {  	v53 =	vld [tilespmem:$0x1920]  }
0x70: {  	v48 =	vld [tilespmem:$0xDB0]  }
0x71: {  	v54 =	vld [tilespmem:$0xE30]  }
0x72: {  	v43 =	vld [tilespmem:$0xEB0]  }
0x73: {  	v45 =	vld [tilespmem:$0xF30]  }
0x74: {  	v50 =	vld [tilespmem:$0xFB0]  }
0x75: {  	v51 =	vld [tilespmem:$0x1030]  }
0x76: {  	v56 =	vld [tilespmem:$0x10B0]  }
0x77: {  	v60 =	vld [tilespmem:$0x1130]  }
0x78: {  	v62 =	vld [tilespmem:$0x15B0]  }
0x79: {  	v63 =	vld [tilespmem:$0x1630]  }
0x7a: {  	v10 =	vld [tilespmem:$0x16B0]  }
0x7b: {  	v15 =	vld [tilespmem:$0x1730]  }
0x7c: {  	v18 =	vld [tilespmem:$0x17B0]  }
0x7d: {  	v21 =	vld [tilespmem:$0x1830]  }
0x7e: {  	v24 =	vld [tilespmem:$0x18B0]  }
0x7f: {  	v27 =	vld [tilespmem:$0x1930]  }
0x80: {  	v29 =	vld [tilespmem:$0x1040]  }
0x81: {  	v31 =	vld [tilespmem:$0x10C0]  }
0x82: {  	v7 =	vld [tilespmem:$0xDE0]  }
0x83: {  	[tilespmem:$0x1FBF0] =	vst v33;
	v33 =	vld [tilespmem:$0x1720]  }
0x84: {  	[tilespmem:$0x1FC10] =	vst v36;
	v36 =	vld [tilespmem:$0x17A0]  }
0x85: {  	[tilespmem:$0x1FC40] =	vst v41;
	v41 =	vld [tilespmem:$0x1820]  }
0x86: {  	[tilespmem:$0x1FBE0] =	vst v32;
	v32 =	vld [tilespmem:$0xDC0]  }
0x87: {  	[tilespmem:$0x1FC30] =	vst v37;
	v37 =	vld [tilespmem:$0xE40]  }
0x88: {  	[tilespmem:$0x1FC70] =	vst v43;
	v43 =	vld [tilespmem:$0xEC0]  }
0x89: {  	[tilespmem:$0x1FC90] =	vst v50;
	v50 =	vld [tilespmem:$0xF40]  }
0x8a: {  	[tilespmem:$0x1FCE0] =	vst v60;
	v60 =	vld [tilespmem:$0xFC0]  }
0x8b: {  	[tilespmem:$0x1FC00] =	vst v35;
	v35 =	vld [tilespmem:$0x1140]  }
0x8c: {  	[tilespmem:$0x1FC50] =	vst v38;
	v38 =	vld [tilespmem:$0x15C0]  }
0x8d: {  	[tilespmem:$0x1FC20] =	vst v40;
	v40 =	vld [tilespmem:$0x1640]  }
0x8e: {  	[tilespmem:$0x1FC60] =	vst v42;
	v42 =	vld [tilespmem:$0x16C0]  }
0x8f: {  	[tilespmem:$0x1FC80] =	vst v45;
	v45 =	vld [tilespmem:$0x1740]  }
0x90: {  	[tilespmem:$0x1FCA0] =	vst v51;
	v51 =	vld [tilespmem:$0x17C0]  }
0x91: {  	[tilespmem:$0x1FCC0] =	vst v56;
	v56 =	vld [tilespmem:$0x1840]  }
0x92: {  	[tilespmem:$0x1FD00] =	vst v62;
	v62 =	vld [tilespmem:$0x18C0]  }
0x93: {  	[tilespmem:$0x1FD30] =	vst v63;
	v63 =	vld [tilespmem:$0x1940]  }
0x94: {  	[tilespmem:$0x1FDD0] =	vst v18;
	v18 =	vld [tilespmem:$0xDD0]  }
0x95: {  	[tilespmem:$0x1FE50] =	vst v24;
	v24 =	vld [tilespmem:$0xE50]  }
0x96: {  	[tilespmem:$0x1FCB0] =	vst v29;
	v29 =	vld [tilespmem:$0xED0]  }
0x97: {  	[tilespmem:$0x1FD60] =	vst v10;
	v10 =	vld [tilespmem:$0x1150]  }
0x98: {  	[tilespmem:$0x1FD90] =	vst v15;
	v15 =	vld [tilespmem:$0x15D0]  }
0x99: {  	[tilespmem:$0x1FE10] =	vst v21;
	v21 =	vld [tilespmem:$0x1650]  }
0x9a: {  	[tilespmem:$0x1FE90] =	vst v27;
	v27 =	vld [tilespmem:$0x16D0]  }
0x9b: {  	[tilespmem:$0x1FCD0] =	vst v31;
	v31 =	vld [tilespmem:$0x1750];
	v13 =	vadd.f32 $0.0e+00, v13  }
0x9c: {  	[tilespmem:$0x1FEB0] =	vst v63;
	v63 =	vld [tilespmem:$0x16E0]  }
0x9d: {  	v13 =	vadd.f32 v17, v13;
	v17 =	vld [tilespmem:$0x15F0]  }
0x9e: {  	[tilespmem:$0x1FCF0] =	vst v35;
	v35 =	vld [tilespmem:$0xF50]  }
0x9f: {  	[tilespmem:$0x1FD50] =	vst v40;
	v40 =	vld [tilespmem:$0xFD0]  }
0xa0: {  	[tilespmem:$0x1FDB0] =	vst v45;
	v45 =	vld [tilespmem:$0x1050]  }
0xa1: {  	[tilespmem:$0x1FDC0] =	vst v63;
	v63 =	vld [tilespmem:$0x1760]  }
0xa2: {  	[tilespmem:$0x1FE30] =	vst v56;
	v56 =	vld [tilespmem:$0x10D0]  }
0xa3: {  	[tilespmem:$0x1FD20] =	vst v38;
	v38 =	vld [tilespmem:$0x17D0]  }
0xa4: {  	[tilespmem:$0x1FD80] =	vst v42;
	v42 =	vld [tilespmem:$0x1850]  }
0xa5: {  	[tilespmem:$0x1FDF0] =	vst v51;
	v51 =	vld [tilespmem:$0x18D0]  }
0xa6: {  	[tilespmem:$0x1FE00] =	vst v63;
	v63 =	vld [tilespmem:$0x17E0]  }
0xa7: {  	[tilespmem:$0x1FE70] =	vst v62;
	v62 =	vld [tilespmem:$0x1950]  }
0xa8: {  	[tilespmem:$0x1FD10] =	vst v10;
	v10 =	vld [tilespmem:$0xE60]  }
0xa9: {  	[tilespmem:$0x1FD40] =	vst v15;
	v15 =	vld [tilespmem:$0xEE0]  }
0xaa: {  	v4 =	vadd.f32 $0.0e+00, v4;
	[tilespmem:$0x1FD70] =	vst v21;
	v21 =	vld [tilespmem:$0xF60]  }
0xab: {  	v0 =	vadd.f32 $0.0e+00, v0;
	[tilespmem:$0x1FE40] =	vst v63;
	v63 =	vld [tilespmem:$0x1860]  }
0xac: {  	v4 =	vadd.f32 v6, v4;
	v13 =	vadd.f32 v22, v13;
	[tilespmem:$0x1FDA0] =	vst v27;
	v27 =	vld [tilespmem:$0xFE0]  }
0xad: {  	v0 =	vadd.f32 v1, v0;
	[tilespmem:$0x1FDE0] =	vst v31;
	v31 =	vld [tilespmem:$0x1060]  }
0xae: {  	v22 =	vadd.f32 v9, v4;
	v9 =	vadd.f32 v26, v13;
	v13 =	vld [tilespmem:$0x16F0]  }
0xaf: {  	v0 =	vadd.f32 v2, v0;
	v26 =	vld [tilespmem:$0x17F0]  }
0xb0: {  	[tilespmem:$0x1FE80] =	vst v63;
	v63 =	vld [tilespmem:$0x18E0]  }
0xb1: {  	v0 =	vadd.f32 v3, v0;
	v3 =	vld [tilespmem:$0x1280]  }
0xb2: {  	[tilespmem:$0x1FF70] =	vst v17;
	v17 =	vld [tilespmem:$0x1770]  }
0xb3: {  	v1 =	vadd.f32 v12, v22;
	v22 =	vadd.f32 v30, v9;
	v30 =	vld [tilespmem:$0x1870]  }
0xb4: {  	v9 =	vld [tilespmem:$0x1970]  }
0xb5: {  	[tilespmem:$0x1FEC0] =	vst v63;
	v63 =	vld [tilespmem:$0x1960]  }
0xb6: {  	v0 =	vadd.f32 v5, v0;
	v5 =	vld [tilespmem:$0x1380]  }
0xb7: {  	[tilespmem:$0x1FE20] =	vst v38;
	v38 =	vld [tilespmem:$0x10E0]  }
0xb8: {  	[tilespmem:$0x1FE60] =	vst v42;
	v42 =	vld [tilespmem:$0x1160]  }
0xb9: {  	[tilespmem:$0x1FEA0] =	vst v51;
	v51 =	vld [tilespmem:$0x15E0]  }
0xba: {  	[tilespmem:$0x1FEF0] =	vst v63;
	v63 =	vld [tilespmem:$0xDF0]  }
0xbb: {  	[tilespmem:$0x1FED0] =	vst v62;
	v62 =	vld [tilespmem:$0x1660]  }
0xbc: {  	v2 =	vadd.f32 v34, v22;
	v34 =	vld [tilespmem:$0x18F0]  }
0xbd: {  	v12 =	vadd.f32 v8, v0;
	v0 =	vld [tilespmem:$0x1200]  }
0xbe: {  	v22 =	vld [tilespmem:$0x1B80]  }
0xbf: {  	[tilespmem:$0x1FEE0] =	vst v63;
	v63 =	vld [tilespmem:$0xE70]  }
0xc0: {  	v8 =	vld [tilespmem:$0x1C00]  }
0xc1: {  	[tilespmem:$0x1FFB0] =	vst v26;
	v26 =	vld [tilespmem:$0x1A80]  }
0xc2: {  	v4 =	vadd.f32 v11, v12;
	v11 =	vld [tilespmem:$0x1300]  }
0xc3: {  	v7 =	vadd.f32 $0.0e+00, v7;
	[tilespmem:$0x1FFA0] =	vst v17;
	v17 =	vld [tilespmem:$0x1FBE0]  }
0xc4: {  	[tilespmem:$0x1FF00] =	vst v63;
	v63 =	vld [tilespmem:$0xEF0]  }
0xc5: {  	v7 =	vadd.f32 v10, v7;
	v2 =	vadd.f32 v39, v2;
	v39 =	vld [tilespmem:$0x1FC60]  }
0xc6: {  	v12 =	vld [tilespmem:$0x1B10]  }
0xc7: {  	v7 =	vadd.f32 v15, v7;
	v15 =	vld [tilespmem:$0x1FCC0]  }
0xc8: {  	[tilespmem:$0x1FFD0] =	vst v30;
	v30 =	vld [tilespmem:$0x1FC30]  }
0xc9: {  	[tilespmem:$0x1FF10] =	vst v63;
	v63 =	vld [tilespmem:$0xF70]  }
0xca: {  	v2 =	vadd.f32 v44, v2;
	v44 =	vadd.f32 $0.0e+00, v32;
	v32 =	vld [tilespmem:$0x1510]  }
0xcb: {  	v4 =	vadd.f32 v14, v4;
	v14 =	vld [tilespmem:$0x1A90]  }
0xcc: {  	v7 =	vadd.f32 v21, v7;
	v21 =	vld [tilespmem:$0x1FCD0]  }
0xcd: {  	[tilespmem:$0x1FFE0] =	vst v34;
	v34 =	vld [tilespmem:$0x1FC50]  }
0xce: {  	[tilespmem:$0x1FF20] =	vst v63;
	v63 =	vld [tilespmem:$0xFF0]  }
0xcf: {  	[tilespmem:$0x1FFC0] =	vst v22;
	v22 =	vld [tilespmem:$0x1A10]  }
0xd0: {  	v4 =	vadd.f32 v19, v4;
	v19 =	vld [tilespmem:$0x1FBF0]  }
0xd1: {  	v2 =	vadd.f32 v52, v2;
	v52 =	vld [tilespmem:$0x1FC90]  }
0xd2: {  	v7 =	vadd.f32 v27, v7;
	v27 =	vld [tilespmem:$0x1FCF0]  }
0xd3: {  	[tilespmem:$0x1FF30] =	vst v63;
	v63 =	vld [tilespmem:$0x1070]  }
0xd4: {  	v2 =	vadd.f32 v59, v2;
	v4 =	vadd.f32 v23, v4;
	v23 =	vld [tilespmem:$0x1FC10]  }
0xd5: {  	v7 =	vadd.f32 v31, v7;
	v31 =	vld [tilespmem:$0x1FD10]  }
0xd6: {  	v2 =	vadd.f32 v17, v2;
	v4 =	vadd.f32 v28, v4;
	v17 =	vld [tilespmem:$0x1C80]  }
0xd7: {  	v28 =	vld [tilespmem:$0x1FC20]  }
0xd8: {  	v4 =	vadd.f32 v33, v4;
	[tilespmem:$0x1FF40] =	vst v63;
	v63 =	vld [tilespmem:$0x10F0]  }
0xd9: {  	v7 =	vadd.f32 v38, v7;
	v38 =	vld [tilespmem:$0x1FD30]  }
0xda: {  	v2 =	vadd.f32 v19, v2;
	v19 =	vld [tilespmem:$0x1B00];
	v4 =	vadd.f32 v36, v4  }
0xdb: {  	v33 =	vld [tilespmem:$0x1FC40];
	v7 =	vadd.f32 v42, v7  }
0xdc: {  	v4 =	vadd.f32 v41, v4;
	v41 =	vadd.f32 $0.0e+00, v48;
	v48 =	vld [tilespmem:$0x1FC70]  }
0xdd: {  	[tilespmem:$0x1FF50] =	vst v63;
	v63 =	vld [tilespmem:$0x1170]  }
0xde: {  	v42 =	vld [tilespmem:$0x1FD70];
	v7 =	vadd.f32 v51, v7  }
0xdf: {  	v51 =	vld [tilespmem:$0x1FDF0];
	v36 =	vadd.f32 v46, v4;
	v4 =	vadd.f32 v54, v41  }
0xe0: {  	v7 =	vadd.f32 v62, v7;
	v62 =	vld [tilespmem:$0x1FE50]  }
0xe1: {  	v4 =	vadd.f32 v48, v4;
	v48 =	vld [tilespmem:$0x1FDC0]  }
0xe2: {  	[tilespmem:$0x1FF60] =	vst v63;
	v63 =	vld [tilespmem:$0x1670]  }
0xe3: {  	v54 =	vld [tilespmem:$0x1FCA0]  }
0xe4: {  	v46 =	vadd.f32 $0.0e+00, v18;
	v18 =	vld [tilespmem:$0x1C10]  }
0xe5: {  	v1 =	vadd.f32 v16, v1;
	v41 =	vld [tilespmem:$0x1FD60]  }
0xe6: {  	v7 =	vadd.f32 v48, v7;
	v48 =	vld [tilespmem:$0x1FE60]  }
0xe7: {  	[tilespmem:$0x1FF80] =	vst v63;
	v63 =	vadd.f32 v20, v1;
	v1 =	vld [tilespmem:$0x1180]  }
0xe8: {  	v20 =	vld [tilespmem:$0x1FC00]  }
0xe9: {  	[tilespmem:$0x1FF90] =	vst v13;
	v13 =	vadd.f32 v25, v63;
	v25 =	vld [tilespmem:$0x1980]  }
0xea: {  	v63 =	vld [tilespmem:$0x1D00]  }
0xeb: {  	v16 =	vadd.f32 v61, v13;
	v61 =	vld [tilespmem:$0x1400]  }
0xec: {  	v13 =	vld [tilespmem:$0x1190]  }
0xed: {  	v2 =	vadd.f32 v20, v2;
	v20 =	vld [tilespmem:$0x1C90]  }
0xee: {  	v6 =	vadd.f32 v58, v16;
	v58 =	vld [tilespmem:$0x1480]  }
0xef: {  	v16 =	vld [tilespmem:$0x1990];
	v2 =	vadd.f32 v23, v2  }
0xf0: {  	v1 =	vadd.f32 $0.0e+00, v1;
	v6 =	vadd.f32 v55, v6;
	v55 =	vld [tilespmem:$0x1500]  }
0xf1: {  	v2 =	vadd.f32 v30, v2;
	v30 =	vld [tilespmem:$0x1290]  }
0xf2: {  	v0 =	vadd.f32 v0, v1;
	v6 =	vadd.f32 v47, v6;
	v47 =	vld [tilespmem:$0x1A00]  }
0xf3: {  	v59 =	vadd.f32 v34, v2;
	v34 =	vld [tilespmem:$0x1390]  }
0xf4: {  	v0 =	vadd.f32 v3, v0;
	v2 =	vadd.f32 v37, v44;
	v37 =	vld [tilespmem:$0x1490]  }
0xf5: {  	v44 =	vld [tilespmem:$0x1FD90]  }
0xf6: {  	v0 =	vadd.f32 v11, v0;
	v11 =	vld [tilespmem:$0x1AB0]  }
0xf7: {  	v6 =	vadd.f32 v49, v6;
	v49 =	vld [tilespmem:$0x1FC80]  }
0xf8: {  	v2 =	vadd.f32 v43, v2;
	v43 =	vld [tilespmem:$0x1FD80]  }
0xf9: {  	v0 =	vadd.f32 v5, v0;
	v5 =	vld [tilespmem:$0x1C30]  }
0xfa: {  	v6 =	vadd.f32 v57, v6;
	v57 =	vadd.f32 v53, v36;
	v36 =	vld [tilespmem:$0x1410]  }
0xfb: {  	v2 =	vadd.f32 v50, v2;
	v50 =	vld [tilespmem:$0x1FDE0]  }
0xfc: {  	v6 =	vadd.f32 v28, v6;
	v28 =	vld [tilespmem:$0x1210]  }
0xfd: {  	v2 =	vadd.f32 v60, v2;
	v60 =	vld [tilespmem:$0x1FCB0]  }
0xfe: {  	v4 =	vadd.f32 v49, v4;
	v49 =	vld [tilespmem:$0x1FDD0]  }
0xff: {  	v6 =	vadd.f32 v33, v6;
	v33 =	vld [tilespmem:$0x1310]  }
0x100: {  	v4 =	vadd.f32 v52, v4;
	v52 =	vld [tilespmem:$0x1FE00]  }
0x101: {  	v23 =	vadd.f32 v39, v6;
	v6 =	vadd.f32 v24, v46;
	v24 =	vld [tilespmem:$0x1FCE0]  }
0x102: {  	v39 =	vld [tilespmem:$0x1FD40]  }
0x103: {  	v13 =	vadd.f32 $0.0e+00, v13;
	v46 =	vld [tilespmem:$0x1FDB0]  }
0x104: {  	v4 =	vadd.f32 v54, v4;
	v54 =	vld [tilespmem:$0x1FE20]  }
0x105: {  	v13 =	vadd.f32 v28, v13;
	v28 =	vld [tilespmem:$0x1530]  }
0x106: {  	v6 =	vadd.f32 v29, v6;
	v29 =	vld [tilespmem:$0x1FD00]  }
0x107: {  	v2 =	vadd.f32 v60, v2;
	v60 =	vld [tilespmem:$0x1FE40]  }
0x108: {  	v4 =	vadd.f32 v15, v4;
	v15 =	vld [tilespmem:$0x1D10]  }
0x109: {  	v30 =	vadd.f32 v30, v13;
	v13 =	vld [tilespmem:$0x1A30]  }
0x10a: {  	v53 =	vadd.f32 v35, v6;
	v6 =	vld [tilespmem:$0x1B90]  }
0x10b: {  	v2 =	vadd.f32 v21, v2;
	v21 =	vld [tilespmem:$0x11A0]  }
0x10c: {  	v35 =	vld [tilespmem:$0x1FD20]  }
0x10d: {  	v7 =	vadd.f32 v52, v7;
	v52 =	vld [tilespmem:$0x1FEA0]  }
0x10e: {  	v4 =	vadd.f32 v24, v4;
	v24 =	vld [tilespmem:$0x1220]  }
0x10f: {  	v30 =	vadd.f32 v33, v30;
	v33 =	vadd.f32 v61, v0;
	v0 =	vld [tilespmem:$0x1D30]  }
0x110: {  	v61 =	vld [tilespmem:$0x1FF80]  }
0x111: {  	v2 =	vadd.f32 v27, v2;
	v27 =	vld [tilespmem:$0x12A0]  }
0x112: {  	[tilespmem:$0x1FFF0] =	vst v9;
	v9 =	vadd.f32 v40, v53;
	v40 =	vld [tilespmem:$0x1FD50]  }
0x113: {  	v53 =	vld [tilespmem:$0x1FE10]  }
0x114: {  	v4 =	vadd.f32 v29, v4;
	v29 =	vld [tilespmem:$0x1320]  }
0x115: {  	v7 =	vadd.f32 v60, v7;
	v60 =	vld [tilespmem:$0x1FEE0]  }
0x116: {  	v9 =	vadd.f32 v45, v9;
	v45 =	vld [tilespmem:$0x1FDA0]  }
0x117: {  	v2 =	vadd.f32 v35, v2;
	v35 =	vld [tilespmem:$0x1420]  }
0x118: {  	v4 =	vadd.f32 v38, v4;
	v38 =	vld [tilespmem:$0x14A0]  }
0x119: {  	v9 =	vadd.f32 v56, v9;
	v56 =	vld [tilespmem:$0x1FE30]  }
0x11a: {  	v2 =	vadd.f32 v40, v2;
	v40 =	vld [tilespmem:$0x19A0]  }
0x11b: {  	v4 =	vadd.f32 v41, v4;
	v41 =	vld [tilespmem:$0x1A20];
	v9 =	vadd.f32 v31, v9  }
0x11c: {  	v31 =	vld [tilespmem:$0x13A0]  }
0x11d: {  	v2 =	vadd.f32 v43, v2;
	v43 =	vld [tilespmem:$0x1B20];
	v9 =	vadd.f32 v39, v9  }
0x11e: {  	v4 =	vadd.f32 v44, v4;
	v44 =	vld [tilespmem:$0x1BA0]  }
0x11f: {  	v39 =	vld [tilespmem:$0x1520];
	v9 =	vadd.f32 v42, v9  }
0x120: {  	v2 =	vadd.f32 v46, v2;
	v46 =	vld [tilespmem:$0x1CA0]  }
0x121: {  	v4 =	vadd.f32 v49, v4;
	v49 =	vld [tilespmem:$0x1FE70];
	v9 =	vadd.f32 v45, v9  }
0x122: {  	v42 =	vld [tilespmem:$0x1AA0]  }
0x123: {  	v2 =	vadd.f32 v51, v2;
	v51 =	vld [tilespmem:$0x1FE90];
	v9 =	vadd.f32 v50, v9  }
0x124: {  	v4 =	vadd.f32 v53, v4;
	v53 =	vld [tilespmem:$0x1FEB0]  }
0x125: {  	v45 =	vld [tilespmem:$0x1C20];
	v9 =	vadd.f32 v54, v9  }
0x126: {  	v2 =	vadd.f32 v56, v2;
	v56 =	vld [tilespmem:$0x1FED0]  }
0x127: {  	v4 =	vadd.f32 v62, v4;
	v50 =	vld [tilespmem:$0x1FE80];
	v9 =	vadd.f32 v48, v9  }
0x128: {  	v62 =	vadd.f32 $0.0e+00, v60;
	v60 =	vld [tilespmem:$0x1FF00]  }
0x129: {  	v10 =	vadd.f32 v51, v4;
	v54 =	vld [tilespmem:$0x1FEC0];
	v4 =	vadd.f32 v52, v9  }
0x12a: {  	v2 =	vadd.f32 v49, v2;
	v49 =	vld [tilespmem:$0x11B0]  }
0x12b: {  	v4 =	vadd.f32 v56, v4;
	v56 =	vld [tilespmem:$0x1FEF0]  }
0x12c: {  	v51 =	vld [tilespmem:$0x12B0];
	v7 =	vadd.f32 v50, v7  }
0x12d: {  	v2 =	vadd.f32 v53, v2;
	v53 =	vld [tilespmem:$0x1330]  }
0x12e: {  	v48 =	vld [tilespmem:$0x1D20];
	v7 =	vadd.f32 v54, v7  }
0x12f: {  	v50 =	vld [tilespmem:$0x1230]  }
0x130: {  	v52 =	vld [tilespmem:$0x1430];
	v9 =	vadd.f32 v56, v7  }
0x131: {  	v7 =	vadd.f32 v60, v62;
	v62 =	vadd.f32 $0.0e+00, v21;
	v60 =	vld [tilespmem:$0x1FF10]  }
0x132: {  	v54 =	vld [tilespmem:$0x13B0]  }
0x133: {  	v1 =	vadd.f32 v24, v62;
	v62 =	vld [tilespmem:$0x1FF20]  }
0x134: {  	v21 =	vld [tilespmem:$0x14B0]  }
0x135: {  	v56 =	vld [tilespmem:$0x1FF30]  }
0x136: {  	v24 =	vld [tilespmem:$0x19B0];
	v7 =	vadd.f32 v60, v7  }
0x137: {  	v60 =	vld [tilespmem:$0x1FF40]  }
0x138: {  	v1 =	vadd.f32 v27, v1;
	v3 =	vadd.f32 v62, v7;
	v7 =	vld [tilespmem:$0x1B30]  }
0x139: {  	v62 =	vadd.f32 v34, v30;
	v34 =	vld [tilespmem:$0x1FF50]  }
0x13a: {  	v1 =	vadd.f32 v29, v1;
	v30 =	vadd.f32 v58, v33;
	v33 =	vld [tilespmem:$0x11C0]  }
0x13b: {  	v58 =	vld [tilespmem:$0x1FF70]  }
0x13c: {  	v31 =	vadd.f32 v31, v1;
	v1 =	vld [tilespmem:$0x1CB0]  }
0x13d: {  	v27 =	vadd.f32 v56, v3;
	v3 =	vld [tilespmem:$0x1BB0]  }
0x13e: {  	v56 =	vld [tilespmem:$0x1FF60]  }
0x13f: {  	v29 =	vadd.f32 v36, v62;
	v36 =	vld [tilespmem:$0x14C0]  }
0x140: {  	v62 =	vld [tilespmem:$0x1FF90]  }
0x141: {  	v30 =	vadd.f32 v55, v30;
	v55 =	vld [tilespmem:$0x1FFC0]  }
0x142: {  	v31 =	vadd.f32 v35, v31;
	v35 =	vld [tilespmem:$0x12C0]  }
0x143: {  	v27 =	vadd.f32 v60, v27;
	v29 =	vadd.f32 v37, v29;
	v37 =	vld [tilespmem:$0x1BC0]  }
0x144: {  	v31 =	vadd.f32 v38, v31;
	v38 =	vld [tilespmem:$0x14D0]  }
0x145: {  	v25 =	vadd.f32 v25, v30;
	v27 =	vadd.f32 v34, v27;
	v34 =	vld [tilespmem:$0x1240]  }
0x146: {  	v29 =	vadd.f32 v32, v29;
	v32 =	vld [tilespmem:$0x1340]  }
0x147: {  	v25 =	vadd.f32 v47, v25;
	v47 =	vld [tilespmem:$0x1FFB0]  }
0x148: {  	v60 =	vadd.f32 v39, v31;
	v31 =	vld [tilespmem:$0x13C0]  }
0x149: {  	v16 =	vadd.f32 v16, v29;
	v29 =	vld [tilespmem:$0x1440]  }
0x14a: {  	v27 =	vadd.f32 v56, v27;
	v25 =	vadd.f32 v26, v25;
	v26 =	vld [tilespmem:$0x1AC0]  }
0x14b: {  	v33 =	vadd.f32 $0.0e+00, v33;
	v56 =	vld [tilespmem:$0x1FFD0];
	v30 =	vadd.f32 v40, v60  }
0x14c: {  	v60 =	vld [tilespmem:$0x1FFE0];
	v27 =	vadd.f32 v58, v27;
	v16 =	vadd.f32 v22, v16  }
0x14d: {  	v22 =	vld [tilespmem:$0x1540];
	v19 =	vadd.f32 v19, v25;
	v40 =	vadd.f32 v41, v30  }
0x14e: {  	v41 =	vld [tilespmem:$0x1FFA0];
	v33 =	vadd.f32 v34, v33;
	v27 =	vadd.f32 v61, v27  }
0x14f: {  	v30 =	vld [tilespmem:$0x19C0];
	v14 =	vadd.f32 v14, v16;
	v19 =	vadd.f32 v55, v19  }
0x150: {  	v16 =	vld [tilespmem:$0x1A40];
	v42 =	vadd.f32 v42, v40;
	v33 =	vadd.f32 v35, v33  }
0x151: {  	v55 =	vld [tilespmem:$0x12E0];
	v27 =	vadd.f32 v62, v27;
	v12 =	vadd.f32 v12, v14  }
0x152: {  	v40 =	vld [tilespmem:$0x14E0];
	v8 =	vadd.f32 v8, v19;
	v25 =	vadd.f32 v43, v42  }
0x153: {  	v62 =	vld [tilespmem:$0x11D0];
	v32 =	vadd.f32 v32, v33;
	v27 =	vadd.f32 v41, v27  }
0x154: {  	v14 =	vld [tilespmem:$0x1B40];
	v6 =	vadd.f32 v6, v12;
	v8 =	vadd.f32 v17, v8  }
0x155: {  	v43 =	vld [tilespmem:$0x1FFF0];
	v58 =	vadd.f32 v44, v25;
	v31 =	vadd.f32 v31, v32  }
0x156: {  	v44 =	vld [tilespmem:$0x11E0];
	v27 =	vadd.f32 v47, v27;
	v6 =	vadd.f32 v18, v6  }
0x157: {  	v8 =	vadd.f32 v63, v8;
	v61 =	vadd.f32 v45, v58;
	v45 =	vld [tilespmem:$0x1250]  }
0x158: {  	v47 =	vld [tilespmem:$0x1260];
	v19 =	vadd.f32 $0.0e+00, v62;
	v6 =	vadd.f32 v20, v6  }
0x159: {  	v17 =	vadd.f32 v46, v61;
	v46 =	vadd.f32 $0.0e+00, v49;
	v49 =	vld [tilespmem:$0x12D0]  }
0x15a: {  	v42 =	vld [tilespmem:$0x1560];
	v27 =	vadd.f32 v56, v27;
	v6 =	vadd.f32 v15, v6  }
0x15b: {  	v56 =	vld [tilespmem:$0x1350];
	v20 =	vadd.f32 $0.0e+00, v44;
	v15 =	vadd.f32 v50, v46  }
0x15c: {  	v58 =	vld [tilespmem:$0x1360];
	v27 =	vadd.f32 v60, v27;
	v19 =	vadd.f32 v45, v19  }
0x15d: {  	v60 =	vld [tilespmem:$0x13D0];
	v20 =	vadd.f32 v47, v20;
	v15 =	vadd.f32 v51, v15  }
0x15e: {  	v29 =	vadd.f32 v29, v31;
	v61 =	vld [tilespmem:$0x13E0];
	v19 =	vadd.f32 v49, v19  }
0x15f: {  	v62 =	vld [tilespmem:$0x1450];
	v20 =	vadd.f32 v55, v20;
	v15 =	vadd.f32 v53, v15  }
0x160: {  	v63 =	vld [tilespmem:$0x1460];
	v29 =	vadd.f32 v36, v29;
	v19 =	vadd.f32 v56, v19  }
0x161: {  	v12 =	vld [tilespmem:$0x1C40];
	v20 =	vadd.f32 v58, v20;
	v15 =	vadd.f32 v54, v15  }
0x162: {  	v41 =	vld [tilespmem:$0x1550];
	v17 =	vadd.f32 v48, v17;
	v19 =	vadd.f32 v60, v19  }
0x163: {  	v25 =	vld [tilespmem:$0x1CC0];
	v20 =	vadd.f32 v61, v20;
	v15 =	vadd.f32 v52, v15  }
0x164: {  	v18 =	vld [tilespmem:$0x1D40];
	v27 =	vadd.f32 v43, v27;
	v19 =	vadd.f32 v62, v19  }
0x165: {  	v43 =	vld [tilespmem:$0x19D0];
	v20 =	vadd.f32 v63, v20;
	v15 =	vadd.f32 v21, v15  }
0x166: {  	v44 =	vld [tilespmem:$0x19E0];
	v22 =	vadd.f32 v22, v29;
	v19 =	vadd.f32 v38, v19  }
0x167: {  	v45 =	vld [tilespmem:$0x1A50];
	v20 =	vadd.f32 v40, v20;
	v15 =	vadd.f32 v28, v15  }
0x168: {  	v46 =	vld [tilespmem:$0x1A60];
	v22 =	vadd.f32 v30, v22;
	v19 =	vadd.f32 v41, v19  }
0x169: {  	v47 =	vld [tilespmem:$0x1AD0];
	v20 =	vadd.f32 v42, v20;
	v15 =	vadd.f32 v24, v15  }
0x16a: {  	v49 =	vld [tilespmem:$0x1AE0];
	v16 =	vadd.f32 v16, v22;
	v48 =	vadd.f32 v43, v19  }
0x16b: {  	v50 =	vld [tilespmem:$0x1B50];
	v20 =	vadd.f32 v44, v20;
	v13 =	vadd.f32 v13, v15  }
0x16c: {  	v16 =	vadd.f32 v26, v16;
	v52 =	vld [tilespmem:$0x1B60];
	v51 =	vadd.f32 v45, v48  }
0x16d: {  	[tilespmem:$0xC80] =	vst v59;
	v53 =	vld [tilespmem:$0x1BD0];
	v20 =	vadd.f32 v46, v20;
	v11 =	vadd.f32 v11, v13  }
0x16e: {  	[tilespmem:$0xCA0] =	vst v57;
	v55 =	vld [tilespmem:$0x1BE0];
	v14 =	vadd.f32 v14, v16;
	v54 =	vadd.f32 v47, v51  }
0x16f: {  	[tilespmem:$0xC90] =	vst v23;
	v56 =	vld [tilespmem:$0x1C50];
	v19 =	vadd.f32 v49, v20;
	v7 =	vadd.f32 v7, v11  }
0x170: {  	[tilespmem:$0xCB0] =	vst v10;
	v58 =	vld [tilespmem:$0x1C60];
	v59 =	vadd.f32 v37, v14;
	v57 =	vadd.f32 v50, v54  }
0x171: {  	[tilespmem:$0xCC0] =	vst v2;
	v60 =	vld [tilespmem:$0x1CD0];
	v61 =	vadd.f32 v52, v19;
	v3 =	vadd.f32 v3, v7  }
0x172: {  	[tilespmem:$0xCD0] =	vst v4;
	v63 =	vld [tilespmem:$0x1CE0];
	v2 =	vadd.f32 v12, v59;
	v62 =	vadd.f32 v53, v57  }
0x173: {  	[tilespmem:$0xCE0] =	vst v9;
	v15 =	vld [tilespmem:$0x1D50];
	v19 =	vadd.f32 v55, v61;
	v3 =	vadd.f32 v5, v3  }
0x174: {  	[tilespmem:$0xD00] =	vst v8;
	v21 =	vld [tilespmem:$0x1D60];
	v2 =	vadd.f32 v25, v2;
	v20 =	vadd.f32 v56, v62  }
0x175: {  	[tilespmem:$0xD10] =	vst v6;
	v22 =	vadd.f32 v58, v19;
	v1 =	vadd.f32 v1, v3  }
0x176: {  	[tilespmem:$0xD20] =	vst v17;
	v2 =	vadd.f32 v18, v2;
	v23 =	vadd.f32 v60, v20  }
0x177: {  	[tilespmem:$0xCF0] =	vst v27;
	v24 =	vadd.f32 v63, v22;
	v0 =	vadd.f32 v0, v1  }
0x178: {  	[tilespmem:$0xD40] =	vst v2;
	v25 =	vadd.f32 v15, v23  }
0x179: {  	v26 =	vadd.f32 v21, v24;
	[tilespmem:$0xD30] =	vst v0  }
0x17a: {  	[tilespmem:$0xD50] =	vst v25  }
0x17b: {  	s26 =	simm.s32 $0x0;
	s28 =	simm.s32 $0xC00;
	[tilespmem:$0xD60] =	vst v26  }
0x17c: {  	[tilespmem:s28], [sflag:$0x1] =	stream.linear.gather [hbm4b:s3+s26], $0x80, $0x38;
	[tilespmem:$0x1F00] =	vst v63  }
0x17d: {  	_ =	swait.ge [sflag:s24], $0x80  }
0x17e: {  	[sflag:s24] =	ssyncset.done $0x0  }
0x17f: {  	[sflag:s24] =	ssyncadd.s32 $0xFFFFFF80  }
0x180: {  	v27 =	vld [tilespmem:$0xC80];
	_ =	sdelay $0x4  }
0x181: {  	(v2sf) =	vpush v27, $0x0  }
0x182: {  	(v2sf) =	vpush v27, $0x1  }
0x183: {  	(v2sf) =	vpush v27, $0x2  }
0x184: {  	(v2sf) =	vpush v27, $0x3;
	_ =	sdelay $0x1  }
0x185: {  	(v2sf) =	vpush v27, $0x4  }
0x186: {  	(v2sf) =	vpush v27, $0x5;
	_ =	sdelay $0x8  }
0x187: {  	s29 =	spop (v2sf)  }
0x188: {  	s30 =	spop (v2sf);
	(v2sf) =	vpush v27, $0x6  }
0x189: {  	s31 =	spop (v2sf);
	(v2sf) =	vpush v27, $0x7  }
0x18a: {  	s2 =	spop (v2sf);
	(v2sf) =	vpush v27, $0x8;
	_ =	sdelay $0x1  }
0x18b: {  	s3 =	spop (v2sf);
	(v2sf) =	vpush v27, $0x9  }
0x18c: {  	s7 =	spop (v2sf);
	(v2sf) =	vpush v27, $0xA  }
0x18d: {  	v36 =	vld [tilespmem:$0xC90];
	(v2sf) =	vpush v27, $0xB  }
0x18e: {  	(v2sf) =	vpush v27, $0xC  }
0x18f: {  	(v2sf) =	vpush v27, $0xD  }
0x190: {  	(v2sf) =	vpush v27, $0xE  }
0x191: {  	(v2sf) =	vpush v27, $0xF  }
0x192: {  	v28 =	vld [tilespmem:$0xC00];
	s0 =	sadd.f32 s30, s29;
	(v2sf) =	vpush v36, $0x0  }
0x193: {  	v29 =	vld [tilespmem:$0xC10];
	(v2sf) =	vpush v36, $0x1  }
0x194: {  	v30 =	vld [tilespmem:$0xC20];
	s0 =	sadd.f32 s0, s31;
	(v2sf) =	vpush v36, $0x2  }
0x195: {  	v31 =	vld [tilespmem:$0xC30];
	(v2sf) =	vpush v36, $0x3  }
0x196: {  	v32 =	vld [tilespmem:$0xC40];
	s0 =	sadd.f32 s0, s2;
	(v2sf) =	vpush v36, $0x4;
	s8 =	spop (v2sf)  }
0x197: {  	v33 =	vld [tilespmem:$0xC50];
	(v2sf) =	vpush v36, $0x5;
	s10 =	spop (v2sf)  }
0x198: {  	v34 =	vld [tilespmem:$0xC60];
	s0 =	sadd.f32 s0, s3;
	(v2sf) =	vpush v36, $0x6;
	s23 =	spop (v2sf)  }
0x199: {  	v35 =	vld [tilespmem:$0xC70];
	(v2sf) =	vpush v36, $0x7  }
0x19a: {  	s0 =	sadd.f32 s0, s7;
	s24 =	spop (v2sf);
	(v2sf) =	vpush v36, $0x8  }
0x19b: {  	s25 =	spop (v2sf);
	(v2sf) =	vpush v36, $0x9  }
0x19c: {  	s0 =	sadd.f32 s0, s8;
	s26 =	spop (v2sf);
	(v2sf) =	vpush v36, $0xA  }
0x19d: {  	v37 =	vld [tilespmem:$0xCA0];
	s22 =	spop (v2sf);
	(v2sf) =	vpush v36, $0xB  }
0x19e: {  	s0 =	sadd.f32 s0, s10;
	s21 =	spop (v2sf);
	(v2sf) =	vpush v36, $0xC  }
0x19f: {  	s20 =	spop (v2sf);
	(v2sf) =	vpush v36, $0xD  }
0x1a0: {  	s0 =	sadd.f32 s0, s23;
	s28 =	spop (v2sf);
	(v2sf) =	vpush v36, $0xE  }
0x1a1: {  	s18 =	spop (v2sf);
	(v2sf) =	vpush v36, $0xF  }
0x1a2: {  	s0 =	sadd.f32 s0, s24;
	s19 =	spop (v2sf);
	(v2sf) =	vpush v37, $0x0  }
0x1a3: {  	s17 =	spop (v2sf);
	(v2sf) =	vpush v37, $0x1  }
0x1a4: {  	s0 =	sadd.f32 s0, s25;
	s16 =	spop (v2sf);
	(v2sf) =	vpush v37, $0x2  }
0x1a5: {  	s15 =	spop (v2sf);
	(v2sf) =	vpush v37, $0x3  }
0x1a6: {  	s0 =	sadd.f32 s0, s26;
	s14 =	spop (v2sf);
	(v2sf) =	vpush v37, $0x4  }
0x1a7: {  	s12 =	spop (v2sf);
	(v2sf) =	vpush v37, $0x5  }
0x1a8: {  	s0 =	sadd.f32 s0, s22;
	s11 =	spop (v2sf);
	(v2sf) =	vpush v37, $0x6  }
0x1a9: {  	s18 =	sadd.f32 s19, s18;
	s9 =	spop (v2sf);
	(v2sf) =	vpush v37, $0x7  }
0x1aa: {  	s0 =	sadd.f32 s0, s21;
	s13 =	spop (v2sf);
	(v2sf) =	vpush v37, $0x8  }
0x1ab: {  	s17 =	sadd.f32 s18, s17;
	s8 =	spop (v2sf);
	(v2sf) =	vpush v37, $0x9  }
0x1ac: {  	s0 =	sadd.f32 s0, s20;
	s5 =	spop (v2sf);
	(v2sf) =	vpush v37, $0xA  }
0x1ad: {  	v38 =	vld [tilespmem:$0xCB0];
	s16 =	sadd.f32 s17, s16;
	s10 =	spop (v2sf);
	(v2sf) =	vpush v37, $0xB  }
0x1ae: {  	s0 =	sadd.f32 s0, s28;
	s6 =	spop (v2sf);
	(v2sf) =	vpush v37, $0xC  }
0x1af: {  	s15 =	sadd.f32 s16, s15;
	s7 =	spop (v2sf);
	(v2sf) =	vpush v37, $0xD  }
0x1b0: {  	[dreg:$0x4] =	wrdreg s0;
	(v2sf) =	vpush v37, $0xE;
	s23 =	spop (v2sf)  }
0x1b1: {  	s14 =	sadd.f32 s15, s14;
	(v2sf) =	vpush v37, $0xF;
	s24 =	spop (v2sf)  }
0x1b2: {  	[dreg:$0xd] =	wrdreg s5;
	(v2sf) =	vpush v38, $0x0;
	s2 =	spop (v2sf)  }
0x1b3: {  	[dreg:$0xc] =	wrdreg s6;
	(v2sf) =	vpush v38, $0x1;
	s6 =	spop (v2sf)  }
0x1b4: {  	[dreg:$0xa] =	wrdreg s7;
	(v2sf) =	vpush v38, $0x2;
	s7 =	spop (v2sf)  }
0x1b5: {  	s1 =	sadd.f32 s2, s24;
	(v2sf) =	vpush v38, $0x3;
	s25 =	spop (v2sf)  }
0x1b6: {  	s12 =	sadd.f32 s14, s12;
	(v2sf) =	vpush v38, $0x4;
	s26 =	spop (v2sf)  }
0x1b7: {  	s19 =	sadd.f32 s1, s6;
	(v2sf) =	vpush v38, $0x5;
	s22 =	spop (v2sf)  }
0x1b8: {  	s11 =	sadd.f32 s12, s11;
	(v2sf) =	vpush v38, $0x6;
	s3 =	spop (v2sf)  }
0x1b9: {  	s20 =	sadd.f32 s19, s7;
	(v2sf) =	vpush v38, $0x7;
	s4 =	spop (v2sf)  }
0x1ba: {  	[dreg:$0x8] =	wrdreg s23;
	(v2sf) =	vpush v38, $0x8;
	s5 =	spop (v2sf)  }
0x1bb: {  	s25 =	sadd.f32 s20, s25;
	(v2sf) =	vpush v38, $0x9;
	s31 =	spop (v2sf)  }
0x1bc: {  	s9 =	sadd.f32 s11, s9;
	(v2sf) =	vpush v38, $0xA;
	s30 =	spop (v2sf)  }
0x1bd: {  	v39 =	vld [tilespmem:$0xCC0];
	s26 =	sadd.f32 s25, s26;
	(v2sf) =	vpush v38, $0xB;
	s29 =	spop (v2sf)  }
0x1be: {  	s2 =	sadd.f32 s9, s13;
	(v2sf) =	vpush v38, $0xC;
	s28 =	spop (v2sf)  }
0x1bf: {  	s1 =	sadd.f32 s26, s22;
	(v2sf) =	vpush v38, $0xD;
	s0 =	spop (v2sf)  }
0x1c0: {  	s25 =	rddreg [dreg:$0xd];
	(v2sf) =	vpush v38, $0xE;
	s23 =	spop (v2sf)  }
0x1c1: {  	s3 =	sadd.f32 s1, s3;
	(v2sf) =	vpush v38, $0xF;
	s24 =	spop (v2sf)  }
0x1c2: {  	s26 =	rddreg [dreg:$0xc];
	(v2sf) =	vpush v39, $0x0;
	s6 =	spop (v2sf)  }
0x1c3: {  	s3 =	sadd.f32 s3, s4;
	(v2sf) =	vpush v39, $0x1;
	s7 =	spop (v2sf)  }
0x1c4: {  	s4 =	sadd.f32 s2, s8;
	(v2sf) =	vpush v39, $0x2;
	s21 =	spop (v2sf)  }
0x1c5: {  	s3 =	sadd.f32 s3, s5;
	(v2sf) =	vpush v39, $0x3;
	s20 =	spop (v2sf)  }
0x1c6: {  	s4 =	sadd.f32 s4, s25;
	(v2sf) =	vpush v39, $0x4;
	s19 =	spop (v2sf)  }
0x1c7: {  	s3 =	sadd.f32 s3, s31;
	(v2sf) =	vpush v39, $0x5;
	s18 =	spop (v2sf)  }
0x1c8: {  	s4 =	sadd.f32 s4, s10;
	(v2sf) =	vpush v39, $0x6;
	s17 =	spop (v2sf)  }
0x1c9: {  	s31 =	sadd.f32 s6, s24;
	(v2sf) =	vpush v39, $0x7;
	s16 =	spop (v2sf)  }
0x1ca: {  	s3 =	sadd.f32 s3, s30;
	(v2sf) =	vpush v39, $0x8;
	s15 =	spop (v2sf)  }
0x1cb: {  	s4 =	sadd.f32 s4, s26;
	(v2sf) =	vpush v39, $0x9;
	s14 =	spop (v2sf)  }
0x1cc: {  	s30 =	rddreg [dreg:$0x8];
	(v2sf) =	vpush v39, $0xA;
	s12 =	spop (v2sf)  }
0x1cd: {  	v40 =	vld [tilespmem:$0xCD0];
	s3 =	sadd.f32 s3, s29;
	(v2sf) =	vpush v39, $0xB;
	s11 =	spop (v2sf)  }
0x1ce: {  	s29 =	rddreg [dreg:$0xa];
	(v2sf) =	vpush v39, $0xC;
	s9 =	spop (v2sf)  }
0x1cf: {  	s4 =	sadd.f32 s4, s29;
	(v2sf) =	vpush v39, $0xD;
	s13 =	spop (v2sf)  }
0x1d0: {  	s3 =	sadd.f32 s3, s28;
	(v2sf) =	vpush v39, $0xE;
	s22 =	spop (v2sf)  }
0x1d1: {  	[dreg:$0x9] =	wrdreg s22;
	(v2sf) =	vpush v39, $0xF;
	s22 =	spop (v2sf)  }
0x1d2: {  	[dreg:$0xb] =	wrdreg s13;
	(v2sf) =	vpush v40, $0x0;
	s13 =	spop (v2sf)  }
0x1d3: {  	s2 =	sadd.f32 s4, s30;
	(v2sf) =	vpush v40, $0x1;
	s25 =	spop (v2sf)  }
0x1d4: {  	s0 =	sadd.f32 s3, s0;
	(v2sf) =	vpush v40, $0x2;
	s10 =	spop (v2sf)  }
0x1d5: {  	s3 =	sadd.f32 s31, s7;
	(v2sf) =	vpush v40, $0x3;
	s5 =	spop (v2sf)  }
0x1d6: {  	[dreg:$0x5] =	wrdreg s2;
	(v2sf) =	vpush v40, $0x4;
	s8 =	spop (v2sf)  }
0x1d7: {  	s0 =	sadd.f32 s0, s23;
	(v2sf) =	vpush v40, $0x5;
	s26 =	spop (v2sf)  }
0x1d8: {  	s21 =	sadd.f32 s3, s21;
	(v2sf) =	vpush v40, $0x6;
	s28 =	spop (v2sf)  }
0x1d9: {  	s13 =	sadd.f32 s13, s22;
	(v2sf) =	vpush v40, $0x7;
	s1 =	spop (v2sf)  }
0x1da: {  	[dreg:$0x6] =	wrdreg s0;
	(v2sf) =	vpush v40, $0x8;
	s2 =	spop (v2sf)  }
0x1db: {  	s13 =	sadd.f32 s13, s25;
	(v2sf) =	vpush v40, $0x9;
	s29 =	spop (v2sf)  }
0x1dc: {  	s4 =	sadd.f32 s21, s20;
	(v2sf) =	vpush v40, $0xA;
	s6 =	spop (v2sf)  }
0x1dd: {  	v41 =	vld [tilespmem:$0xCE0];
	s10 =	sadd.f32 s13, s10;
	(v2sf) =	vpush v40, $0xB;
	s0 =	spop (v2sf)  }
0x1de: {  	s13 =	sadd.f32 s4, s19;
	(v2sf) =	vpush v40, $0xC;
	s31 =	spop (v2sf)  }
0x1df: {  	s10 =	sadd.f32 s10, s5;
	(v2sf) =	vpush v40, $0xD;
	s7 =	spop (v2sf)  }
0x1e0: {  	s20 =	sadd.f32 s13, s18;
	(v2sf) =	vpush v40, $0xE;
	s25 =	spop (v2sf)  }
0x1e1: {  	s8 =	sadd.f32 s10, s8;
	(v2sf) =	vpush v40, $0xF;
	s3 =	spop (v2sf)  }
0x1e2: {  	s10 =	sadd.f32 s20, s17;
	(v2sf) =	vpush v41, $0x0;
	s30 =	spop (v2sf)  }
0x1e3: {  	s8 =	sadd.f32 s8, s26;
	(v2sf) =	vpush v41, $0x1;
	s5 =	spop (v2sf)  }
0x1e4: {  	s10 =	sadd.f32 s10, s16;
	(v2sf) =	vpush v41, $0x2;
	s24 =	spop (v2sf)  }
0x1e5: {  	s8 =	sadd.f32 s8, s28;
	(v2sf) =	vpush v41, $0x3;
	s23 =	spop (v2sf)  }
0x1e6: {  	s26 =	sadd.f32 s10, s15;
	(v2sf) =	vpush v41, $0x4;
	s22 =	spop (v2sf)  }
0x1e7: {  	s1 =	sadd.f32 s8, s1;
	(v2sf) =	vpush v41, $0x5;
	s21 =	spop (v2sf)  }
0x1e8: {  	s28 =	sadd.f32 s26, s14;
	(v2sf) =	vpush v41, $0x6;
	s20 =	spop (v2sf)  }
0x1e9: {  	s1 =	sadd.f32 s1, s2;
	(v2sf) =	vpush v41, $0x7;
	s19 =	spop (v2sf)  }
0x1ea: {  	s2 =	sadd.f32 s28, s12;
	(v2sf) =	vpush v41, $0x8;
	s18 =	spop (v2sf)  }
0x1eb: {  	s28 =	rddreg [dreg:$0x9];
	(v2sf) =	vpush v41, $0x9;
	s17 =	spop (v2sf)  }
0x1ec: {  	s1 =	sadd.f32 s1, s29;
	(v2sf) =	vpush v41, $0xA;
	s16 =	spop (v2sf)  }
0x1ed: {  	v42 =	vld [tilespmem:$0xCF0];
	s2 =	sadd.f32 s2, s11;
	(v2sf) =	vpush v41, $0xB;
	s15 =	spop (v2sf)  }
0x1ee: {  	s1 =	sadd.f32 s1, s6;
	(v2sf) =	vpush v41, $0xC;
	s13 =	spop (v2sf)  }
0x1ef: {  	s29 =	sadd.f32 s30, s3;
	(v2sf) =	vpush v41, $0xD;
	s10 =	spop (v2sf)  }
0x1f0: {  	s0 =	sadd.f32 s1, s0;
	(v2sf) =	vpush v41, $0xE;
	s8 =	spop (v2sf)  }
0x1f1: {  	s2 =	sadd.f32 s2, s9;
	(v2sf) =	vpush v41, $0xF;
	s12 =	spop (v2sf)  }
0x1f2: {  	s0 =	sadd.f32 s0, s31;
	(v2sf) =	vpush v42, $0x0;
	s11 =	spop (v2sf)  }
0x1f3: {  	s31 =	rddreg [dreg:$0xb];
	(v2sf) =	vpush v42, $0x1;
	s1 =	spop (v2sf)  }
0x1f4: {  	s0 =	sadd.f32 s0, s7;
	(v2sf) =	vpush v42, $0x2;
	s9 =	spop (v2sf)  }
0x1f5: {  	s2 =	sadd.f32 s2, s31;
	(v2sf) =	vpush v42, $0x3;
	s14 =	spop (v2sf)  }
0x1f6: {  	s0 =	sadd.f32 s0, s25;
	(v2sf) =	vpush v42, $0x4;
	s26 =	spop (v2sf)  }
0x1f7: {  	s7 =	sadd.f32 s2, s28;
	(v2sf) =	vpush v42, $0x5;
	s6 =	spop (v2sf)  }
0x1f8: {  	[dreg:$0x7] =	wrdreg s0;
	(v2sf) =	vpush v42, $0x6;
	s2 =	spop (v2sf)  }
0x1f9: {  	s0 =	sadd.f32 s29, s5;
	(v2sf) =	vpush v42, $0x7;
	s25 =	spop (v2sf)  }
0x1fa: {  	s11 =	sadd.f32 s11, s12;
	(v2sf) =	vpush v42, $0x8;
	s3 =	spop (v2sf)  }
0x1fb: {  	s30 =	sadd.f32 s0, s24;
	(v2sf) =	vpush v42, $0x9;
	s12 =	spop (v2sf)  }
0x1fc: {  	s1 =	sadd.f32 s11, s1;
	(v2sf) =	vpush v42, $0xA;
	s5 =	spop (v2sf)  }
0x1fd: {  	v43 =	vld [tilespmem:$0xD00];
	s11 =	sadd.f32 s30, s23;
	(v2sf) =	vpush v42, $0xB;
	s4 =	spop (v2sf)  }
0x1fe: {  	s1 =	sadd.f32 s1, s9;
	(v2sf) =	vpush v42, $0xC;
	s24 =	spop (v2sf)  }
0x1ff: {  	s11 =	sadd.f32 s11, s22;
	(v2sf) =	vpush v42, $0xD;
	s0 =	spop (v2sf)  }
0x200: {  	s1 =	sadd.f32 s1, s14;
	(v2sf) =	vpush v42, $0xE;
	s9 =	spop (v2sf)  }
0x201: {  	s11 =	sadd.f32 s11, s21;
	(v2sf) =	vpush v42, $0xF;
	s28 =	spop (v2sf)  }
0x202: {  	s1 =	sadd.f32 s1, s26;
	(v2sf) =	vpush v43, $0x0;
	s30 =	spop (v2sf)  }
0x203: {  	s11 =	sadd.f32 s11, s20;
	(v2sf) =	vpush v43, $0x1;
	s29 =	spop (v2sf)  }
0x204: {  	s6 =	sadd.f32 s1, s6;
	(v2sf) =	vpush v43, $0x2;
	s26 =	spop (v2sf)  }
0x205: {  	s11 =	sadd.f32 s11, s19;
	(v2sf) =	vpush v43, $0x3;
	s1 =	spop (v2sf)  }
0x206: {  	s2 =	sadd.f32 s6, s2;
	(v2sf) =	vpush v43, $0x4;
	s31 =	spop (v2sf)  }
0x207: {  	s11 =	sadd.f32 s11, s18;
	(v2sf) =	vpush v43, $0x5;
	s23 =	spop (v2sf)  }
0x208: {  	s2 =	sadd.f32 s2, s25;
	(v2sf) =	vpush v43, $0x6;
	s22 =	spop (v2sf)  }
0x209: {  	s21 =	sadd.f32 s11, s17;
	(v2sf) =	vpush v43, $0x7;
	s25 =	spop (v2sf)  }
0x20a: {  	s2 =	sadd.f32 s2, s3;
	(v2sf) =	vpush v43, $0x8;
	s20 =	spop (v2sf)  }
0x20b: {  	s3 =	sadd.f32 s21, s16;
	(v2sf) =	vpush v43, $0x9;
	s19 =	spop (v2sf)  }
0x20c: {  	s2 =	sadd.f32 s2, s12;
	(v2sf) =	vpush v43, $0xA;
	s18 =	spop (v2sf)  }
0x20d: {  	v44 =	vld [tilespmem:$0xD10];
	s21 =	sadd.f32 s30, s28;
	(v2sf) =	vpush v43, $0xB;
	s17 =	spop (v2sf)  }
0x20e: {  	s2 =	sadd.f32 s2, s5;
	(v2sf) =	vpush v43, $0xC;
	s14 =	spop (v2sf)  }
0x20f: {  	s3 =	sadd.f32 s3, s15;
	(v2sf) =	vpush v43, $0xD;
	s12 =	spop (v2sf)  }
0x210: {  	s2 =	sadd.f32 s2, s4;
	(v2sf) =	vpush v43, $0xE;
	s11 =	spop (v2sf)  }
0x211: {  	s3 =	sadd.f32 s3, s13;
	(v2sf) =	vpush v43, $0xF;
	s5 =	spop (v2sf)  }
0x212: {  	s2 =	sadd.f32 s2, s24;
	(v2sf) =	vpush v44, $0x0;
	s15 =	spop (v2sf)  }
0x213: {  	s3 =	sadd.f32 s3, s10;
	(v2sf) =	vpush v44, $0x1;
	s13 =	spop (v2sf)  }
0x214: {  	s0 =	sadd.f32 s2, s0;
	(v2sf) =	vpush v44, $0x2;
	s6 =	spop (v2sf)  }
0x215: {  	s8 =	sadd.f32 s3, s8;
	(v2sf) =	vpush v44, $0x3;
	s2 =	spop (v2sf)  }
0x216: {  	s9 =	sadd.f32 s0, s9;
	(v2sf) =	vpush v44, $0x4;
	s3 =	spop (v2sf)  }
0x217: {  	s4 =	sadd.f32 s15, s5;
	(v2sf) =	vpush v44, $0x5;
	s0 =	spop (v2sf)  }
0x218: {  	s15 =	sadd.f32 s21, s29;
	(v2sf) =	vpush v44, $0x6;
	s16 =	spop (v2sf)  }
0x219: {  	s4 =	sadd.f32 s4, s13;
	(v2sf) =	vpush v44, $0x7;
	s24 =	spop (v2sf)  }
0x21a: {  	s15 =	sadd.f32 s15, s26;
	(v2sf) =	vpush v44, $0x8;
	s28 =	spop (v2sf)  }
0x21b: {  	s4 =	sadd.f32 s4, s6;
	(v2sf) =	vpush v44, $0x9;
	s13 =	spop (v2sf)  }
0x21c: {  	s1 =	sadd.f32 s15, s1;
	(v2sf) =	vpush v44, $0xA;
	s29 =	spop (v2sf)  }
0x21d: {  	v45 =	vld [tilespmem:$0xD20];
	s2 =	sadd.f32 s4, s2;
	(v2sf) =	vpush v44, $0xB;
	s6 =	spop (v2sf)  }
0x21e: {  	s1 =	sadd.f32 s1, s31;
	(v2sf) =	vpush v44, $0xC;
	s30 =	spop (v2sf)  }
0x21f: {  	s2 =	sadd.f32 s2, s3;
	(v2sf) =	vpush v44, $0xD;
	s4 =	spop (v2sf)  }
0x220: {  	s1 =	sadd.f32 s1, s23;
	(v2sf) =	vpush v44, $0xE;
	s31 =	spop (v2sf)  }
0x221: {  	s2 =	sadd.f32 s2, s0;
	(v2sf) =	vpush v44, $0xF;
	s3 =	spop (v2sf)  }
0x222: {  	s1 =	sadd.f32 s1, s22;
	(v2sf) =	vpush v45, $0x0;
	s15 =	spop (v2sf)  }
0x223: {  	s2 =	sadd.f32 s2, s16;
	(v2sf) =	vpush v45, $0x1;
	s21 =	spop (v2sf)  }
0x224: {  	s1 =	sadd.f32 s1, s25;
	(v2sf) =	vpush v45, $0x2;
	s0 =	spop (v2sf)  }
0x225: {  	s2 =	sadd.f32 s2, s24;
	(v2sf) =	vpush v45, $0x3;
	s26 =	spop (v2sf)  }
0x226: {  	s1 =	sadd.f32 s1, s20;
	(v2sf) =	vpush v45, $0x4;
	s25 =	spop (v2sf)  }
0x227: {  	s5 =	sadd.f32 s2, s28;
	(v2sf) =	vpush v45, $0x5;
	s24 =	spop (v2sf)  }
0x228: {  	s1 =	sadd.f32 s1, s19;
	(v2sf) =	vpush v45, $0x6;
	s23 =	spop (v2sf)  }
0x229: {  	s3 =	sadd.f32 s15, s3;
	(v2sf) =	vpush v45, $0x7;
	s22 =	spop (v2sf)  }
0x22a: {  	s5 =	sadd.f32 s5, s13;
	(v2sf) =	vpush v45, $0x8;
	s2 =	spop (v2sf)  }
0x22b: {  	s1 =	sadd.f32 s1, s18;
	(v2sf) =	vpush v45, $0x9;
	s20 =	spop (v2sf)  }
0x22c: {  	s3 =	sadd.f32 s3, s21;
	(v2sf) =	vpush v45, $0xA;
	s19 =	spop (v2sf)  }
0x22d: {  	v46 =	vld [tilespmem:$0xD30];
	s5 =	sadd.f32 s5, s29;
	(v2sf) =	vpush v45, $0xB;
	s18 =	spop (v2sf)  }
0x22e: {  	s28 =	sadd.f32 s1, s17;
	(v2sf) =	vpush v45, $0xC;
	s16 =	spop (v2sf)  }
0x22f: {  	s5 =	sadd.f32 s5, s6;
	(v2sf) =	vpush v45, $0xD;
	s6 =	spop (v2sf)  }
0x230: {  	s0 =	sadd.f32 s3, s0;
	(v2sf) =	vpush v45, $0xE;
	s13 =	spop (v2sf)  }
0x231: {  	s29 =	sadd.f32 s28, s14;
	(v2sf) =	vpush v45, $0xF;
	s14 =	spop (v2sf)  }
0x232: {  	s5 =	sadd.f32 s5, s30;
	(v2sf) =	vpush v46, $0x0;
	s1 =	spop (v2sf)  }
0x233: {  	s10 =	sadd.f32 s29, s12;
	(v2sf) =	vpush v46, $0x1;
	s17 =	spop (v2sf)  }
0x234: {  	s4 =	sadd.f32 s5, s4;
	(v2sf) =	vpush v46, $0x2;
	s28 =	spop (v2sf)  }
0x235: {  	s10 =	sadd.f32 s10, s11;
	(v2sf) =	vpush v46, $0x3;
	s29 =	spop (v2sf)  }
0x236: {  	s12 =	sadd.f32 s1, s14;
	(v2sf) =	vpush v46, $0x4;
	s30 =	spop (v2sf)  }
0x237: {  	s11 =	sadd.f32 s4, s31;
	(v2sf) =	vpush v46, $0x5;
	s31 =	spop (v2sf)  }
0x238: {  	s5 =	sadd.f32 s12, s17;
	(v2sf) =	vpush v46, $0x6;
	s1 =	spop (v2sf)  }
0x239: {  	s0 =	sadd.f32 s0, s26;
	(v2sf) =	vpush v46, $0x7;
	s12 =	spop (v2sf)  }
0x23a: {  	s5 =	sadd.f32 s5, s28;
	(v2sf) =	vpush v46, $0x8;
	s3 =	spop (v2sf)  }
0x23b: {  	s0 =	sadd.f32 s0, s25;
	(v2sf) =	vpush v46, $0x9;
	s17 =	spop (v2sf)  }
0x23c: {  	s4 =	sadd.f32 s5, s29;
	(v2sf) =	vpush v46, $0xA;
	s26 =	spop (v2sf)  }
0x23d: {  	v47 =	vld [tilespmem:$0xD40];
	s0 =	sadd.f32 s0, s24;
	(v2sf) =	vpush v46, $0xB;
	s5 =	spop (v2sf)  }
0x23e: {  	s4 =	sadd.f32 s4, s30;
	(v2sf) =	vpush v46, $0xC;
	s25 =	spop (v2sf)  }
0x23f: {  	s0 =	sadd.f32 s0, s23;
	(v2sf) =	vpush v46, $0xD;
	s15 =	spop (v2sf)  }
0x240: {  	s4 =	sadd.f32 s4, s31;
	(v2sf) =	vpush v46, $0xE;
	s28 =	spop (v2sf)  }
0x241: {  	s0 =	sadd.f32 s0, s22;
	(v2sf) =	vpush v46, $0xF;
	s29 =	spop (v2sf)  }
0x242: {  	s4 =	sadd.f32 s4, s1;
	(v2sf) =	vpush v47, $0x0;
	s30 =	spop (v2sf)  }
0x243: {  	s2 =	sadd.f32 s0, s2;
	(v2sf) =	vpush v47, $0x1;
	s31 =	spop (v2sf)  }
0x244: {  	s4 =	sadd.f32 s4, s12;
	s1 =	spop (v2sf)  }
0x245: {  	s2 =	sadd.f32 s2, s20;
	(v2sf) =	vpush v47, $0x2;
	s12 =	spop (v2sf)  }
0x246: {  	s3 =	sadd.f32 s4, s3;
	s0 =	spop (v2sf)  }
0x247: {  	s2 =	sadd.f32 s2, s19;
	(v2sf) =	vpush v47, $0x3;
	s24 =	spop (v2sf)  }
0x248: {  	s3 =	sadd.f32 s3, s17;
	(v2sf) =	vpush v47, $0x4;
	s23 =	spop (v2sf)  }
0x249: {  	s2 =	sadd.f32 s2, s18;
	(v2sf) =	vpush v47, $0x5;
	s22 =	spop (v2sf)  }
0x24a: {  	s3 =	sadd.f32 s3, s26;
	(v2sf) =	vpush v47, $0x6;
	s21 =	spop (v2sf)  }
0x24b: {  	s2 =	sadd.f32 s2, s16;
	(v2sf) =	vpush v47, $0x7;
	s20 =	spop (v2sf)  }
0x24c: {  	s3 =	sadd.f32 s3, s5;
	(v2sf) =	vpush v47, $0x8;
	s19 =	spop (v2sf)  }
0x24d: {  	s2 =	sadd.f32 s2, s6;
	(v2sf) =	vpush v47, $0x9;
	s18 =	spop (v2sf)  }
0x24e: {  	s3 =	sadd.f32 s3, s25;
	(v2sf) =	vpush v47, $0xA;
	s17 =	spop (v2sf)  }
0x24f: {  	v48 =	vld [tilespmem:$0xD50];
	s13 =	sadd.f32 s2, s13;
	(v2sf) =	vpush v47, $0xB;
	s16 =	spop (v2sf)  }
0x250: {  	s3 =	sadd.f32 s3, s15;
	(v2sf) =	vpush v47, $0xC;
	s14 =	spop (v2sf)  }
0x251: {  	s25 =	sadd.f32 s30, s29;
	(v2sf) =	vpush v47, $0xD;
	s5 =	spop (v2sf)  }
0x252: {  	s2 =	sadd.f32 s3, s28;
	(v2sf) =	vpush v47, $0xE;
	s6 =	spop (v2sf)  }
0x253: {  	(v2sf) =	vpush v47, $0xF;
	s4 =	sadd.f32 s6, s5  }
0x254: {  	(v2sf) =	vpush v48, $0x0;
	s15 =	spop (v2sf);
	s6 =	sadd.f32 s25, s31  }
0x255: {  	(v2sf) =	vpush v48, $0x1;
	s3 =	sadd.f32 s4, s15  }
0x256: {  	(v2sf) =	vpush v48, $0x2;
	s26 =	spop (v2sf);
	s1 =	sadd.f32 s6, s1  }
0x257: {  	(v2sf) =	vpush v48, $0x3;
	s30 =	spop (v2sf);
	s3 =	sadd.f32 s3, s26  }
0x258: {  	(v2sf) =	vpush v48, $0x4;
	s31 =	spop (v2sf);
	s1 =	sadd.f32 s1, s12  }
0x259: {  	(v2sf) =	vpush v48, $0x5;
	s28 =	spop (v2sf);
	s3 =	sadd.f32 s3, s30  }
0x25a: {  	(v2sf) =	vpush v48, $0x6;
	s29 =	spop (v2sf);
	s0 =	sadd.f32 s1, s0  }
0x25b: {  	(v2sf) =	vpush v48, $0x7;
	s26 =	spop (v2sf);
	s3 =	sadd.f32 s3, s31  }
0x25c: {  	(v2sf) =	vpush v48, $0x8;
	s12 =	spop (v2sf);
	s0 =	sadd.f32 s0, s24  }
0x25d: {  	(v2sf) =	vpush v48, $0x9;
	s5 =	spop (v2sf);
	s3 =	sadd.f32 s3, s28  }
0x25e: {  	(v2sf) =	vpush v48, $0xA;
	s1 =	spop (v2sf);
	s0 =	sadd.f32 s0, s23  }
0x25f: {  	v49 =	vld [tilespmem:$0xD60];
	(v2sf) =	vpush v48, $0xB;
	s30 =	spop (v2sf);
	s3 =	sadd.f32 s3, s29  }
0x260: {  	(v2sf) =	vpush v48, $0xC;
	s31 =	spop (v2sf);
	s0 =	sadd.f32 s0, s22  }
0x261: {  	(v2sf) =	vpush v48, $0xD;
	s4 =	spop (v2sf);
	s3 =	sadd.f32 s3, s26  }
0x262: {  	(v2sf) =	vpush v48, $0xE;
	s28 =	spop (v2sf);
	s0 =	sadd.f32 s0, s21  }
0x263: {  	(v2sf) =	vpush v48, $0xF;
	s6 =	spop (v2sf);
	s3 =	sadd.f32 s3, s12  }
0x264: {  	(v2sf) =	vpush v49, $0x0;
	s29 =	spop (v2sf);
	s0 =	sadd.f32 s0, s20  }
0x265: {  	(v2sf) =	vpush v49, $0x1;
	s26 =	spop (v2sf);
	s6 =	sadd.f32 s29, s6  }
0x266: {  	s21 =	spop (v2sf);
	s3 =	sadd.f32 s3, s5  }
0x267: {  	(v2sf) =	vpush v49, $0x2;
	s12 =	spop (v2sf);
	s0 =	sadd.f32 s0, s19  }
0x268: {  	s6 =	sadd.f32 s6, s26;
	s20 =	spop (v2sf)  }
0x269: {  	(v2sf) =	vpush v49, $0x3;
	s5 =	spop (v2sf);
	s1 =	sadd.f32 s3, s1  }
0x26a: {  	s0 =	sadd.f32 s0, s18;
	s19 =	spop (v2sf)  }
0x26b: {  	(v2sf) =	vpush v49, $0x4;
	s6 =	sadd.f32 s6, s21;
	s3 =	spop (v2sf)  }
0x26c: {  	s30 =	sadd.f32 s1, s30;
	s18 =	spop (v2sf)  }
0x26d: {  	(v2sf) =	vpush v49, $0x5;
	s17 =	sadd.f32 s0, s17;
	s25 =	spop (v2sf)  }
0x26e: {  	s6 =	sadd.f32 s6, s12;
	s1 =	spop (v2sf)  }
0x26f: {  	(v2sf) =	vpush v49, $0x6;
	s15 =	sadd.f32 s30, s31;
	s0 =	spop (v2sf)  }
0x270: {  	s31 =	sadd.f32 s17, s16;
	s17 =	spop (v2sf)  }
0x271: {  	(v2sf) =	vpush v49, $0x7;
	s4 =	sadd.f32 s15, s4;
	s16 =	spop (v2sf)  }
0x272: {  	s6 =	sadd.f32 s6, s20;
	s15 =	spop (v2sf)  }
0x273: {  	(v2sf) =	vpush v49, $0x8;
	s4 =	sadd.f32 s4, s28;
	s28 =	spop (v2sf)  }
0x274: {  	s20 =	rddreg [dreg:$0x5];
	s29 =	spop (v2sf)  }
0x275: {  	(v2sf) =	vpush v49, $0x9;
	s22 =	sadd.f32 s29, s28  }
0x276: {  	s14 =	sadd.f32 s31, s14;
	s30 =	spop (v2sf)  }
0x277: {  	(v2sf) =	vpush v49, $0xA;
	s22 =	sadd.f32 s22, s30  }
0x278: {  	s5 =	sadd.f32 s6, s5;
	s31 =	spop (v2sf)  }
0x279: {  	(v2sf) =	vpush v49, $0xB;
	s21 =	sadd.f32 s22, s31  }
0x27a: {  	s5 =	sadd.f32 s5, s19;
	s23 =	spop (v2sf)  }
0x27b: {  	(v2sf) =	vpush v49, $0xC;
	s12 =	sadd.f32 s21, s23  }
0x27c: {  	s3 =	sadd.f32 s5, s3;
	s24 =	spop (v2sf)  }
0x27d: {  	(v2sf) =	vpush v49, $0xD;
	s12 =	sadd.f32 s12, s24  }
0x27e: {  	s3 =	sadd.f32 s3, s18;
	s26 =	spop (v2sf)  }
0x27f: {  	(v2sf) =	vpush v49, $0xE;
	s6 =	sadd.f32 s12, s26  }
0x280: {  	s30 =	rddreg [dreg:$0x4];
	s28 =	spop (v2sf)  }
0x281: {  	(v2sf) =	vpush v49, $0xF;
	s6 =	sadd.f32 s6, s28  }
0x282: {  	s3 =	sadd.f32 s3, s25;
	s29 =	spop (v2sf)  }
0x283: {  	vm0 =	vcmask $0x300;
	v50 =	vmov s30;
	s5 =	sadd.f32 s6, s29  }
0x284: {  	vm2 =	vcmask $0x704;
	v8 =	vnsel vm0, $0x0, v50;
	s1 =	sadd.f32 s3, s1;
	s31 =	spop (v2sf)  }
0x285: {  	vm1 =	vcmask $0xB08;
	v8 =	vsel vm2, s7, v8;
	s5 =	sadd.f32 s5, s31  }
0x286: {  	vm3 =	vcmask $0xF0C;
	s22 =	rddreg [dreg:$0x6];
	v8 =	vsel vm1, s9, v8;
	s12 =	spop (v2sf)  }
0x287: {  	vm4 =	vcmask $0x1310;
	v7 =	vadd.f32 $0.0e+00, v28;
	v8 =	vsel vm3, s13, v8;
	s5 =	sadd.f32 s5, s12  }
0x288: {  	s0 =	sadd.f32 s1, s0;
	v8 =	vsel vm4, s4, v8;
	s13 =	spop (v2sf)  }
0x289: {  	v6 =	vadd.f32 v29, v7;
	v51 =	vmax.f32 v8, $1.000000000e+00;
	s3 =	sadd.f32 s5, s13  }
0x28a: {  	s23 =	rddreg [dreg:$0x7];
	(erf) = vrcp.f32 v51;
	s18 =	spop (v2sf)  }
0x28b: {  	v5 =	vadd.f32 v30, v6;
	s1 =	sadd.f32 s3, s18  }
0x28c: {  	s0 =	sadd.f32 s0, s17;
	s19 =	spop (v2sf)  }
0x28d: {  	v4 =	vadd.f32 v31, v5;
	s1 =	sadd.f32 s1, s19  }
0x28e: {  	v52 =	vmov s20;
	v53 =	vmov s22;
	s0 =	sadd.f32 s0, s16;
	s21 =	spop (v2sf)  }
0x28f: {  	v3 =	vadd.f32 v32, v4;
	v54 =	vnsel vm0, $0x0, v52;
	v55 =	vnsel vm0, $0x0, v53;
	s1 =	sadd.f32 s1, s21  }
0x290: {  	v4 =	vsel vm2, s23, v54;
	v5 =	vsel vm2, s8, v55;
	s0 =	sadd.f32 s0, s15;
	s24 =	spop (v2sf)  }
0x291: {  	v2 =	vadd.f32 v33, v3;
	v56 =	vsel vm1, s10, v4;
	v57 =	vsel vm1, s11, v5;
	s1 =	sadd.f32 s1, s24  }
0x292: {  	v3 =	vsel vm3, s2, v56;
	v4 =	vsel vm3, s14, v57  }
0x293: {  	v1 =	vadd.f32 v34, v2;
	v58 =	vsel vm4, s0, v3;
	v60 =	vpop (erf);
	v59 =	vsel vm4, s1, v4  }
0x294: {  	v2 =	vmul.f32 v60, v58;
	v3 =	vmul.f32 v60, v59  }
0x295: {  	v0 =	vadd.f32 v35, v1  }
0x296: {  	v61 =	vsub.f32 v3, v2  }
0x297: {  	v62 =	vmul.f32 $6.103515910e-08, v0  }
0x298: {  	v1 =	vand.u32 $0x7FFFFFFF, v61  }
0x299: {  	v1 =	vmul.f32 v1, v62  }
0x29a: {  	vm15 =	vgt.f32 v0, $0.0e+00  }
0x29b: {  	v0 =	vnsel vm15, $0x0, v1  }
0x29c: {  	(v2sf) =	vpush v0, $0x0  }
0x29d: {  	(v2sf) =	vpush v0, $0x1;
	_ =	sdelay $0x1  }
0x29e: {  	(v2sf) =	vpush v0, $0x2;
	_ =	sdelay $0x1  }
0x29f: {  	(v2sf) =	vpush v0, $0x3;
	_ =	sdelay $0x1  }
0x2a0: {  	(v2sf) =	vpush v0, $0x4;
	_ =	sdelay $0x7  }
0x2a1: {  	s25 =	spop (v2sf)  }
0x2a2: {  	s26 =	spop (v2sf)  }
0x2a3: {  	s0 =	sadd.f32 s26, s25  }
0x2a4: {  	s28 =	spop (v2sf)  }
0x2a5: {  	s0 =	sadd.f32 s0, s28  }
0x2a6: {  	s29 =	spop (v2sf)  }
0x2a7: {  	s0 =	sadd.f32 s0, s29  }
0x2a8: {  	s30 =	spop (v2sf)  }
0x2a9: {  	s0 =	sadd.f32 s0, s30;
	_ =	sdelay $0x1  }
0x2aa: {  	v63 =	vmov s0  }
0x2ab: {  	s31 =	stileid.u32;
	v0 =	vnsel vm0, $0x0, v63  }
0x2ac: {  	p0 =	sne.s32 s31, $0x0;
	[tilespmem:$0x1D80] =	vst v0  }
0x2ad: {  	_ =	sfence.sel @p0 $0x180000  }
0x2ae: {  	[bflag:$0x0] =	sbarrier.arrive @p0 $0xFFFF  }
0x2af: {  	_ =	strace @p0 $0x90000047  }
0x2b0: {  	[bflag:$0x2] =	sbarrier.arrive @p0 $0xFFFF  }
0x2b1: {  	s1 =	simm.s32 @!p0 $0x1D80;
	s0 =	simm.s32 @!p0 $0x0;
	s2 =	rddreg [dreg:$0x1]  }
0x2b2: {  	[hbm4b:s2+s0] =	stream.linear.scatter @!p0 [tilespmem:s1], [sflag:$0x1], $0x80, $0x38;
	[tilespmem:$0x1F00] =	vst v63  }
0x2b3: {  	s0 =	simm.s32 @!p0 $0x1  }
0x2b4: {  	_ =	swait.ge @!p0 [sflag:s0], $0x80  }
0x2b5: {  	[sflag:s0] =	ssyncset.done @!p0 $0x0  }
0x2b6: {  	[sflag:s0] =	ssyncadd.s32 @!p0 $0xFFFFFF80  }
0x2b7: {  	_ =	sfence.sel @!p0 $0x180000  }
0x2b8: {  	[bflag:$0x0] =	sbarrier.arrive @!p0 $0xFFFF  }
0x2b9: {  	_ =	strace @!p0 $0x90000047  }
0x2ba: {  	[bflag:$0x2] =	sbarrier.arrive @!p0 $0xFFFF  }
0x2bb: {  	s0 =	rddreg [dreg:$0x3]  }
0x2bc: {  	s0 =	sadd.s32 @!p0 $0x100000, s0  }
0x2bd: {  	[sflag:s0] =	ssyncadd.tile.s32 @!p0 $0x1;
	_ =	shalt  }
.Lfunc_end2:
_tile_overlayer_lowered:
.L_overlay_start_2:
0x2be: {  	(tag) =	ssettag $0x2  }
0x2bf: {  	s0 =	rddreg [dreg:$0x0];
	s2 =	stileid.u32  }
0x2c0: {  	s1 =	rddreg [dreg:$0x1];
	p0 =	sne.s32 s2, $0x0  }
0x2c1: {  	s3 =	rddreg [dreg:$0x2];
	[bflag:$0x3] =	sbarrier.arrive $0xFFFF;
	s2 =	simm.s32 @!p0 $0x1C01  }
0x2c2: {  	[timem:s3], [sflag:s2] =	dma.local @!p0 [hbm:s0], s1  }
0x2c3: {  	s0 =	simm.s32 @!p0 $0x1  }
0x2c4: {  	_ =	swait.ge @!p0 [sflag:s0], s1  }
0x2c5: {  	s1 =	ssub.s32 @!p0 $0x0, s1;
	[sflag:s0] =	ssyncset.done @!p0 $0x0  }
0x2c6: {  	[sflag:s0] =	ssyncadd.s32 @!p0 s1  }
0x2c7: {  	[bflag:$0x3] =	sbarrier.arrive $0xFFFF  }
0x2c8: {  	_ =	shalt  }

</sc_bundles>
